<compile_context>
chip_gen: v7x
topology: tpu7x:2x2x1
jax: 0.10.2.dev20260603
libtpu: 0.0.44.dev20260713+nightly
codegen_flags: <defaults>
</compile_context>

<pallas_src>
import functools
import math

import jax
import jax.numpy as jnp
from jax import lax
from jax.experimental import pallas as pl
from jax.experimental.pallas import tpu as pltpu
from jax.experimental.pallas import tpu_sc as plsc

B = 2
S = 2048
D = 1024
H = 16
DH = 64
POOL = 512
TOPK = 128

BLK_S = 512
BLK_Q = 512
BLK_K = 512


_N_WORKERS = 32
_RPW = (B * TOPK) // _N_WORKERS


def _sc_gather_kernel(tqk, tv, trel, tval, iqk, iv, iq, ik, iv2,
                      oqk, ov, oq, ok, ov2, idx_v, rows_v, sem):
    wid = lax.axis_index("s") * 2 + lax.axis_index("c")
    base = wid * _RPW
    for tab, idx_hbm, out_hbm in ((tqk, iqk, oqk), (tv, iv, ov),
                                  (trel, iq, oq), (trel, ik, ok),
                                  (tval, iv2, ov2)):
        pltpu.sync_copy(idx_hbm.at[pl.ds(base, _RPW)], idx_v)
        pltpu.async_copy(tab.at[idx_v], rows_v, sem).wait()
        pltpu.sync_copy(rows_v, out_hbm.at[pl.ds(base, _RPW)])


def _qkv_proj_kernel(x_ref, aqk_ref, av_ref, rq_ref, rk_ref, rv_ref,
                     cq_ref, ck_ref, cv_ref, q_ref, k_ref, v_ref):
    x = x_ref[0]
    h_qk = jax.lax.dot_general(x, aqk_ref[0], (((1,), (1,)), ((), ())),
                               preferred_element_type=jnp.float32)
    h_v = jax.lax.dot_general(x, av_ref[0], (((1,), (1,)), ((), ())),
                              preferred_element_type=jnp.float32)
    q_ref[0] = jnp.dot(h_qk * cq_ref[0], rq_ref[0],
                       preferred_element_type=jnp.float32).astype(jnp.bfloat16)
    k_ref[0] = jnp.dot(h_qk * ck_ref[0], rk_ref[0],
                       preferred_element_type=jnp.float32).astype(jnp.bfloat16)
    v_ref[0] = jnp.dot(h_v * cv_ref[0], rv_ref[0],
                       preferred_element_type=jnp.float32).astype(jnp.bfloat16)


def _flash_kernel(q_ref, k_ref, v_ref, o_ref, s_scr):
    i = pl.program_id(1)
    tri = (jax.lax.broadcasted_iota(jnp.int32, (BLK_Q, BLK_K), 1) <=
           jax.lax.broadcasted_iota(jnp.int32, (BLK_Q, BLK_K), 0))

    for h in range(H):
        hs = slice(h * DH, (h + 1) * DH)
        scr = s_scr
        qh = q_ref[0, :, hs]

        def p1(j, m, qh=qh, hs=hs, scr=scr):
            s = jax.lax.dot_general(qh, k_ref[0, pl.ds(j * BLK_K, BLK_K), hs],
                                    (((1,), (1,)), ((), ())),
                                    preferred_element_type=jnp.float32)
            scr[:, pl.ds(j * BLK_K, BLK_K)] = s
            return jnp.maximum(m, jnp.max(s, axis=1, keepdims=True))

        m = jax.lax.fori_loop(0, i, p1,
                              jnp.full((BLK_Q, 1), -jnp.inf, jnp.float32))
        s = jax.lax.dot_general(qh, k_ref[0, pl.ds(i * BLK_K, BLK_K), hs],
                                (((1,), (1,)), ((), ())),
                                preferred_element_type=jnp.float32)
        s = jnp.where(tri, s, -1e30)
        scr[:, pl.ds(i * BLK_K, BLK_K)] = s
        m = jnp.maximum(m, jnp.max(s, axis=1, keepdims=True))

        def p2(j, carry, m=m, hs=hs, scr=scr):
            acc, l = carry
            p = jnp.exp(scr[:, pl.ds(j * BLK_K, BLK_K)] - m)
            l = l + jnp.sum(p, axis=1, keepdims=True)
            acc = acc + jnp.dot(p.astype(jnp.bfloat16),
                                v_ref[0, pl.ds(j * BLK_K, BLK_K), hs],
                                preferred_element_type=jnp.float32)
            return acc, l

        acc, l = jax.lax.fori_loop(0, i + 1, p2,
                                   (jnp.zeros((BLK_Q, DH), jnp.float32),
                                    jnp.zeros((BLK_Q, 1), jnp.float32)))
        o_ref[0, :, hs] = acc / l


def _out_proj_kernel(a_ref, w_ref, o_ref):
    o_ref[0] = jax.lax.dot_general(a_ref[0], w_ref[:], (((1,), (1,)), ((), ())),
                                   preferred_element_type=jnp.float32)


def kernel(x, idx_qk, idx_v, idx_q, idx_k, idx_v2,
           soft_qk, soft_v, soft_q, soft_k, soft_v2,
           feature_qk_neurons, feature_v_neurons, relational_neurons,
           value_neurons, W_O):
    gather = functools.partial(
        pl.kernel,
        mesh=plsc.VectorSubcoreMesh(core_axis_name="c", subcore_axis_name="s"),
        out_type=[jax.ShapeDtypeStruct((B * TOPK, D), jnp.float32)] * 5,
        scratch_types=[pltpu.VMEM((_RPW,), jnp.int32),
                       pltpu.VMEM((_RPW, D), jnp.float32),
                       pltpu.SemaphoreType.DMA],
    )(_sc_gather_kernel)
    a_qk, a_v, r_q, r_k, r_v = gather(
        feature_qk_neurons, feature_v_neurons, relational_neurons,
        value_neurons, idx_qk.reshape(-1), idx_v.reshape(-1),
        idx_q.reshape(-1), idx_k.reshape(-1), idx_v2.reshape(-1))
    a_qk = a_qk.reshape(B, TOPK, D)
    a_v = a_v.reshape(B, TOPK, D)
    r_q = r_q.reshape(B, TOPK, D)
    r_k = r_k.reshape(B, TOPK, D)
    r_v = r_v.reshape(B, TOPK, D)

    scale = 1.0 / math.sqrt(DH)
    c_q = (soft_qk * soft_q)[:, None, :]
    c_k = (soft_qk * soft_k * scale)[:, None, :]
    c_v = (soft_v * soft_v2)[:, None, :]

    n_s = S // BLK_S
    fac_spec = pl.BlockSpec((1, TOPK, D), lambda b, i: (b, 0, 0))
    seq_spec = pl.BlockSpec((1, BLK_S, D), lambda b, i: (b, i, 0))
    cs_spec = pl.BlockSpec((1, 1, TOPK), lambda b, i: (b, 0, 0))
    q, k, v = pl.pallas_call(
        _qkv_proj_kernel,
        grid=(B, n_s),
        in_specs=[seq_spec, fac_spec, fac_spec, fac_spec, fac_spec, fac_spec,
                  cs_spec, cs_spec, cs_spec],
        out_specs=[seq_spec, seq_spec, seq_spec],
        out_shape=[jax.ShapeDtypeStruct((B, S, D), jnp.bfloat16)] * 3,
    )(x, a_qk, a_v, r_q, r_k, r_v, c_q, c_k, c_v)

    n_q = S // BLK_Q
    attn = pl.pallas_call(
        _flash_kernel,
        grid=(B, n_q),
        in_specs=[
            pl.BlockSpec((1, BLK_Q, D), lambda b, i: (b, i, 0)),
            pl.BlockSpec((1, S, D), lambda b, i: (b, 0, 0)),
            pl.BlockSpec((1, S, D), lambda b, i: (b, 0, 0)),
        ],
        out_specs=pl.BlockSpec((1, BLK_Q, D), lambda b, i: (b, i, 0)),
        out_shape=jax.ShapeDtypeStruct((B, S, D), jnp.float32),
        scratch_shapes=[pltpu.VMEM((BLK_Q, S), jnp.float32)],
    )(q, k, v)

    out = pl.pallas_call(
        _out_proj_kernel,
        grid=(B, n_s),
        in_specs=[seq_spec, pl.BlockSpec((D, D), lambda b, i: (0, 0))],
        out_specs=seq_spec,
        out_shape=jax.ShapeDtypeStruct((B, S, D), jnp.float32),
    )(attn, W_O)
    return out

# --- scband reference (transcript-rebuilt; emitter-appended) ---
"""Pipeline reference for scband-neuron-circuit-31035433681147 (READ-ONLY COPY).

The authoritative reference and input builder live on the scoring server;
editing this copy changes nothing except your own understanding.
"""

import jax, jax.numpy as jnp
import numpy as np

B = 2
S = 2048
D_MODEL = 1024
N_HEADS = 16
POOL = 512
TOPK = 128


def setup_inputs(seed: int = 0) -> dict:
    key = jax.random.key(seed)
    ks = jax.random.split(key, 16)
    x = jax.random.normal(ks[0], (B, S, D_MODEL), dtype=jnp.float32)
    idx_qk = jax.random.randint(ks[1], (B, TOPK), 0, POOL)
    idx_v = jax.random.randint(ks[2], (B, TOPK), 0, POOL)
    idx_q = jax.random.randint(ks[3], (B, TOPK), 0, POOL)
    idx_k = jax.random.randint(ks[4], (B, TOPK), 0, POOL)
    idx_v2 = jax.random.randint(ks[5], (B, TOPK), 0, POOL)
    soft_qk = jax.random.uniform(ks[6], (B, TOPK), dtype=jnp.float32)
    soft_v = jax.random.uniform(ks[7], (B, TOPK), dtype=jnp.float32)
    soft_q = jax.random.uniform(ks[8], (B, TOPK), dtype=jnp.float32)
    soft_k = jax.random.uniform(ks[9], (B, TOPK), dtype=jnp.float32)
    soft_v2 = jax.random.uniform(ks[10], (B, TOPK), dtype=jnp.float32)
    feature_qk_neurons = jax.random.normal(ks[11], (POOL, D_MODEL), dtype=jnp.float32) * 0.02
    feature_v_neurons = jax.random.normal(ks[12], (POOL, D_MODEL), dtype=jnp.float32) * 0.02
    relational_neurons = jax.random.normal(ks[13], (POOL, D_MODEL), dtype=jnp.float32) * 0.02
    value_neurons = jax.random.normal(ks[14], (POOL, D_MODEL), dtype=jnp.float32) * 0.02
    W_O = jax.random.normal(ks[15], (D_MODEL, D_MODEL), dtype=jnp.float32) * (1.0 / np.sqrt(D_MODEL))
    return {
        "x": x,
        "idx_qk": idx_qk, "idx_v": idx_v, "idx_q": idx_q, "idx_k": idx_k, "idx_v2": idx_v2,
        "soft_qk": soft_qk, "soft_v": soft_v, "soft_q": soft_q, "soft_k": soft_k, "soft_v2": soft_v2,
        "feature_qk_neurons": feature_qk_neurons,
        "feature_v_neurons": feature_v_neurons,
        "relational_neurons": relational_neurons,
        "value_neurons": value_neurons,
        "W_O": W_O,
    }


def _causal_attention(Q, K, V):
    d_head = D_MODEL // N_HEADS
    Qh = Q.reshape(B, S, N_HEADS, d_head).transpose(0, 2, 1, 3)
    Kh = K.reshape(B, S, N_HEADS, d_head).transpose(0, 2, 1, 3)
    Vh = V.reshape(B, S, N_HEADS, d_head).transpose(0, 2, 1, 3)
    scores = jnp.einsum('bhqd,bhkd->bhqk', Qh, Kh) / np.sqrt(d_head)
    mask = jnp.triu(jnp.ones((S, S), dtype=bool), k=1)
    scores = jnp.where(mask[None, None, :, :], jnp.float32(-1e30), scores)
    attn = jax.nn.softmax(scores, axis=-1)
    out = jnp.einsum('bhqk,bhkd->bhqd', attn, Vh)
    return out.transpose(0, 2, 1, 3).reshape(B, S, D_MODEL)


def reference(x, idx_qk, idx_v, idx_q, idx_k, idx_v2,
              soft_qk, soft_v, soft_q, soft_k, soft_v2,
              feature_qk_neurons, feature_v_neurons, relational_neurons, value_neurons, W_O):
    # Compression: gather selected neuron vectors, project x down
    selected_qk = feature_qk_neurons[idx_qk]            # [B, TOPK, D]
    h_qk = jnp.einsum('bsd,bkd->bsk', x, selected_qk)   # [B, S, TOPK]
    h_qk = h_qk * soft_qk[:, None, :]
    selected_v = feature_v_neurons[idx_v]
    h_v = jnp.einsum('bsd,bkd->bsk', x, selected_v)
    h_v = h_v * soft_v[:, None, :]
    # Expansion via shared relational / value neurons
    selected_rel_q = relational_neurons[idx_q]
    Q = jnp.einsum('bsr,brd->bsd', h_qk * soft_q[:, None, :], selected_rel_q)
    selected_rel_k = relational_neurons[idx_k]
    K = jnp.einsum('bsr,brd->bsd', h_qk * soft_k[:, None, :], selected_rel_k)
    selected_val = value_neurons[idx_v2]
    V = jnp.einsum('bsr,brd->bsd', h_v * soft_v2[:, None, :], selected_val)
    attn_out = _causal_attention(Q, K, V)
    output = attn_out @ W_O.T
    return output

if __name__ == "__main__":
    import jax
    _d = setup_inputs()
    print(jax.jit(kernel)(*tuple(_d.values())))

</pallas_src>

<mosaic_0001>
#map = affine_map<(d0, d1) -> (0, 0)>
#map1 = affine_map<(d0, d1) -> (0)>
module attributes {stable_mosaic.version = 14 : i64} {
  func.func @_sc_gather_kernel(%arg0: i32, %arg1: i32, %arg2: memref<512x1024xf32, #tpu.memory_space<hbm>>, %arg3: memref<512x1024xf32, #tpu.memory_space<hbm>>, %arg4: memref<512x1024xf32, #tpu.memory_space<hbm>>, %arg5: memref<512x1024xf32, #tpu.memory_space<hbm>>, %arg6: memref<256xi32, #tpu.memory_space<hbm>>, %arg7: memref<256xi32, #tpu.memory_space<hbm>>, %arg8: memref<256xi32, #tpu.memory_space<hbm>>, %arg9: memref<256xi32, #tpu.memory_space<hbm>>, %arg10: memref<256xi32, #tpu.memory_space<hbm>>, %arg11: memref<256x1024xf32, #tpu.memory_space<hbm>>, %arg12: memref<256x1024xf32, #tpu.memory_space<hbm>>, %arg13: memref<256x1024xf32, #tpu.memory_space<hbm>>, %arg14: memref<256x1024xf32, #tpu.memory_space<hbm>>, %arg15: memref<256x1024xf32, #tpu.memory_space<hbm>>, %arg16: memref<8xi32, #tpu.memory_space<vmem>>, %arg17: memref<8x1024xf32, #tpu.memory_space<vmem>>, %arg18: memref<!tpu.dma_semaphore, #tpu.memory_space<semaphore_mem>>) attributes {dimension_semantics = [#tpu.dimension_semantics<core_parallel>, #tpu.dimension_semantics<subcore_parallel>], iteration_bounds = array<i64: 2, 16>, scalar_prefetch = 0 : i64, scratch_operands = 3 : i64, tpu.core_type = #tpu.core_type<sc_vector_subcore>, window_params = [{transform_indices = #map}, {transform_indices = #map}, {transform_indices = #map}, {transform_indices = #map}, {transform_indices = #map1}, {transform_indices = #map1}, {transform_indices = #map1}, {transform_indices = #map1}, {transform_indices = #map1}, {transform_indices = #map}, {transform_indices = #map}, {transform_indices = #map}, {transform_indices = #map}, {transform_indices = #map}]} {
    %mul3A = arith.constant 2 : i32
    %mul3A_0 = arith.muli %arg1, %mul3A : i32
    %add3A = arith.addi %mul3A_0, %arg0 : i32
    %mul3A_1 = arith.constant 8 : i32
    %mul3A_2 = arith.muli %add3A, %mul3A_1 : i32
    "tpu.region"() ({
      %run_scoped3A = tpu.sem_alloc : memref<!tpu.dma_semaphore, #tpu.memory_space<semaphore_mem>>
      %dma_start3A_31 = tpu.memref_slice %arg6[%mul3A_2] : memref<256xi32, #tpu.memory_space<hbm>> -> memref<8xi32, #tpu.memory_space<hbm>>
      %dma_start3A_32 = tpu.memref_slice %arg6[%mul3A_2] : memref<256xi32, #tpu.memory_space<hbm>> -> memref<8xi32, #tpu.memory_space<hbm>>
      tpu.enqueue_dma source(%dma_start3A_32 : memref<8xi32, #tpu.memory_space<hbm>>) target(%arg16 : memref<8xi32, #tpu.memory_space<vmem>>) target_semaphore(%run_scoped3A : memref<!tpu.dma_semaphore, #tpu.memory_space<semaphore_mem>>)
      %dma_wait3A_33 = tpu.memref_slice %arg6[%mul3A_2] : memref<256xi32, #tpu.memory_space<hbm>> -> memref<8xi32, #tpu.memory_space<hbm>>
      %dma_wait3A_34 = tpu.memref_slice %arg6[%mul3A_2] : memref<256xi32, #tpu.memory_space<hbm>> -> memref<8xi32, #tpu.memory_space<hbm>>
      tpu.wait_dma2 semaphore(%run_scoped3A : memref<!tpu.dma_semaphore, #tpu.memory_space<semaphore_mem>>) src(%dma_wait3A_34 : memref<8xi32, #tpu.memory_space<hbm>>) dst(%arg16 : memref<8xi32, #tpu.memory_space<vmem>>)
      tpu.yield
    }) : () -> ()
    %dma_start3A = arith.constant 0 : i32
    %dma_start3A_3 = arith.constant 0 : i32
    %dma_start3A_4 = tpu.memref_slice %arg2[%dma_start3A, %dma_start3A_3] : memref<512x1024xf32, #tpu.memory_space<hbm>> -> memref<512x1024xf32, #tpu.memory_space<hbm>>
    tpu.enqueue_indirect_dma source(%dma_start3A_4 : memref<512x1024xf32, #tpu.memory_space<hbm>>) target(%arg17 : memref<8x1024xf32, #tpu.memory_space<vmem>>) offsets(%arg16 : memref<8xi32, #tpu.memory_space<vmem>>) semaphore(%arg18 : memref<!tpu.dma_semaphore, #tpu.memory_space<semaphore_mem>>)
    %dma_wait3A = arith.constant 0 : i32
    %dma_wait3A_5 = arith.constant 0 : i32
    %dma_wait3A_6 = tpu.memref_slice %arg2[%dma_wait3A, %dma_wait3A_5] : memref<512x1024xf32, #tpu.memory_space<hbm>> -> memref<512x1024xf32, #tpu.memory_space<hbm>>
    tpu.wait_indirect_dma semaphore(%arg18 : memref<!tpu.dma_semaphore, #tpu.memory_space<semaphore_mem>>) src(%dma_wait3A_6 : memref<512x1024xf32, #tpu.memory_space<hbm>>) dst(%arg17 : memref<8x1024xf32, #tpu.memory_space<vmem>>)
    "tpu.region"() ({
      %run_scoped3A = tpu.sem_alloc : memref<!tpu.dma_semaphore, #tpu.memory_space<semaphore_mem>>
      %dma_start3A_31 = arith.constant 0 : i32
      %dma_start3A_32 = tpu.memref_slice %arg11[%mul3A_2, %dma_start3A_31] : memref<256x1024xf32, #tpu.memory_space<hbm>> -> memref<8x1024xf32, #tpu.memory_space<hbm>>
      %dma_start3A_33 = arith.constant 0 : i32
      %dma_start3A_34 = tpu.memref_slice %arg11[%mul3A_2, %dma_start3A_33] : memref<256x1024xf32, #tpu.memory_space<hbm>> -> memref<8x1024xf32, #tpu.memory_space<hbm>>
      tpu.enqueue_dma source(%arg17 : memref<8x1024xf32, #tpu.memory_space<vmem>>) target(%dma_start3A_34 : memref<8x1024xf32, #tpu.memory_space<hbm>>) target_semaphore(%run_scoped3A : memref<!tpu.dma_semaphore, #tpu.memory_space<semaphore_mem>>)
      %dma_wait3A_35 = arith.constant 0 : i32
      %dma_wait3A_36 = tpu.memref_slice %arg11[%mul3A_2, %dma_wait3A_35] : memref<256x1024xf32, #tpu.memory_space<hbm>> -> memref<8x1024xf32, #tpu.memory_space<hbm>>
      %dma_wait3A_37 = arith.constant 0 : i32
      %dma_wait3A_38 = tpu.memref_slice %arg11[%mul3A_2, %dma_wait3A_37] : memref<256x1024xf32, #tpu.memory_space<hbm>> -> memref<8x1024xf32, #tpu.memory_space<hbm>>
      tpu.wait_dma2 semaphore(%run_scoped3A : memref<!tpu.dma_semaphore, #tpu.memory_space<semaphore_mem>>) src(%arg17 : memref<8x1024xf32, #tpu.memory_space<vmem>>) dst(%dma_wait3A_38 : memref<8x1024xf32, #tpu.memory_space<hbm>>)
      tpu.yield
    }) : () -> ()
    "tpu.region"() ({
      %run_scoped3A = tpu.sem_alloc : memref<!tpu.dma_semaphore, #tpu.memory_space<semaphore_mem>>
      %dma_start3A_31 = tpu.memref_slice %arg7[%mul3A_2] : memref<256xi32, #tpu.memory_space<hbm>> -> memref<8xi32, #tpu.memory_space<hbm>>
      %dma_start3A_32 = tpu.memref_slice %arg7[%mul3A_2] : memref<256xi32, #tpu.memory_space<hbm>> -> memref<8xi32, #tpu.memory_space<hbm>>
      tpu.enqueue_dma source(%dma_start3A_32 : memref<8xi32, #tpu.memory_space<hbm>>) target(%arg16 : memref<8xi32, #tpu.memory_space<vmem>>) target_semaphore(%run_scoped3A : memref<!tpu.dma_semaphore, #tpu.memory_space<semaphore_mem>>)
      %dma_wait3A_33 = tpu.memref_slice %arg7[%mul3A_2] : memref<256xi32, #tpu.memory_space<hbm>> -> memref<8xi32, #tpu.memory_space<hbm>>
      %dma_wait3A_34 = tpu.memref_slice %arg7[%mul3A_2] : memref<256xi32, #tpu.memory_space<hbm>> -> memref<8xi32, #tpu.memory_space<hbm>>
      tpu.wait_dma2 semaphore(%run_scoped3A : memref<!tpu.dma_semaphore, #tpu.memory_space<semaphore_mem>>) src(%dma_wait3A_34 : memref<8xi32, #tpu.memory_space<hbm>>) dst(%arg16 : memref<8xi32, #tpu.memory_space<vmem>>)
      tpu.yield
    }) : () -> ()
    %dma_start3A_7 = arith.constant 0 : i32
    %dma_start3A_8 = arith.constant 0 : i32
    %dma_start3A_9 = tpu.memref_slice %arg3[%dma_start3A_7, %dma_start3A_8] : memref<512x1024xf32, #tpu.memory_space<hbm>> -> memref<512x1024xf32, #tpu.memory_space<hbm>>
    tpu.enqueue_indirect_dma source(%dma_start3A_9 : memref<512x1024xf32, #tpu.memory_space<hbm>>) target(%arg17 : memref<8x1024xf32, #tpu.memory_space<vmem>>) offsets(%arg16 : memref<8xi32, #tpu.memory_space<vmem>>) semaphore(%arg18 : memref<!tpu.dma_semaphore, #tpu.memory_space<semaphore_mem>>)
    %dma_wait3A_10 = arith.constant 0 : i32
    %dma_wait3A_11 = arith.constant 0 : i32
    %dma_wait3A_12 = tpu.memref_slice %arg3[%dma_wait3A_10, %dma_wait3A_11] : memref<512x1024xf32, #tpu.memory_space<hbm>> -> memref<512x1024xf32, #tpu.memory_space<hbm>>
    tpu.wait_indirect_dma semaphore(%arg18 : memref<!tpu.dma_semaphore, #tpu.memory_space<semaphore_mem>>) src(%dma_wait3A_12 : memref<512x1024xf32, #tpu.memory_space<hbm>>) dst(%arg17 : memref<8x1024xf32, #tpu.memory_space<vmem>>)
    "tpu.region"() ({
      %run_scoped3A = tpu.sem_alloc : memref<!tpu.dma_semaphore, #tpu.memory_space<semaphore_mem>>
      %dma_start3A_31 = arith.constant 0 : i32
      %dma_start3A_32 = tpu.memref_slice %arg12[%mul3A_2, %dma_start3A_31] : memref<256x1024xf32, #tpu.memory_space<hbm>> -> memref<8x1024xf32, #tpu.memory_space<hbm>>
      %dma_start3A_33 = arith.constant 0 : i32
      %dma_start3A_34 = tpu.memref_slice %arg12[%mul3A_2, %dma_start3A_33] : memref<256x1024xf32, #tpu.memory_space<hbm>> -> memref<8x1024xf32, #tpu.memory_space<hbm>>
      tpu.enqueue_dma source(%arg17 : memref<8x1024xf32, #tpu.memory_space<vmem>>) target(%dma_start3A_34 : memref<8x1024xf32, #tpu.memory_space<hbm>>) target_semaphore(%run_scoped3A : memref<!tpu.dma_semaphore, #tpu.memory_space<semaphore_mem>>)
      %dma_wait3A_35 = arith.constant 0 : i32
      %dma_wait3A_36 = tpu.memref_slice %arg12[%mul3A_2, %dma_wait3A_35] : memref<256x1024xf32, #tpu.memory_space<hbm>> -> memref<8x1024xf32, #tpu.memory_space<hbm>>
      %dma_wait3A_37 = arith.constant 0 : i32
      %dma_wait3A_38 = tpu.memref_slice %arg12[%mul3A_2, %dma_wait3A_37] : memref<256x1024xf32, #tpu.memory_space<hbm>> -> memref<8x1024xf32, #tpu.memory_space<hbm>>
      tpu.wait_dma2 semaphore(%run_scoped3A : memref<!tpu.dma_semaphore, #tpu.memory_space<semaphore_mem>>) src(%arg17 : memref<8x1024xf32, #tpu.memory_space<vmem>>) dst(%dma_wait3A_38 : memref<8x1024xf32, #tpu.memory_space<hbm>>)
      tpu.yield
    }) : () -> ()
    "tpu.region"() ({
      %run_scoped3A = tpu.sem_alloc : memref<!tpu.dma_semaphore, #tpu.memory_space<semaphore_mem>>
      %dma_start3A_31 = tpu.memref_slice %arg8[%mul3A_2] : memref<256xi32, #tpu.memory_space<hbm>> -> memref<8xi32, #tpu.memory_space<hbm>>
      %dma_start3A_32 = tpu.memref_slice %arg8[%mul3A_2] : memref<256xi32, #tpu.memory_space<hbm>> -> memref<8xi32, #tpu.memory_space<hbm>>
      tpu.enqueue_dma source(%dma_start3A_32 : memref<8xi32, #tpu.memory_space<hbm>>) target(%arg16 : memref<8xi32, #tpu.memory_space<vmem>>) target_semaphore(%run_scoped3A : memref<!tpu.dma_semaphore, #tpu.memory_space<semaphore_mem>>)
      %dma_wait3A_33 = tpu.memref_slice %arg8[%mul3A_2] : memref<256xi32, #tpu.memory_space<hbm>> -> memref<8xi32, #tpu.memory_space<hbm>>
      %dma_wait3A_34 = tpu.memref_slice %arg8[%mul3A_2] : memref<256xi32, #tpu.memory_space<hbm>> -> memref<8xi32, #tpu.memory_space<hbm>>
      tpu.wait_dma2 semaphore(%run_scoped3A : memref<!tpu.dma_semaphore, #tpu.memory_space<semaphore_mem>>) src(%dma_wait3A_34 : memref<8xi32, #tpu.memory_space<hbm>>) dst(%arg16 : memref<8xi32, #tpu.memory_space<vmem>>)
      tpu.yield
    }) : () -> ()
    %dma_start3A_13 = arith.constant 0 : i32
    %dma_start3A_14 = arith.constant 0 : i32
    %dma_start3A_15 = tpu.memref_slice %arg4[%dma_start3A_13, %dma_start3A_14] : memref<512x1024xf32, #tpu.memory_space<hbm>> -> memref<512x1024xf32, #tpu.memory_space<hbm>>
    tpu.enqueue_indirect_dma source(%dma_start3A_15 : memref<512x1024xf32, #tpu.memory_space<hbm>>) target(%arg17 : memref<8x1024xf32, #tpu.memory_space<vmem>>) offsets(%arg16 : memref<8xi32, #tpu.memory_space<vmem>>) semaphore(%arg18 : memref<!tpu.dma_semaphore, #tpu.memory_space<semaphore_mem>>)
    %dma_wait3A_16 = arith.constant 0 : i32
    %dma_wait3A_17 = arith.constant 0 : i32
    %dma_wait3A_18 = tpu.memref_slice %arg4[%dma_wait3A_16, %dma_wait3A_17] : memref<512x1024xf32, #tpu.memory_space<hbm>> -> memref<512x1024xf32, #tpu.memory_space<hbm>>
    tpu.wait_indirect_dma semaphore(%arg18 : memref<!tpu.dma_semaphore, #tpu.memory_space<semaphore_mem>>) src(%dma_wait3A_18 : memref<512x1024xf32, #tpu.memory_space<hbm>>) dst(%arg17 : memref<8x1024xf32, #tpu.memory_space<vmem>>)
    "tpu.region"() ({
      %run_scoped3A = tpu.sem_alloc : memref<!tpu.dma_semaphore, #tpu.memory_space<semaphore_mem>>
      %dma_start3A_31 = arith.constant 0 : i32
      %dma_start3A_32 = tpu.memref_slice %arg13[%mul3A_2, %dma_start3A_31] : memref<256x1024xf32, #tpu.memory_space<hbm>> -> memref<8x1024xf32, #tpu.memory_space<hbm>>
      %dma_start3A_33 = arith.constant 0 : i32
      %dma_start3A_34 = tpu.memref_slice %arg13[%mul3A_2, %dma_start3A_33] : memref<256x1024xf32, #tpu.memory_space<hbm>> -> memref<8x1024xf32, #tpu.memory_space<hbm>>
      tpu.enqueue_dma source(%arg17 : memref<8x1024xf32, #tpu.memory_space<vmem>>) target(%dma_start3A_34 : memref<8x1024xf32, #tpu.memory_space<hbm>>) target_semaphore(%run_scoped3A : memref<!tpu.dma_semaphore, #tpu.memory_space<semaphore_mem>>)
      %dma_wait3A_35 = arith.constant 0 : i32
      %dma_wait3A_36 = tpu.memref_slice %arg13[%mul3A_2, %dma_wait3A_35] : memref<256x1024xf32, #tpu.memory_space<hbm>> -> memref<8x1024xf32, #tpu.memory_space<hbm>>
      %dma_wait3A_37 = arith.constant 0 : i32
      %dma_wait3A_38 = tpu.memref_slice %arg13[%mul3A_2, %dma_wait3A_37] : memref<256x1024xf32, #tpu.memory_space<hbm>> -> memref<8x1024xf32, #tpu.memory_space<hbm>>
      tpu.wait_dma2 semaphore(%run_scoped3A : memref<!tpu.dma_semaphore, #tpu.memory_space<semaphore_mem>>) src(%arg17 : memref<8x1024xf32, #tpu.memory_space<vmem>>) dst(%dma_wait3A_38 : memref<8x1024xf32, #tpu.memory_space<hbm>>)
      tpu.yield
    }) : () -> ()
    "tpu.region"() ({
      %run_scoped3A = tpu.sem_alloc : memref<!tpu.dma_semaphore, #tpu.memory_space<semaphore_mem>>
      %dma_start3A_31 = tpu.memref_slice %arg9[%mul3A_2] : memref<256xi32, #tpu.memory_space<hbm>> -> memref<8xi32, #tpu.memory_space<hbm>>
      %dma_start3A_32 = tpu.memref_slice %arg9[%mul3A_2] : memref<256xi32, #tpu.memory_space<hbm>> -> memref<8xi32, #tpu.memory_space<hbm>>
      tpu.enqueue_dma source(%dma_start3A_32 : memref<8xi32, #tpu.memory_space<hbm>>) target(%arg16 : memref<8xi32, #tpu.memory_space<vmem>>) target_semaphore(%run_scoped3A : memref<!tpu.dma_semaphore, #tpu.memory_space<semaphore_mem>>)
      %dma_wait3A_33 = tpu.memref_slice %arg9[%mul3A_2] : memref<256xi32, #tpu.memory_space<hbm>> -> memref<8xi32, #tpu.memory_space<hbm>>
      %dma_wait3A_34 = tpu.memref_slice %arg9[%mul3A_2] : memref<256xi32, #tpu.memory_space<hbm>> -> memref<8xi32, #tpu.memory_space<hbm>>
      tpu.wait_dma2 semaphore(%run_scoped3A : memref<!tpu.dma_semaphore, #tpu.memory_space<semaphore_mem>>) src(%dma_wait3A_34 : memref<8xi32, #tpu.memory_space<hbm>>) dst(%arg16 : memref<8xi32, #tpu.memory_space<vmem>>)
      tpu.yield
    }) : () -> ()
    %dma_start3A_19 = arith.constant 0 : i32
    %dma_start3A_20 = arith.constant 0 : i32
    %dma_start3A_21 = tpu.memref_slice %arg4[%dma_start3A_19, %dma_start3A_20] : memref<512x1024xf32, #tpu.memory_space<hbm>> -> memref<512x1024xf32, #tpu.memory_space<hbm>>
    tpu.enqueue_indirect_dma source(%dma_start3A_21 : memref<512x1024xf32, #tpu.memory_space<hbm>>) target(%arg17 : memref<8x1024xf32, #tpu.memory_space<vmem>>) offsets(%arg16 : memref<8xi32, #tpu.memory_space<vmem>>) semaphore(%arg18 : memref<!tpu.dma_semaphore, #tpu.memory_space<semaphore_mem>>)
    %dma_wait3A_22 = arith.constant 0 : i32
    %dma_wait3A_23 = arith.constant 0 : i32
    %dma_wait3A_24 = tpu.memref_slice %arg4[%dma_wait3A_22, %dma_wait3A_23] : memref<512x1024xf32, #tpu.memory_space<hbm>> -> memref<512x1024xf32, #tpu.memory_space<hbm>>
    tpu.wait_indirect_dma semaphore(%arg18 : memref<!tpu.dma_semaphore, #tpu.memory_space<semaphore_mem>>) src(%dma_wait3A_24 : memref<512x1024xf32, #tpu.memory_space<hbm>>) dst(%arg17 : memref<8x1024xf32, #tpu.memory_space<vmem>>)
    "tpu.region"() ({
      %run_scoped3A = tpu.sem_alloc : memref<!tpu.dma_semaphore, #tpu.memory_space<semaphore_mem>>
      %dma_start3A_31 = arith.constant 0 : i32
      %dma_start3A_32 = tpu.memref_slice %arg14[%mul3A_2, %dma_start3A_31] : memref<256x1024xf32, #tpu.memory_space<hbm>> -> memref<8x1024xf32, #tpu.memory_space<hbm>>
      %dma_start3A_33 = arith.constant 0 : i32
      %dma_start3A_34 = tpu.memref_slice %arg14[%mul3A_2, %dma_start3A_33] : memref<256x1024xf32, #tpu.memory_space<hbm>> -> memref<8x1024xf32, #tpu.memory_space<hbm>>
      tpu.enqueue_dma source(%arg17 : memref<8x1024xf32, #tpu.memory_space<vmem>>) target(%dma_start3A_34 : memref<8x1024xf32, #tpu.memory_space<hbm>>) target_semaphore(%run_scoped3A : memref<!tpu.dma_semaphore, #tpu.memory_space<semaphore_mem>>)
      %dma_wait3A_35 = arith.constant 0 : i32
      %dma_wait3A_36 = tpu.memref_slice %arg14[%mul3A_2, %dma_wait3A_35] : memref<256x1024xf32, #tpu.memory_space<hbm>> -> memref<8x1024xf32, #tpu.memory_space<hbm>>
      %dma_wait3A_37 = arith.constant 0 : i32
      %dma_wait3A_38 = tpu.memref_slice %arg14[%mul3A_2, %dma_wait3A_37] : memref<256x1024xf32, #tpu.memory_space<hbm>> -> memref<8x1024xf32, #tpu.memory_space<hbm>>
      tpu.wait_dma2 semaphore(%run_scoped3A : memref<!tpu.dma_semaphore, #tpu.memory_space<semaphore_mem>>) src(%arg17 : memref<8x1024xf32, #tpu.memory_space<vmem>>) dst(%dma_wait3A_38 : memref<8x1024xf32, #tpu.memory_space<hbm>>)
      tpu.yield
    }) : () -> ()
    "tpu.region"() ({
      %run_scoped3A = tpu.sem_alloc : memref<!tpu.dma_semaphore, #tpu.memory_space<semaphore_mem>>
      %dma_start3A_31 = tpu.memref_slice %arg10[%mul3A_2] : memref<256xi32, #tpu.memory_space<hbm>> -> memref<8xi32, #tpu.memory_space<hbm>>
      %dma_start3A_32 = tpu.memref_slice %arg10[%mul3A_2] : memref<256xi32, #tpu.memory_space<hbm>> -> memref<8xi32, #tpu.memory_space<hbm>>
      tpu.enqueue_dma source(%dma_start3A_32 : memref<8xi32, #tpu.memory_space<hbm>>) target(%arg16 : memref<8xi32, #tpu.memory_space<vmem>>) target_semaphore(%run_scoped3A : memref<!tpu.dma_semaphore, #tpu.memory_space<semaphore_mem>>)
      %dma_wait3A_33 = tpu.memref_slice %arg10[%mul3A_2] : memref<256xi32, #tpu.memory_space<hbm>> -> memref<8xi32, #tpu.memory_space<hbm>>
      %dma_wait3A_34 = tpu.memref_slice %arg10[%mul3A_2] : memref<256xi32, #tpu.memory_space<hbm>> -> memref<8xi32, #tpu.memory_space<hbm>>
      tpu.wait_dma2 semaphore(%run_scoped3A : memref<!tpu.dma_semaphore, #tpu.memory_space<semaphore_mem>>) src(%dma_wait3A_34 : memref<8xi32, #tpu.memory_space<hbm>>) dst(%arg16 : memref<8xi32, #tpu.memory_space<vmem>>)
      tpu.yield
    }) : () -> ()
    %dma_start3A_25 = arith.constant 0 : i32
    %dma_start3A_26 = arith.constant 0 : i32
    %dma_start3A_27 = tpu.memref_slice %arg5[%dma_start3A_25, %dma_start3A_26] : memref<512x1024xf32, #tpu.memory_space<hbm>> -> memref<512x1024xf32, #tpu.memory_space<hbm>>
    tpu.enqueue_indirect_dma source(%dma_start3A_27 : memref<512x1024xf32, #tpu.memory_space<hbm>>) target(%arg17 : memref<8x1024xf32, #tpu.memory_space<vmem>>) offsets(%arg16 : memref<8xi32, #tpu.memory_space<vmem>>) semaphore(%arg18 : memref<!tpu.dma_semaphore, #tpu.memory_space<semaphore_mem>>)
    %dma_wait3A_28 = arith.constant 0 : i32
    %dma_wait3A_29 = arith.constant 0 : i32
    %dma_wait3A_30 = tpu.memref_slice %arg5[%dma_wait3A_28, %dma_wait3A_29] : memref<512x1024xf32, #tpu.memory_space<hbm>> -> memref<512x1024xf32, #tpu.memory_space<hbm>>
    tpu.wait_indirect_dma semaphore(%arg18 : memref<!tpu.dma_semaphore, #tpu.memory_space<semaphore_mem>>) src(%dma_wait3A_30 : memref<512x1024xf32, #tpu.memory_space<hbm>>) dst(%arg17 : memref<8x1024xf32, #tpu.memory_space<vmem>>)
    "tpu.region"() ({
      %run_scoped3A = tpu.sem_alloc : memref<!tpu.dma_semaphore, #tpu.memory_space<semaphore_mem>>
      %dma_start3A_31 = arith.constant 0 : i32
      %dma_start3A_32 = tpu.memref_slice %arg15[%mul3A_2, %dma_start3A_31] : memref<256x1024xf32, #tpu.memory_space<hbm>> -> memref<8x1024xf32, #tpu.memory_space<hbm>>
      %dma_start3A_33 = arith.constant 0 : i32
      %dma_start3A_34 = tpu.memref_slice %arg15[%mul3A_2, %dma_start3A_33] : memref<256x1024xf32, #tpu.memory_space<hbm>> -> memref<8x1024xf32, #tpu.memory_space<hbm>>
      tpu.enqueue_dma source(%arg17 : memref<8x1024xf32, #tpu.memory_space<vmem>>) target(%dma_start3A_34 : memref<8x1024xf32, #tpu.memory_space<hbm>>) target_semaphore(%run_scoped3A : memref<!tpu.dma_semaphore, #tpu.memory_space<semaphore_mem>>)
      %dma_wait3A_35 = arith.constant 0 : i32
      %dma_wait3A_36 = tpu.memref_slice %arg15[%mul3A_2, %dma_wait3A_35] : memref<256x1024xf32, #tpu.memory_space<hbm>> -> memref<8x1024xf32, #tpu.memory_space<hbm>>
      %dma_wait3A_37 = arith.constant 0 : i32
      %dma_wait3A_38 = tpu.memref_slice %arg15[%mul3A_2, %dma_wait3A_37] : memref<256x1024xf32, #tpu.memory_space<hbm>> -> memref<8x1024xf32, #tpu.memory_space<hbm>>
      tpu.wait_dma2 semaphore(%run_scoped3A : memref<!tpu.dma_semaphore, #tpu.memory_space<semaphore_mem>>) src(%arg17 : memref<8x1024xf32, #tpu.memory_space<vmem>>) dst(%dma_wait3A_38 : memref<8x1024xf32, #tpu.memory_space<hbm>>)
      tpu.yield
    }) : () -> ()
    return
  }
}

module attributes {stable_mosaic.version = 14 : i64} {
  func.func @_qkv_proj_kernel(%arg0: i32, %arg1: i32, %arg2: memref<1x512x1024xf32, #tpu.memory_space<vmem>>, %arg3: memref<1x128x1024xf32, #tpu.memory_space<vmem>>, %arg4: memref<1x128x1024xf32, #tpu.memory_space<vmem>>, %arg5: memref<1x128x1024xf32, #tpu.memory_space<vmem>>, %arg6: memref<1x128x1024xf32, #tpu.memory_space<vmem>>, %arg7: memref<1x128x1024xf32, #tpu.memory_space<vmem>>, %arg8: memref<1x1x128xf32, #tpu.memory_space<vmem>>, %arg9: memref<1x1x128xf32, #tpu.memory_space<vmem>>, %arg10: memref<1x1x128xf32, #tpu.memory_space<vmem>>, %arg11: memref<1x512x1024xbf16, #tpu.memory_space<vmem>>, %arg12: memref<1x512x1024xbf16, #tpu.memory_space<vmem>>, %arg13: memref<1x512x1024xbf16, #tpu.memory_space<vmem>>) attributes {dimension_semantics = [#tpu.dimension_semantics<arbitrary>, #tpu.dimension_semantics<arbitrary>], iteration_bounds = array<i64: 2, 4>, scalar_prefetch = 0 : i64, scratch_operands = 0 : i64, tpu.core_type = #tpu.core_type<tc>, window_params = [{transform_indices = @transform_0, window_bounds = array<i64: 1, 512, 1024>}, {transform_indices = @transform_1, window_bounds = array<i64: 1, 128, 1024>}, {transform_indices = @transform_2, window_bounds = array<i64: 1, 128, 1024>}, {transform_indices = @transform_3, window_bounds = array<i64: 1, 128, 1024>}, {transform_indices = @transform_4, window_bounds = array<i64: 1, 128, 1024>}, {transform_indices = @transform_5, window_bounds = array<i64: 1, 128, 1024>}, {transform_indices = @transform_6, window_bounds = array<i64: 1, 1, 128>}, {transform_indices = @transform_7, window_bounds = array<i64: 1, 1, 128>}, {transform_indices = @transform_8, window_bounds = array<i64: 1, 1, 128>}, {transform_indices = @transform_9, window_bounds = array<i64: 1, 512, 1024>}, {transform_indices = @transform_10, window_bounds = array<i64: 1, 512, 1024>}, {transform_indices = @transform_11, window_bounds = array<i64: 1, 512, 1024>}]} {
    %get3A = arith.constant 0 : index
    %get3A_0 = arith.constant 0 : index
    %get3A_1 = arith.constant 0 : index
    %get3A_2 = vector.load %arg2[%get3A, %get3A_0, %get3A_1] : memref<1x512x1024xf32, #tpu.memory_space<vmem>>, vector<1x512x1024xf32>
    %get3A_3 = vector.shape_cast %get3A_2 : vector<1x512x1024xf32> to vector<512x1024xf32>
    %get3A_4 = arith.constant 0 : index
    %get3A_5 = arith.constant 0 : index
    %get3A_6 = arith.constant 0 : index
    %get3A_7 = vector.load %arg3[%get3A_4, %get3A_5, %get3A_6] : memref<1x128x1024xf32, #tpu.memory_space<vmem>>, vector<1x128x1024xf32>
    %get3A_8 = vector.shape_cast %get3A_7 : vector<1x128x1024xf32> to vector<128x1024xf32>
    %dot_general3A = arith.constant dense<0.000000e+00> : vector<512x128xf32>
    %dot_general3A_9 = tpu.matmul %get3A_3, %get3A_8, %dot_general3A {dimension_numbers = #tpu.dot_dimension_numbers<[1], [1], [0], [0], [0, 0, 1, 0], [], []>, transpose_lhs_hint = false} : vector<512x1024xf32>, vector<128x1024xf32>, vector<512x128xf32> -> vector<512x128xf32>
    %get3A_10 = arith.constant 0 : index
    %get3A_11 = arith.constant 0 : index
    %get3A_12 = arith.constant 0 : index
    %get3A_13 = vector.load %arg4[%get3A_10, %get3A_11, %get3A_12] : memref<1x128x1024xf32, #tpu.memory_space<vmem>>, vector<1x128x1024xf32>
    %get3A_14 = vector.shape_cast %get3A_13 : vector<1x128x1024xf32> to vector<128x1024xf32>
    %dot_general3A_15 = arith.constant dense<0.000000e+00> : vector<512x128xf32>
    %dot_general3A_16 = tpu.matmul %get3A_3, %get3A_14, %dot_general3A_15 {dimension_numbers = #tpu.dot_dimension_numbers<[1], [1], [0], [0], [0, 0, 1, 0], [], []>, transpose_lhs_hint = false} : vector<512x1024xf32>, vector<128x1024xf32>, vector<512x128xf32> -> vector<512x128xf32>
    %get3A_17 = arith.constant 0 : index
    %get3A_18 = arith.constant 0 : index
    %get3A_19 = arith.constant 0 : index
    %get3A_20 = vector.load %arg8[%get3A_17, %get3A_18, %get3A_19] : memref<1x1x128xf32, #tpu.memory_space<vmem>>, vector<1x1x128xf32>
    %get3A_21 = vector.shape_cast %get3A_20 : vector<1x1x128xf32> to vector<1x128xf32>
    %mul3A = vector.broadcast %get3A_21 : vector<1x128xf32> to vector<512x128xf32>
    %mul3A_22 = arith.mulf %dot_general3A_9, %mul3A : vector<512x128xf32>
    %get3A_23 = arith.constant 0 : index
    %get3A_24 = arith.constant 0 : index
    %get3A_25 = arith.constant 0 : index
    %get3A_26 = vector.load %arg5[%get3A_23, %get3A_24, %get3A_25] : memref<1x128x1024xf32, #tpu.memory_space<vmem>>, vector<1x128x1024xf32>
    %get3A_27 = vector.shape_cast %get3A_26 : vector<1x128x1024xf32> to vector<128x1024xf32>
    %dot_general3A_28 = arith.constant dense<0.000000e+00> : vector<512x1024xf32>
    %dot_general3A_29 = tpu.matmul %mul3A_22, %get3A_27, %dot_general3A_28 {dimension_numbers = #tpu.dot_dimension_numbers<[1], [0], [0], [1], [0, 0, 1, 1], [], []>, transpose_lhs_hint = false} : vector<512x128xf32>, vector<128x1024xf32>, vector<512x1024xf32> -> vector<512x1024xf32>
    %convert_element_type3A = arith.truncf %dot_general3A_29 : vector<512x1024xf32> to vector<512x1024xbf16>
    %swap3A = arith.constant 0 : index
    %swap3A_30 = arith.constant 0 : index
    %swap3A_31 = arith.constant 0 : index
    %swap3A_32 = vector.load %arg11[%swap3A, %swap3A_30, %swap3A_31] : memref<1x512x1024xbf16, #tpu.memory_space<vmem>>, vector<1x512x1024xbf16>
    %swap3A_33 = vector.shape_cast %swap3A_32 : vector<1x512x1024xbf16> to vector<512x1024xbf16>
    %swap3A_34 = vector.shape_cast %convert_element_type3A : vector<512x1024xbf16> to vector<1x512x1024xbf16>
    tpu.vector_store %arg11[%swap3A, %swap3A_30, %swap3A_31], %swap3A_34 {strides = array<i32>} : memref<1x512x1024xbf16, #tpu.memory_space<vmem>>, vector<1x512x1024xbf16>,
    %get3A_35 = arith.constant 0 : index
    %get3A_36 = arith.constant 0 : index
    %get3A_37 = arith.constant 0 : index
    %get3A_38 = vector.load %arg9[%get3A_35, %get3A_36, %get3A_37] : memref<1x1x128xf32, #tpu.memory_space<vmem>>, vector<1x1x128xf32>
    %get3A_39 = vector.shape_cast %get3A_38 : vector<1x1x128xf32> to vector<1x128xf32>
    %mul3A_40 = vector.broadcast %get3A_39 : vector<1x128xf32> to vector<512x128xf32>
    %mul3A_41 = arith.mulf %dot_general3A_9, %mul3A_40 : vector<512x128xf32>
    %get3A_42 = arith.constant 0 : index
    %get3A_43 = arith.constant 0 : index
    %get3A_44 = arith.constant 0 : index
    %get3A_45 = vector.load %arg6[%get3A_42, %get3A_43, %get3A_44] : memref<1x128x1024xf32, #tpu.memory_space<vmem>>, vector<1x128x1024xf32>
    %get3A_46 = vector.shape_cast %get3A_45 : vector<1x128x1024xf32> to vector<128x1024xf32>
    %dot_general3A_47 = arith.constant dense<0.000000e+00> : vector<512x1024xf32>
    %dot_general3A_48 = tpu.matmul %mul3A_41, %get3A_46, %dot_general3A_47 {dimension_numbers = #tpu.dot_dimension_numbers<[1], [0], [0], [1], [0, 0, 1, 1], [], []>, transpose_lhs_hint = false} : vector<512x128xf32>, vector<128x1024xf32>, vector<512x1024xf32> -> vector<512x1024xf32>
    %convert_element_type3A_49 = arith.truncf %dot_general3A_48 : vector<512x1024xf32> to vector<512x1024xbf16>
    %swap3A_50 = arith.constant 0 : index
    %swap3A_51 = arith.constant 0 : index
    %swap3A_52 = arith.constant 0 : index
    %swap3A_53 = vector.load %arg12[%swap3A_50, %swap3A_51, %swap3A_52] : memref<1x512x1024xbf16, #tpu.memory_space<vmem>>, vector<1x512x1024xbf16>
    %swap3A_54 = vector.shape_cast %swap3A_53 : vector<1x512x1024xbf16> to vector<512x1024xbf16>
    %swap3A_55 = vector.shape_cast %convert_element_type3A_49 : vector<512x1024xbf16> to vector<1x512x1024xbf16>
    tpu.vector_store %arg12[%swap3A_50, %swap3A_51, %swap3A_52], %swap3A_55 {strides = array<i32>} : memref<1x512x1024xbf16, #tpu.memory_space<vmem>>, vector<1x512x1024xbf16>,
    %get3A_56 = arith.constant 0 : index
    %get3A_57 = arith.constant 0 : index
    %get3A_58 = arith.constant 0 : index
    %get3A_59 = vector.load %arg10[%get3A_56, %get3A_57, %get3A_58] : memref<1x1x128xf32, #tpu.memory_space<vmem>>, vector<1x1x128xf32>
    %get3A_60 = vector.shape_cast %get3A_59 : vector<1x1x128xf32> to vector<1x128xf32>
    %mul3A_61 = vector.broadcast %get3A_60 : vector<1x128xf32> to vector<512x128xf32>
    %mul3A_62 = arith.mulf %dot_general3A_16, %mul3A_61 : vector<512x128xf32>
    %get3A_63 = arith.constant 0 : index
    %get3A_64 = arith.constant 0 : index
    %get3A_65 = arith.constant 0 : index
    %get3A_66 = vector.load %arg7[%get3A_63, %get3A_64, %get3A_65] : memref<1x128x1024xf32, #tpu.memory_space<vmem>>, vector<1x128x1024xf32>
    %get3A_67 = vector.shape_cast %get3A_66 : vector<1x128x1024xf32> to vector<128x1024xf32>
    %dot_general3A_68 = arith.constant dense<0.000000e+00> : vector<512x1024xf32>
    %dot_general3A_69 = tpu.matmul %mul3A_62, %get3A_67, %dot_general3A_68 {dimension_numbers = #tpu.dot_dimension_numbers<[1], [0], [0], [1], [0, 0, 1, 1], [], []>, transpose_lhs_hint = false} : vector<512x128xf32>, vector<128x1024xf32>, vector<512x1024xf32> -> vector<512x1024xf32>
    %convert_element_type3A_70 = arith.truncf %dot_general3A_69 : vector<512x1024xf32> to vector<512x1024xbf16>
    %swap3A_71 = arith.constant 0 : index
    %swap3A_72 = arith.constant 0 : index
    %swap3A_73 = arith.constant 0 : index
    %swap3A_74 = vector.load %arg13[%swap3A_71, %swap3A_72, %swap3A_73] : memref<1x512x1024xbf16, #tpu.memory_space<vmem>>, vector<1x512x1024xbf16>
    %swap3A_75 = vector.shape_cast %swap3A_74 : vector<1x512x1024xbf16> to vector<512x1024xbf16>
    %swap3A_76 = vector.shape_cast %convert_element_type3A_70 : vector<512x1024xbf16> to vector<1x512x1024xbf16>
    tpu.vector_store %arg13[%swap3A_71, %swap3A_72, %swap3A_73], %swap3A_76 {strides = array<i32>} : memref<1x512x1024xbf16, #tpu.memory_space<vmem>>, vector<1x512x1024xbf16>,
    return
  }
  func.func @transform_0(%arg0: i32, %arg1: i32) -> (i32, i32, i32) {
    %c0_i32 = arith.constant 0 : i32
    %c0_i32_0 = arith.constant 0 : i32
    return %arg0, %arg1, %c0_i32 : i32, i32, i32
  }
  func.func @transform_1(%arg0: i32, %arg1: i32) -> (i32, i32, i32) {
    %c0_i32 = arith.constant 0 : i32
    %c0_i32_0 = arith.constant 0 : i32
    %c0_i32_1 = arith.constant 0 : i32
    return %arg0, %c0_i32, %c0_i32_0 : i32, i32, i32
  }
  func.func @transform_2(%arg0: i32, %arg1: i32) -> (i32, i32, i32) {
    %c0_i32 = arith.constant 0 : i32
    %c0_i32_0 = arith.constant 0 : i32
    %c0_i32_1 = arith.constant 0 : i32
    return %arg0, %c0_i32, %c0_i32_0 : i32, i32, i32
  }
  func.func @transform_3(%arg0: i32, %arg1: i32) -> (i32, i32, i32) {
    %c0_i32 = arith.constant 0 : i32
    %c0_i32_0 = arith.constant 0 : i32
    %c0_i32_1 = arith.constant 0 : i32
    return %arg0, %c0_i32, %c0_i32_0 : i32, i32, i32
  }
  func.func @transform_4(%arg0: i32, %arg1: i32) -> (i32, i32, i32) {
    %c0_i32 = arith.constant 0 : i32
    %c0_i32_0 = arith.constant 0 : i32
    %c0_i32_1 = arith.constant 0 : i32
    return %arg0, %c0_i32, %c0_i32_0 : i32, i32, i32
  }
  func.func @transform_5(%arg0: i32, %arg1: i32) -> (i32, i32, i32) {
    %c0_i32 = arith.constant 0 : i32
    %c0_i32_0 = arith.constant 0 : i32
    %c0_i32_1 = arith.constant 0 : i32
    return %arg0, %c0_i32, %c0_i32_0 : i32, i32, i32
  }
  func.func @transform_6(%arg0: i32, %arg1: i32) -> (i32, i32, i32) {
    %c0_i32 = arith.constant 0 : i32
    %c0_i32_0 = arith.constant 0 : i32
    %c0_i32_1 = arith.constant 0 : i32
    return %arg0, %c0_i32, %c0_i32_0 : i32, i32, i32
  }
  func.func @transform_7(%arg0: i32, %arg1: i32) -> (i32, i32, i32) {
    %c0_i32 = arith.constant 0 : i32
    %c0_i32_0 = arith.constant 0 : i32
    %c0_i32_1 = arith.constant 0 : i32
    return %arg0, %c0_i32, %c0_i32_0 : i32, i32, i32
  }
  func.func @transform_8(%arg0: i32, %arg1: i32) -> (i32, i32, i32) {
    %c0_i32 = arith.constant 0 : i32
    %c0_i32_0 = arith.constant 0 : i32
    %c0_i32_1 = arith.constant 0 : i32
    return %arg0, %c0_i32, %c0_i32_0 : i32, i32, i32
  }
  func.func @transform_9(%arg0: i32, %arg1: i32) -> (i32, i32, i32) {
    %c0_i32 = arith.constant 0 : i32
    %c0_i32_0 = arith.constant 0 : i32
    return %arg0, %arg1, %c0_i32 : i32, i32, i32
  }
  func.func @transform_10(%arg0: i32, %arg1: i32) -> (i32, i32, i32) {
    %c0_i32 = arith.constant 0 : i32
    %c0_i32_0 = arith.constant 0 : i32
    return %arg0, %arg1, %c0_i32 : i32, i32, i32
  }
  func.func @transform_11(%arg0: i32, %arg1: i32) -> (i32, i32, i32) {
    %c0_i32 = arith.constant 0 : i32
    %c0_i32_0 = arith.constant 0 : i32
    return %arg0, %arg1, %c0_i32 : i32, i32, i32
  }
}

module attributes {stable_mosaic.version = 14 : i64} {
  func.func @_out_proj_kernel(%arg0: i32, %arg1: i32, %arg2: memref<1x512x1024xf32, #tpu.memory_space<vmem>>, %arg3: memref<1024x1024xf32, #tpu.memory_space<vmem>>, %arg4: memref<1x512x1024xf32, #tpu.memory_space<vmem>>) attributes {dimension_semantics = [#tpu.dimension_semantics<arbitrary>, #tpu.dimension_semantics<arbitrary>], iteration_bounds = array<i64: 2, 4>, scalar_prefetch = 0 : i64, scratch_operands = 0 : i64, tpu.core_type = #tpu.core_type<tc>, window_params = [{transform_indices = @transform_0, window_bounds = array<i64: 1, 512, 1024>}, {pipeline_mode = #tpu.pipeline_mode<synchronous>, transform_indices = @transform_1, window_bounds = array<i64: 1024, 1024>}, {transform_indices = @transform_2, window_bounds = array<i64: 1, 512, 1024>}]} {
    %get3A = arith.constant 0 : index
    %get3A_0 = arith.constant 0 : index
    %get3A_1 = arith.constant 0 : index
    %get3A_2 = vector.load %arg2[%get3A, %get3A_0, %get3A_1] : memref<1x512x1024xf32, #tpu.memory_space<vmem>>, vector<1x512x1024xf32>
    %get3A_3 = vector.shape_cast %get3A_2 : vector<1x512x1024xf32> to vector<512x1024xf32>
    %get3A_4 = arith.constant 0 : index
    %get3A_5 = arith.constant 0 : index
    %get3A_6 = vector.load %arg3[%get3A_4, %get3A_5] : memref<1024x1024xf32, #tpu.memory_space<vmem>>, vector<1024x1024xf32>
    %dot_general3A = arith.constant dense<0.000000e+00> : vector<512x1024xf32>
    %dot_general3A_7 = tpu.matmul %get3A_3, %get3A_6, %dot_general3A {dimension_numbers = #tpu.dot_dimension_numbers<[1], [1], [0], [0], [0, 0, 1, 0], [], []>, transpose_lhs_hint = false} : vector<512x1024xf32>, vector<1024x1024xf32>, vector<512x1024xf32> -> vector<512x1024xf32>
    %swap3A = arith.constant 0 : index
    %swap3A_8 = arith.constant 0 : index
    %swap3A_9 = arith.constant 0 : index
    %swap3A_10 = vector.load %arg4[%swap3A, %swap3A_8, %swap3A_9] : memref<1x512x1024xf32, #tpu.memory_space<vmem>>, vector<1x512x1024xf32>
    %swap3A_11 = vector.shape_cast %swap3A_10 : vector<1x512x1024xf32> to vector<512x1024xf32>
    %swap3A_12 = vector.shape_cast %dot_general3A_7 : vector<512x1024xf32> to vector<1x512x1024xf32>
    tpu.vector_store %arg4[%swap3A, %swap3A_8, %swap3A_9], %swap3A_12 {strides = array<i32>} : memref<1x512x1024xf32, #tpu.memory_space<vmem>>, vector<1x512x1024xf32>,
    return
  }
  func.func @transform_0(%arg0: i32, %arg1: i32) -> (i32, i32, i32) {
    %c0_i32 = arith.constant 0 : i32
    %c0_i32_0 = arith.constant 0 : i32
    return %arg0, %arg1, %c0_i32 : i32, i32, i32
  }
  func.func @transform_1(%arg0: i32, %arg1: i32) -> (i32, i32) {
    %c0_i32 = arith.constant 0 : i32
    %c0_i32_0 = arith.constant 0 : i32
    %c0_i32_1 = arith.constant 0 : i32
    return %c0_i32, %c0_i32_0 : i32, i32
  }
  func.func @transform_2(%arg0: i32, %arg1: i32) -> (i32, i32, i32) {
    %c0_i32 = arith.constant 0 : i32
    %c0_i32_0 = arith.constant 0 : i32
    return %arg0, %arg1, %c0_i32 : i32, i32, i32
  }
}

module attributes {stable_mosaic.version = 14 : i64} {
  func.func @_flash_kernel(%arg0: i32, %arg1: i32, %arg2: memref<1x512x1024xbf16, #tpu.memory_space<vmem>>, %arg3: memref<1x2048x1024xbf16, #tpu.memory_space<vmem>>, %arg4: memref<1x2048x1024xbf16, #tpu.memory_space<vmem>>, %arg5: memref<1x512x1024xf32, #tpu.memory_space<vmem>>, %arg6: memref<512x2048xf32, #tpu.memory_space<vmem>>) attributes {dimension_semantics = [#tpu.dimension_semantics<arbitrary>, #tpu.dimension_semantics<arbitrary>], iteration_bounds = array<i64: 2, 4>, scalar_prefetch = 0 : i64, scratch_operands = 1 : i64, tpu.core_type = #tpu.core_type<tc>, window_params = [{transform_indices = @transform_0, window_bounds = array<i64: 1, 512, 1024>}, {transform_indices = @transform_1, window_bounds = array<i64: 1, 2048, 1024>}, {transform_indices = @transform_2, window_bounds = array<i64: 1, 2048, 1024>}, {transform_indices = @transform_3, window_bounds = array<i64: 1, 512, 1024>}]} {
    %iota3A = tpu.iota {dimensions = array<i32: 1>} : vector<512x512xi32>
    %iota3A_0 = tpu.iota {dimensions = array<i32: 0>} : vector<512x512xi32>
    %le3A = arith.cmpi sle, %iota3A, %iota3A_0 : vector<512x512xi32>
    %get3A = arith.constant 0 : index
    %get3A_1 = arith.constant 0 : index
    %get3A_2 = arith.constant 0 : index
    %get3A_3 = vector.load %arg2[%get3A, %get3A_1, %get3A_2] : memref<1x512x1024xbf16, #tpu.memory_space<vmem>>, vector<1x512x64xbf16>
    %get3A_4 = vector.shape_cast %get3A_3 : vector<1x512x64xbf16> to vector<512x64xbf16>
    %broadcast_in_dim3A = arith.constant 0xFF800000 : f32
    %broadcast_in_dim3A_5 = vector.broadcast %broadcast_in_dim3A : f32 to vector<512x1xf32>
    %while3A = arith.constant 0 : i32
    %while3A_6 = arith.subi %arg1, %while3A : i32
    %while3A_7 = arith.addi %while3A, %while3A_6 : i32
    %while3A_8 = arith.constant 1 : i32
    %while3A_9 = arith.divsi %while3A_6, %while3A_8 : i32
    %while3A_10 = arith.muli %while3A_9, %while3A_8 : i32
    %while3A_11 = arith.addi %while3A, %while3A_10 : i32
    %while3A_12 = arith.constant 1 : i32
    %while3A_13 = scf.for %while3A_1013 = %while3A to %while3A_11 step %while3A_12 iter_args(%while3A_1014 = %broadcast_in_dim3A_5) -> (vector<512x1xf32>)  : i32 {
      %mul3A_1015 = arith.constant 512 : i32
      %mul3A_1016 = arith.muli %while3A_1013, %mul3A_1015 : i32
      %get3A_1017 = arith.constant 0 : index
      %get3A_1018 = arith.index_cast %mul3A_1016 : i32 to index
      %get3A_1019 = arith.constant 0 : index
      %get3A_1020 = vector.load %arg3[%get3A_1017, %get3A_1018, %get3A_1019] : memref<1x2048x1024xbf16, #tpu.memory_space<vmem>>, vector<1x512x64xbf16>
      %get3A_1021 = vector.shape_cast %get3A_1020 : vector<1x512x64xbf16> to vector<512x64xbf16>
      %dot_general3A_1022 = arith.constant dense<0.000000e+00> : vector<512x512xf32>
      %dot_general3A_1023 = tpu.matmul %get3A_4, %get3A_1021, %dot_general3A_1022 {dimension_numbers = #tpu.dot_dimension_numbers<[1], [1], [0], [0], [0, 0, 1, 0], [], []>, transpose_lhs_hint = false} : vector<512x64xbf16>, vector<512x64xbf16>, vector<512x512xf32> -> vector<512x512xf32>
      %mul3A_1024 = arith.constant 512 : i32
      %mul3A_1025 = arith.muli %while3A_1013, %mul3A_1024 : i32
      %swap3A_1026 = arith.constant 0 : index
      %swap3A_1027 = arith.index_cast %mul3A_1025 : i32 to index
      %swap3A_1028 = vector.load %arg6[%swap3A_1026, %swap3A_1027] : memref<512x2048xf32, #tpu.memory_space<vmem>>, vector<512x512xf32>
      tpu.vector_store %arg6[%swap3A_1026, %swap3A_1027], %dot_general3A_1023 {strides = array<i32>} : memref<512x2048xf32, #tpu.memory_space<vmem>>, vector<512x512xf32>,
      %reduce_max3A_1029 = arith.constant dense<0xFF800000> : vector<512xf32>
      %reduce_max3A_1030 = vector.multi_reduction <maximumf>, %dot_general3A_1023, %reduce_max3A_1029 [1] : vector<512x512xf32> to vector<512xf32>
      %broadcast_in_dim3A_1031 = vector.shape_cast %reduce_max3A_1030 : vector<512xf32> to vector<512x1xf32>
      %max3A_1032 = arith.maximumf %while3A_1014, %broadcast_in_dim3A_1031 : vector<512x1xf32>
      scf.yield %max3A_1032 : vector<512x1xf32>
    }
    %while3A_14 = arith.constant 1 : i32
    %while3A_15 = scf.for %while3A_1013 = %while3A_11 to %while3A_7 step %while3A_14 iter_args(%while3A_1014 = %while3A_13) -> (vector<512x1xf32>)  : i32 {
      %mul3A_1015 = arith.constant 512 : i32
      %mul3A_1016 = arith.muli %while3A_1013, %mul3A_1015 : i32
      %get3A_1017 = arith.constant 0 : index
      %get3A_1018 = arith.index_cast %mul3A_1016 : i32 to index
      %get3A_1019 = arith.constant 0 : index
      %get3A_1020 = vector.load %arg3[%get3A_1017, %get3A_1018, %get3A_1019] : memref<1x2048x1024xbf16, #tpu.memory_space<vmem>>, vector<1x512x64xbf16>
      %get3A_1021 = vector.shape_cast %get3A_1020 : vector<1x512x64xbf16> to vector<512x64xbf16>
      %dot_general3A_1022 = arith.constant dense<0.000000e+00> : vector<512x512xf32>
      %dot_general3A_1023 = tpu.matmul %get3A_4, %get3A_1021, %dot_general3A_1022 {dimension_numbers = #tpu.dot_dimension_numbers<[1], [1], [0], [0], [0, 0, 1, 0], [], []>, transpose_lhs_hint = false} : vector<512x64xbf16>, vector<512x64xbf16>, vector<512x512xf32> -> vector<512x512xf32>
      %mul3A_1024 = arith.constant 512 : i32
      %mul3A_1025 = arith.muli %while3A_1013, %mul3A_1024 : i32
      %swap3A_1026 = arith.constant 0 : index
      %swap3A_1027 = arith.index_cast %mul3A_1025 : i32 to index
      %swap3A_1028 = vector.load %arg6[%swap3A_1026, %swap3A_1027] : memref<512x2048xf32, #tpu.memory_space<vmem>>, vector<512x512xf32>
      tpu.vector_store %arg6[%swap3A_1026, %swap3A_1027], %dot_general3A_1023 {strides = array<i32>} : memref<512x2048xf32, #tpu.memory_space<vmem>>, vector<512x512xf32>,
      %reduce_max3A_1029 = arith.constant dense<0xFF800000> : vector<512xf32>
      %reduce_max3A_1030 = vector.multi_reduction <maximumf>, %dot_general3A_1023, %reduce_max3A_1029 [1] : vector<512x512xf32> to vector<512xf32>
      %broadcast_in_dim3A_1031 = vector.shape_cast %reduce_max3A_1030 : vector<512xf32> to vector<512x1xf32>
      %max3A_1032 = arith.maximumf %while3A_1014, %broadcast_in_dim3A_1031 : vector<512x1xf32>
      scf.yield %max3A_1032 : vector<512x1xf32>
    }
    %mul3A = arith.constant 512 : i32
    %mul3A_16 = arith.muli %arg1, %mul3A : i32
    %get3A_17 = arith.constant 0 : index
    %get3A_18 = arith.index_cast %mul3A_16 : i32 to index
    %get3A_19 = arith.constant 0 : index
    %get3A_20 = vector.load %arg3[%get3A_17, %get3A_18, %get3A_19] : memref<1x2048x1024xbf16, #tpu.memory_space<vmem>>, vector<1x512x64xbf16>
    %get3A_21 = vector.shape_cast %get3A_20 : vector<1x512x64xbf16> to vector<512x64xbf16>
    %dot_general3A = arith.constant dense<0.000000e+00> : vector<512x512xf32>
    %dot_general3A_22 = tpu.matmul %get3A_4, %get3A_21, %dot_general3A {dimension_numbers = #tpu.dot_dimension_numbers<[1], [1], [0], [0], [0, 0, 1, 0], [], []>, transpose_lhs_hint = false} : vector<512x64xbf16>, vector<512x64xbf16>, vector<512x512xf32> -> vector<512x512xf32>
    %jit3A = arith.constant -1.000000e+30 : f32
    %broadcast_in_dim3A_23 = vector.broadcast %jit3A : f32 to vector<512x512xf32>
    %select_n3A = arith.select %le3A, %dot_general3A_22, %broadcast_in_dim3A_23 : vector<512x512xi1>, vector<512x512xf32>
    %mul3A_24 = arith.constant 512 : i32
    %mul3A_25 = arith.muli %arg1, %mul3A_24 : i32
    %swap3A = arith.constant 0 : index
    %swap3A_26 = arith.index_cast %mul3A_25 : i32 to index
    %swap3A_27 = vector.load %arg6[%swap3A, %swap3A_26] : memref<512x2048xf32, #tpu.memory_space<vmem>>, vector<512x512xf32>
    tpu.vector_store %arg6[%swap3A, %swap3A_26], %select_n3A {strides = array<i32>} : memref<512x2048xf32, #tpu.memory_space<vmem>>, vector<512x512xf32>,
    %reduce_max3A = arith.constant dense<0xFF800000> : vector<512xf32>
    %reduce_max3A_28 = vector.multi_reduction <maximumf>, %select_n3A, %reduce_max3A [1] : vector<512x512xf32> to vector<512xf32>
    %broadcast_in_dim3A_29 = vector.shape_cast %reduce_max3A_28 : vector<512xf32> to vector<512x1xf32>
    %max3A = arith.maximumf %while3A_15, %broadcast_in_dim3A_29 : vector<512x1xf32>
    %add3A = arith.constant 1 : i32
    %add3A_30 = arith.addi %arg1, %add3A : i32
    %broadcast_in_dim3A_31 = arith.constant 0.000000e+00 : f32
    %broadcast_in_dim3A_32 = vector.broadcast %broadcast_in_dim3A_31 : f32 to vector<512x64xf32>
    %broadcast_in_dim3A_33 = arith.constant 0.000000e+00 : f32
    %broadcast_in_dim3A_34 = vector.broadcast %broadcast_in_dim3A_33 : f32 to vector<512x1xf32>
    %while3A_35 = arith.constant 0 : i32
    %while3A_36 = arith.subi %add3A_30, %while3A_35 : i32
    %while3A_37 = arith.addi %while3A_35, %while3A_36 : i32
    %while3A_38 = arith.constant 1 : i32
    %while3A_39 = arith.divsi %while3A_36, %while3A_38 : i32
    %while3A_40 = arith.muli %while3A_39, %while3A_38 : i32
    %while3A_41 = arith.addi %while3A_35, %while3A_40 : i32
    %while3A_42 = arith.constant 1 : i32
    %while3A_43:2 = scf.for %while3A_1013 = %while3A_35 to %while3A_41 step %while3A_42 iter_args(%while3A_1014 = %broadcast_in_dim3A_32, %while3A_1015 = %broadcast_in_dim3A_34) -> (vector<512x64xf32>, vector<512x1xf32>)  : i32 {
      %mul3A_1016 = arith.constant 512 : i32
      %mul3A_1017 = arith.muli %while3A_1013, %mul3A_1016 : i32
      %get3A_1018 = arith.constant 0 : index
      %get3A_1019 = arith.index_cast %mul3A_1017 : i32 to index
      %get3A_1020 = vector.load %arg6[%get3A_1018, %get3A_1019] : memref<512x2048xf32, #tpu.memory_space<vmem>>, vector<512x512xf32>
      %sub3A = vector.broadcast %max3A : vector<512x1xf32> to vector<512x512xf32>
      %sub3A_1021 = arith.subf %get3A_1020, %sub3A : vector<512x512xf32>
      %exp3A = math.exp %sub3A_1021 : vector<512x512xf32>
      %reduce_sum3A = arith.constant dense<0.000000e+00> : vector<512xf32>
      %reduce_sum3A_1022 = vector.multi_reduction <add>, %exp3A, %reduce_sum3A [1] : vector<512x512xf32> to vector<512xf32>
      %broadcast_in_dim3A_1023 = vector.shape_cast %reduce_sum3A_1022 : vector<512xf32> to vector<512x1xf32>
      %add3A_1024 = arith.addf %while3A_1015, %broadcast_in_dim3A_1023 : vector<512x1xf32>
      %convert_element_type3A = arith.truncf %exp3A : vector<512x512xf32> to vector<512x512xbf16>
      %mul3A_1025 = arith.constant 512 : i32
      %mul3A_1026 = arith.muli %while3A_1013, %mul3A_1025 : i32
      %get3A_1027 = arith.constant 0 : index
      %get3A_1028 = arith.index_cast %mul3A_1026 : i32 to index
      %get3A_1029 = arith.constant 0 : index
      %get3A_1030 = vector.load %arg4[%get3A_1027, %get3A_1028, %get3A_1029] : memref<1x2048x1024xbf16, #tpu.memory_space<vmem>>, vector<1x512x64xbf16>
      %get3A_1031 = vector.shape_cast %get3A_1030 : vector<1x512x64xbf16> to vector<512x64xbf16>
      %dot_general3A_1032 = arith.constant dense<0.000000e+00> : vector<512x64xf32>
      %dot_general3A_1033 = tpu.matmul %convert_element_type3A, %get3A_1031, %dot_general3A_1032 {dimension_numbers = #tpu.dot_dimension_numbers<[1], [0], [0], [1], [0, 0, 1, 1], [], []>, transpose_lhs_hint = false} : vector<512x512xbf16>, vector<512x64xbf16>, vector<512x64xf32> -> vector<512x64xf32>
      %add3A_1034 = arith.addf %while3A_1014, %dot_general3A_1033 : vector<512x64xf32>
      scf.yield %add3A_1034, %add3A_1024 : vector<512x64xf32>, vector<512x1xf32>
    }
    %while3A_44 = arith.constant 1 : i32
    %while3A_45:2 = scf.for %while3A_1013 = %while3A_41 to %while3A_37 step %while3A_44 iter_args(%while3A_1014 = %while3A_43#0, %while3A_1015 = %while3A_43#1) -> (vector<512x64xf32>, vector<512x1xf32>)  : i32 {
      %mul3A_1016 = arith.constant 512 : i32
      %mul3A_1017 = arith.muli %while3A_1013, %mul3A_1016 : i32
      %get3A_1018 = arith.constant 0 : index
      %get3A_1019 = arith.index_cast %mul3A_1017 : i32 to index
      %get3A_1020 = vector.load %arg6[%get3A_1018, %get3A_1019] : memref<512x2048xf32, #tpu.memory_space<vmem>>, vector<512x512xf32>
      %sub3A = vector.broadcast %max3A : vector<512x1xf32> to vector<512x512xf32>
      %sub3A_1021 = arith.subf %get3A_1020, %sub3A : vector<512x512xf32>
      %exp3A = math.exp %sub3A_1021 : vector<512x512xf32>
      %reduce_sum3A = arith.constant dense<0.000000e+00> : vector<512xf32>
      %reduce_sum3A_1022 = vector.multi_reduction <add>, %exp3A, %reduce_sum3A [1] : vector<512x512xf32> to vector<512xf32>
      %broadcast_in_dim3A_1023 = vector.shape_cast %reduce_sum3A_1022 : vector<512xf32> to vector<512x1xf32>
      %add3A_1024 = arith.addf %while3A_1015, %broadcast_in_dim3A_1023 : vector<512x1xf32>
      %convert_element_type3A = arith.truncf %exp3A : vector<512x512xf32> to vector<512x512xbf16>
      %mul3A_1025 = arith.constant 512 : i32
      %mul3A_1026 = arith.muli %while3A_1013, %mul3A_1025 : i32
      %get3A_1027 = arith.constant 0 : index
      %get3A_1028 = arith.index_cast %mul3A_1026 : i32 to index
      %get3A_1029 = arith.constant 0 : index
      %get3A_1030 = vector.load %arg4[%get3A_1027, %get3A_1028, %get3A_1029] : memref<1x2048x1024xbf16, #tpu.memory_space<vmem>>, vector<1x512x64xbf16>
      %get3A_1031 = vector.shape_cast %get3A_1030 : vector<1x512x64xbf16> to vector<512x64xbf16>
      %dot_general3A_1032 = arith.constant dense<0.000000e+00> : vector<512x64xf32>
      %dot_general3A_1033 = tpu.matmul %convert_element_type3A, %get3A_1031, %dot_general3A_1032 {dimension_numbers = #tpu.dot_dimension_numbers<[1], [0], [0], [1], [0, 0, 1, 1], [], []>, transpose_lhs_hint = false} : vector<512x512xbf16>, vector<512x64xbf16>, vector<512x64xf32> -> vector<512x64xf32>
      %add3A_1034 = arith.addf %while3A_1014, %dot_general3A_1033 : vector<512x64xf32>
      scf.yield %add3A_1034, %add3A_1024 : vector<512x64xf32>, vector<512x1xf32>
    }
    %div3A = vector.broadcast %while3A_45#1 : vector<512x1xf32> to vector<512x64xf32>
    %div3A_46 = arith.divf %while3A_45#0, %div3A : vector<512x64xf32>
    %swap3A_47 = arith.constant 0 : index
    %swap3A_48 = arith.constant 0 : index
    %swap3A_49 = arith.constant 0 : index
    %swap3A_50 = vector.load %arg5[%swap3A_47, %swap3A_48, %swap3A_49] : memref<1x512x1024xf32, #tpu.memory_space<vmem>>, vector<1x512x64xf32>
    %swap3A_51 = vector.shape_cast %swap3A_50 : vector<1x512x64xf32> to vector<512x64xf32>
    %swap3A_52 = vector.shape_cast %div3A_46 : vector<512x64xf32> to vector<1x512x64xf32>
    tpu.vector_store %arg5[%swap3A_47, %swap3A_48, %swap3A_49], %swap3A_52 {strides = array<i32>} : memref<1x512x1024xf32, #tpu.memory_space<vmem>>, vector<1x512x64xf32>,
    %get3A_53 = arith.constant 0 : index
    %get3A_54 = arith.constant 0 : index
    %get3A_55 = arith.constant 64 : index
    %get3A_56 = vector.load %arg2[%get3A_53, %get3A_54, %get3A_55] : memref<1x512x1024xbf16, #tpu.memory_space<vmem>>, vector<1x512x64xbf16>
    %get3A_57 = vector.shape_cast %get3A_56 : vector<1x512x64xbf16> to vector<512x64xbf16>
    %broadcast_in_dim3A_58 = arith.constant 0xFF800000 : f32
    %broadcast_in_dim3A_59 = vector.broadcast %broadcast_in_dim3A_58 : f32 to vector<512x1xf32>
    %while3A_60 = arith.constant 0 : i32
    %while3A_61 = arith.subi %arg1, %while3A_60 : i32
    %while3A_62 = arith.addi %while3A_60, %while3A_61 : i32
    %while3A_63 = arith.constant 1 : i32
    %while3A_64 = arith.divsi %while3A_61, %while3A_63 : i32
    %while3A_65 = arith.muli %while3A_64, %while3A_63 : i32
    %while3A_66 = arith.addi %while3A_60, %while3A_65 : i32
    %while3A_67 = arith.constant 1 : i32
    %while3A_68 = scf.for %while3A_1013 = %while3A_60 to %while3A_66 step %while3A_67 iter_args(%while3A_1014 = %broadcast_in_dim3A_59) -> (vector<512x1xf32>)  : i32 {
      %mul3A_1015 = arith.constant 512 : i32
      %mul3A_1016 = arith.muli %while3A_1013, %mul3A_1015 : i32
      %get3A_1017 = arith.constant 0 : index
      %get3A_1018 = arith.index_cast %mul3A_1016 : i32 to index
      %get3A_1019 = arith.constant 64 : index
      %get3A_1020 = vector.load %arg3[%get3A_1017, %get3A_1018, %get3A_1019] : memref<1x2048x1024xbf16, #tpu.memory_space<vmem>>, vector<1x512x64xbf16>
      %get3A_1021 = vector.shape_cast %get3A_1020 : vector<1x512x64xbf16> to vector<512x64xbf16>
      %dot_general3A_1022 = arith.constant dense<0.000000e+00> : vector<512x512xf32>
      %dot_general3A_1023 = tpu.matmul %get3A_57, %get3A_1021, %dot_general3A_1022 {dimension_numbers = #tpu.dot_dimension_numbers<[1], [1], [0], [0], [0, 0, 1, 0], [], []>, transpose_lhs_hint = false} : vector<512x64xbf16>, vector<512x64xbf16>, vector<512x512xf32> -> vector<512x512xf32>
      %mul3A_1024 = arith.constant 512 : i32
      %mul3A_1025 = arith.muli %while3A_1013, %mul3A_1024 : i32
      %swap3A_1026 = arith.constant 0 : index
      %swap3A_1027 = arith.index_cast %mul3A_1025 : i32 to index
      %swap3A_1028 = vector.load %arg6[%swap3A_1026, %swap3A_1027] : memref<512x2048xf32, #tpu.memory_space<vmem>>, vector<512x512xf32>
      tpu.vector_store %arg6[%swap3A_1026, %swap3A_1027], %dot_general3A_1023 {strides = array<i32>} : memref<512x2048xf32, #tpu.memory_space<vmem>>, vector<512x512xf32>,
      %reduce_max3A_1029 = arith.constant dense<0xFF800000> : vector<512xf32>
      %reduce_max3A_1030 = vector.multi_reduction <maximumf>, %dot_general3A_1023, %reduce_max3A_1029 [1] : vector<512x512xf32> to vector<512xf32>
      %broadcast_in_dim3A_1031 = vector.shape_cast %reduce_max3A_1030 : vector<512xf32> to vector<512x1xf32>
      %max3A_1032 = arith.maximumf %while3A_1014, %broadcast_in_dim3A_1031 : vector<512x1xf32>
      scf.yield %max3A_1032 : vector<512x1xf32>
    }
    %while3A_69 = arith.constant 1 : i32
    %while3A_70 = scf.for %while3A_1013 = %while3A_66 to %while3A_62 step %while3A_69 iter_args(%while3A_1014 = %while3A_68) -> (vector<512x1xf32>)  : i32 {
      %mul3A_1015 = arith.constant 512 : i32
      %mul3A_1016 = arith.muli %while3A_1013, %mul3A_1015 : i32
      %get3A_1017 = arith.constant 0 : index
      %get3A_1018 = arith.index_cast %mul3A_1016 : i32 to index
      %get3A_1019 = arith.constant 64 : index
      %get3A_1020 = vector.load %arg3[%get3A_1017, %get3A_1018, %get3A_1019] : memref<1x2048x1024xbf16, #tpu.memory_space<vmem>>, vector<1x512x64xbf16>
      %get3A_1021 = vector.shape_cast %get3A_1020 : vector<1x512x64xbf16> to vector<512x64xbf16>
      %dot_general3A_1022 = arith.constant dense<0.000000e+00> : vector<512x512xf32>
      %dot_general3A_1023 = tpu.matmul %get3A_57, %get3A_1021, %dot_general3A_1022 {dimension_numbers = #tpu.dot_dimension_numbers<[1], [1], [0], [0], [0, 0, 1, 0], [], []>, transpose_lhs_hint = false} : vector<512x64xbf16>, vector<512x64xbf16>, vector<512x512xf32> -> vector<512x512xf32>
      %mul3A_1024 = arith.constant 512 : i32
      %mul3A_1025 = arith.muli %while3A_1013, %mul3A_1024 : i32
      %swap3A_1026 = arith.constant 0 : index
      %swap3A_1027 = arith.index_cast %mul3A_1025 : i32 to index
      %swap3A_1028 = vector.load %arg6[%swap3A_1026, %swap3A_1027] : memref<512x2048xf32, #tpu.memory_space<vmem>>, vector<512x512xf32>
      tpu.vector_store %arg6[%swap3A_1026, %swap3A_1027], %dot_general3A_1023 {strides = array<i32>} : memref<512x2048xf32, #tpu.memory_space<vmem>>, vector<512x512xf32>,
      %reduce_max3A_1029 = arith.constant dense<0xFF800000> : vector<512xf32>
      %reduce_max3A_1030 = vector.multi_reduction <maximumf>, %dot_general3A_1023, %reduce_max3A_1029 [1] : vector<512x512xf32> to vector<512xf32>
      %broadcast_in_dim3A_1031 = vector.shape_cast %reduce_max3A_1030 : vector<512xf32> to vector<512x1xf32>
      %max3A_1032 = arith.maximumf %while3A_1014, %broadcast_in_dim3A_1031 : vector<512x1xf32>
      scf.yield %max3A_1032 : vector<512x1xf32>
    }
    %mul3A_71 = arith.constant 512 : i32
    %mul3A_72 = arith.muli %arg1, %mul3A_71 : i32
    %get3A_73 = arith.constant 0 : index
    %get3A_74 = arith.index_cast %mul3A_72 : i32 to index
    %get3A_75 = arith.constant 64 : index
    %get3A_76 = vector.load %arg3[%get3A_73, %get3A_74, %get3A_75] : memref<1x2048x1024xbf16, #tpu.memory_space<vmem>>, vector<1x512x64xbf16>
    %get3A_77 = vector.shape_cast %get3A_76 : vector<1x512x64xbf16> to vector<512x64xbf16>
    %dot_general3A_78 = arith.constant dense<0.000000e+00> : vector<512x512xf32>
    %dot_general3A_79 = tpu.matmul %get3A_57, %get3A_77, %dot_general3A_78 {dimension_numbers = #tpu.dot_dimension_numbers<[1], [1], [0], [0], [0, 0, 1, 0], [], []>, transpose_lhs_hint = false} : vector<512x64xbf16>, vector<512x64xbf16>, vector<512x512xf32> -> vector<512x512xf32>
    %jit3A_80 = arith.constant -1.000000e+30 : f32
    %broadcast_in_dim3A_81 = vector.broadcast %jit3A_80 : f32 to vector<512x512xf32>
    %select_n3A_82 = arith.select %le3A, %dot_general3A_79, %broadcast_in_dim3A_81 : vector<512x512xi1>, vector<512x512xf32>
    %mul3A_83 = arith.constant 512 : i32
    %mul3A_84 = arith.muli %arg1, %mul3A_83 : i32
    %swap3A_85 = arith.constant 0 : index
    %swap3A_86 = arith.index_cast %mul3A_84 : i32 to index
    %swap3A_87 = vector.load %arg6[%swap3A_85, %swap3A_86] : memref<512x2048xf32, #tpu.memory_space<vmem>>, vector<512x512xf32>
    tpu.vector_store %arg6[%swap3A_85, %swap3A_86], %select_n3A_82 {strides = array<i32>} : memref<512x2048xf32, #tpu.memory_space<vmem>>, vector<512x512xf32>,
    %reduce_max3A_88 = arith.constant dense<0xFF800000> : vector<512xf32>
    %reduce_max3A_89 = vector.multi_reduction <maximumf>, %select_n3A_82, %reduce_max3A_88 [1] : vector<512x512xf32> to vector<512xf32>
    %broadcast_in_dim3A_90 = vector.shape_cast %reduce_max3A_89 : vector<512xf32> to vector<512x1xf32>
    %max3A_91 = arith.maximumf %while3A_70, %broadcast_in_dim3A_90 : vector<512x1xf32>
    %add3A_92 = arith.constant 1 : i32
    %add3A_93 = arith.addi %arg1, %add3A_92 : i32
    %broadcast_in_dim3A_94 = arith.constant 0.000000e+00 : f32
    %broadcast_in_dim3A_95 = vector.broadcast %broadcast_in_dim3A_94 : f32 to vector<512x64xf32>
    %broadcast_in_dim3A_96 = arith.constant 0.000000e+00 : f32
    %broadcast_in_dim3A_97 = vector.broadcast %broadcast_in_dim3A_96 : f32 to vector<512x1xf32>
    %while3A_98 = arith.constant 0 : i32
    %while3A_99 = arith.subi %add3A_93, %while3A_98 : i32
    %while3A_100 = arith.addi %while3A_98, %while3A_99 : i32
    %while3A_101 = arith.constant 1 : i32
    %while3A_102 = arith.divsi %while3A_99, %while3A_101 : i32
    %while3A_103 = arith.muli %while3A_102, %while3A_101 : i32
    %while3A_104 = arith.addi %while3A_98, %while3A_103 : i32
    %while3A_105 = arith.constant 1 : i32
    %while3A_106:2 = scf.for %while3A_1013 = %while3A_98 to %while3A_104 step %while3A_105 iter_args(%while3A_1014 = %broadcast_in_dim3A_95, %while3A_1015 = %broadcast_in_dim3A_97) -> (vector<512x64xf32>, vector<512x1xf32>)  : i32 {
      %mul3A_1016 = arith.constant 512 : i32
      %mul3A_1017 = arith.muli %while3A_1013, %mul3A_1016 : i32
      %get3A_1018 = arith.constant 0 : index
      %get3A_1019 = arith.index_cast %mul3A_1017 : i32 to index
      %get3A_1020 = vector.load %arg6[%get3A_1018, %get3A_1019] : memref<512x2048xf32, #tpu.memory_space<vmem>>, vector<512x512xf32>
      %sub3A = vector.broadcast %max3A_91 : vector<512x1xf32> to vector<512x512xf32>
      %sub3A_1021 = arith.subf %get3A_1020, %sub3A : vector<512x512xf32>
      %exp3A = math.exp %sub3A_1021 : vector<512x512xf32>
      %reduce_sum3A = arith.constant dense<0.000000e+00> : vector<512xf32>
      %reduce_sum3A_1022 = vector.multi_reduction <add>, %exp3A, %reduce_sum3A [1] : vector<512x512xf32> to vector<512xf32>
      %broadcast_in_dim3A_1023 = vector.shape_cast %reduce_sum3A_1022 : vector<512xf32> to vector<512x1xf32>
      %add3A_1024 = arith.addf %while3A_1015, %broadcast_in_dim3A_1023 : vector<512x1xf32>
      %convert_element_type3A = arith.truncf %exp3A : vector<512x512xf32> to vector<512x512xbf16>
      %mul3A_1025 = arith.constant 512 : i32
      %mul3A_1026 = arith.muli %while3A_1013, %mul3A_1025 : i32
      %get3A_1027 = arith.constant 0 : index
      %get3A_1028 = arith.index_cast %mul3A_1026 : i32 to index
      %get3A_1029 = arith.constant 64 : index
      %get3A_1030 = vector.load %arg4[%get3A_1027, %get3A_1028, %get3A_1029] : memref<1x2048x1024xbf16, #tpu.memory_space<vmem>>, vector<1x512x64xbf16>
      %get3A_1031 = vector.shape_cast %get3A_1030 : vector<1x512x64xbf16> to vector<512x64xbf16>
      %dot_general3A_1032 = arith.constant dense<0.000000e+00> : vector<512x64xf32>
      %dot_general3A_1033 = tpu.matmul %convert_element_type3A, %get3A_1031, %dot_general3A_1032 {dimension_numbers = #tpu.dot_dimension_numbers<[1], [0], [0], [1], [0, 0, 1, 1], [], []>, transpose_lhs_hint = false} : vector<512x512xbf16>, vector<512x64xbf16>, vector<512x64xf32> -> vector<512x64xf32>
      %add3A_1034 = arith.addf %while3A_1014, %dot_general3A_1033 : vector<512x64xf32>
      scf.yield %add3A_1034, %add3A_1024 : vector<512x64xf32>, vector<512x1xf32>
    }
    %while3A_107 = arith.constant 1 : i32
    %while3A_108:2 = scf.for %while3A_1013 = %while3A_104 to %while3A_100 step %while3A_107 iter_args(%while3A_1014 = %while3A_106#0, %while3A_1015 = %while3A_106#1) -> (vector<512x64xf32>, vector<512x1xf32>)  : i32 {
      %mul3A_1016 = arith.constant 512 : i32
      %mul3A_1017 = arith.muli %while3A_1013, %mul3A_1016 : i32
      %get3A_1018 = arith.constant 0 : index
      %get3A_1019 = arith.index_cast %mul3A_1017 : i32 to index
      %get3A_1020 = vector.load %arg6[%get3A_1018, %get3A_1019] : memref<512x2048xf32, #tpu.memory_space<vmem>>, vector<512x512xf32>
      %sub3A = vector.broadcast %max3A_91 : vector<512x1xf32> to vector<512x512xf32>
      %sub3A_1021 = arith.subf %get3A_1020, %sub3A : vector<512x512xf32>
      %exp3A = math.exp %sub3A_1021 : vector<512x512xf32>
      %reduce_sum3A = arith.constant dense<0.000000e+00> : vector<512xf32>
      %reduce_sum3A_1022 = vector.multi_reduction <add>, %exp3A, %reduce_sum3A [1] : vector<512x512xf32> to vector<512xf32>
      %broadcast_in_dim3A_1023 = vector.shape_cast %reduce_sum3A_1022 : vector<512xf32> to vector<512x1xf32>
      %add3A_1024 = arith.addf %while3A_1015, %broadcast_in_dim3A_1023 : vector<512x1xf32>
      %convert_element_type3A = arith.truncf %exp3A : vector<512x512xf32> to vector<512x512xbf16>
      %mul3A_1025 = arith.constant 512 : i32
      %mul3A_1026 = arith.muli %while3A_1013, %mul3A_1025 : i32
      %get3A_1027 = arith.constant 0 : index
      %get3A_1028 = arith.index_cast %mul3A_1026 : i32 to index
      %get3A_1029 = arith.constant 64 : index
      %get3A_1030 = vector.load %arg4[%get3A_1027, %get3A_1028, %get3A_1029] : memref<1x2048x1024xbf16, #tpu.memory_space<vmem>>, vector<1x512x64xbf16>
      %get3A_1031 = vector.shape_cast %get3A_1030 : vector<1x512x64xbf16> to vector<512x64xbf16>
      %dot_general3A_1032 = arith.constant dense<0.000000e+00> : vector<512x64xf32>
      %dot_general3A_1033 = tpu.matmul %convert_element_type3A, %get3A_1031, %dot_general3A_1032 {dimension_numbers = #tpu.dot_dimension_numbers<[1], [0], [0], [1], [0, 0, 1, 1], [], []>, transpose_lhs_hint = false} : vector<512x512xbf16>, vector<512x64xbf16>, vector<512x64xf32> -> vector<512x64xf32>
      %add3A_1034 = arith.addf %while3A_1014, %dot_general3A_1033 : vector<512x64xf32>
      scf.yield %add3A_1034, %add3A_1024 : vector<512x64xf32>, vector<512x1xf32>
    }
    %div3A_109 = vector.broadcast %while3A_108#1 : vector<512x1xf32> to vector<512x64xf32>
    %div3A_110 = arith.divf %while3A_108#0, %div3A_109 : vector<512x64xf32>
    %swap3A_111 = arith.constant 0 : index
    %swap3A_112 = arith.constant 0 : index
    %swap3A_113 = arith.constant 64 : index
    %swap3A_114 = vector.load %arg5[%swap3A_111, %swap3A_112, %swap3A_113] : memref<1x512x1024xf32, #tpu.memory_space<vmem>>, vector<1x512x64xf32>
    %swap3A_115 = vector.shape_cast %swap3A_114 : vector<1x512x64xf32> to vector<512x64xf32>
    %swap3A_116 = vector.shape_cast %div3A_110 : vector<512x64xf32> to vector<1x512x64xf32>
    tpu.vector_store %arg5[%swap3A_111, %swap3A_112, %swap3A_113], %swap3A_116 {strides = array<i32>} : memref<1x512x1024xf32, #tpu.memory_space<vmem>>, vector<1x512x64xf32>,
    %get3A_117 = arith.constant 0 : index
    %get3A_118 = arith.constant 0 : index
    %get3A_119 = arith.constant 128 : index
    %get3A_120 = vector.load %arg2[%get3A_117, %get3A_118, %get3A_119] : memref<1x512x1024xbf16, #tpu.memory_space<vmem>>, vector<1x512x64xbf16>
    %get3A_121 = vector.shape_cast %get3A_120 : vector<1x512x64xbf16> to vector<512x64xbf16>
    %broadcast_in_dim3A_122 = arith.constant 0xFF800000 : f32
    %broadcast_in_dim3A_123 = vector.broadcast %broadcast_in_dim3A_122 : f32 to vector<512x1xf32>
    %while3A_124 = arith.constant 0 : i32
    %while3A_125 = arith.subi %arg1, %while3A_124 : i32
    %while3A_126 = arith.addi %while3A_124, %while3A_125 : i32
    %while3A_127 = arith.constant 1 : i32
    %while3A_128 = arith.divsi %while3A_125, %while3A_127 : i32
    %while3A_129 = arith.muli %while3A_128, %while3A_127 : i32
    %while3A_130 = arith.addi %while3A_124, %while3A_129 : i32
    %while3A_131 = arith.constant 1 : i32
    %while3A_132 = scf.for %while3A_1013 = %while3A_124 to %while3A_130 step %while3A_131 iter_args(%while3A_1014 = %broadcast_in_dim3A_123) -> (vector<512x1xf32>)  : i32 {
      %mul3A_1015 = arith.constant 512 : i32
      %mul3A_1016 = arith.muli %while3A_1013, %mul3A_1015 : i32
      %get3A_1017 = arith.constant 0 : index
      %get3A_1018 = arith.index_cast %mul3A_1016 : i32 to index
      %get3A_1019 = arith.constant 128 : index
      %get3A_1020 = vector.load %arg3[%get3A_1017, %get3A_1018, %get3A_1019] : memref<1x2048x1024xbf16, #tpu.memory_space<vmem>>, vector<1x512x64xbf16>
      %get3A_1021 = vector.shape_cast %get3A_1020 : vector<1x512x64xbf16> to vector<512x64xbf16>
      %dot_general3A_1022 = arith.constant dense<0.000000e+00> : vector<512x512xf32>
      %dot_general3A_1023 = tpu.matmul %get3A_121, %get3A_1021, %dot_general3A_1022 {dimension_numbers = #tpu.dot_dimension_numbers<[1], [1], [0], [0], [0, 0, 1, 0], [], []>, transpose_lhs_hint = false} : vector<512x64xbf16>, vector<512x64xbf16>, vector<512x512xf32> -> vector<512x512xf32>
      %mul3A_1024 = arith.constant 512 : i32
      %mul3A_1025 = arith.muli %while3A_1013, %mul3A_1024 : i32
      %swap3A_1026 = arith.constant 0 : index
      %swap3A_1027 = arith.index_cast %mul3A_1025 : i32 to index
      %swap3A_1028 = vector.load %arg6[%swap3A_1026, %swap3A_1027] : memref<512x2048xf32, #tpu.memory_space<vmem>>, vector<512x512xf32>
      tpu.vector_store %arg6[%swap3A_1026, %swap3A_1027], %dot_general3A_1023 {strides = array<i32>} : memref<512x2048xf32, #tpu.memory_space<vmem>>, vector<512x512xf32>,
      %reduce_max3A_1029 = arith.constant dense<0xFF800000> : vector<512xf32>
      %reduce_max3A_1030 = vector.multi_reduction <maximumf>, %dot_general3A_1023, %reduce_max3A_1029 [1] : vector<512x512xf32> to vector<512xf32>
      %broadcast_in_dim3A_1031 = vector.shape_cast %reduce_max3A_1030 : vector<512xf32> to vector<512x1xf32>
      %max3A_1032 = arith.maximumf %while3A_1014, %broadcast_in_dim3A_1031 : vector<512x1xf32>
      scf.yield %max3A_1032 : vector<512x1xf32>
    }
    %while3A_133 = arith.constant 1 : i32
    %while3A_134 = scf.for %while3A_1013 = %while3A_130 to %while3A_126 step %while3A_133 iter_args(%while3A_1014 = %while3A_132) -> (vector<512x1xf32>)  : i32 {
      %mul3A_1015 = arith.constant 512 : i32
      %mul3A_1016 = arith.muli %while3A_1013, %mul3A_1015 : i32
      %get3A_1017 = arith.constant 0 : index
      %get3A_1018 = arith.index_cast %mul3A_1016 : i32 to index
      %get3A_1019 = arith.constant 128 : index
      %get3A_1020 = vector.load %arg3[%get3A_1017, %get3A_1018, %get3A_1019] : memref<1x2048x1024xbf16, #tpu.memory_space<vmem>>, vector<1x512x64xbf16>
      %get3A_1021 = vector.shape_cast %get3A_1020 : vector<1x512x64xbf16> to vector<512x64xbf16>
      %dot_general3A_1022 = arith.constant dense<0.000000e+00> : vector<512x512xf32>
      %dot_general3A_1023 = tpu.matmul %get3A_121, %get3A_1021, %dot_general3A_1022 {dimension_numbers = #tpu.dot_dimension_numbers<[1], [1], [0], [0], [0, 0, 1, 0], [], []>, transpose_lhs_hint = false} : vector<512x64xbf16>, vector<512x64xbf16>, vector<512x512xf32> -> vector<512x512xf32>
      %mul3A_1024 = arith.constant 512 : i32
      %mul3A_1025 = arith.muli %while3A_1013, %mul3A_1024 : i32
      %swap3A_1026 = arith.constant 0 : index
      %swap3A_1027 = arith.index_cast %mul3A_1025 : i32 to index
      %swap3A_1028 = vector.load %arg6[%swap3A_1026, %swap3A_1027] : memref<512x2048xf32, #tpu.memory_space<vmem>>, vector<512x512xf32>
      tpu.vector_store %arg6[%swap3A_1026, %swap3A_1027], %dot_general3A_1023 {strides = array<i32>} : memref<512x2048xf32, #tpu.memory_space<vmem>>, vector<512x512xf32>,
      %reduce_max3A_1029 = arith.constant dense<0xFF800000> : vector<512xf32>
      %reduce_max3A_1030 = vector.multi_reduction <maximumf>, %dot_general3A_1023, %reduce_max3A_1029 [1] : vector<512x512xf32> to vector<512xf32>
      %broadcast_in_dim3A_1031 = vector.shape_cast %reduce_max3A_1030 : vector<512xf32> to vector<512x1xf32>
      %max3A_1032 = arith.maximumf %while3A_1014, %broadcast_in_dim3A_1031 : vector<512x1xf32>
      scf.yield %max3A_1032 : vector<512x1xf32>
    }
    %mul3A_135 = arith.constant 512 : i32
    %mul3A_136 = arith.muli %arg1, %mul3A_135 : i32
    %get3A_137 = arith.constant 0 : index
    %get3A_138 = arith.index_cast %mul3A_136 : i32 to index
    %get3A_139 = arith.constant 128 : index
    %get3A_140 = vector.load %arg3[%get3A_137, %get3A_138, %get3A_139] : memref<1x2048x1024xbf16, #tpu.memory_space<vmem>>, vector<1x512x64xbf16>
    %get3A_141 = vector.shape_cast %get3A_140 : vector<1x512x64xbf16> to vector<512x64xbf16>
    %dot_general3A_142 = arith.constant dense<0.000000e+00> : vector<512x512xf32>
    %dot_general3A_143 = tpu.matmul %get3A_121, %get3A_141, %dot_general3A_142 {dimension_numbers = #tpu.dot_dimension_numbers<[1], [1], [0], [0], [0, 0, 1, 0], [], []>, transpose_lhs_hint = false} : vector<512x64xbf16>, vector<512x64xbf16>, vector<512x512xf32> -> vector<512x512xf32>
    %jit3A_144 = arith.constant -1.000000e+30 : f32
    %broadcast_in_dim3A_145 = vector.broadcast %jit3A_144 : f32 to vector<512x512xf32>
    %select_n3A_146 = arith.select %le3A, %dot_general3A_143, %broadcast_in_dim3A_145 : vector<512x512xi1>, vector<512x512xf32>
    %mul3A_147 = arith.constant 512 : i32
    %mul3A_148 = arith.muli %arg1, %mul3A_147 : i32
    %swap3A_149 = arith.constant 0 : index
    %swap3A_150 = arith.index_cast %mul3A_148 : i32 to index
    %swap3A_151 = vector.load %arg6[%swap3A_149, %swap3A_150] : memref<512x2048xf32, #tpu.memory_space<vmem>>, vector<512x512xf32>
    tpu.vector_store %arg6[%swap3A_149, %swap3A_150], %select_n3A_146 {strides = array<i32>} : memref<512x2048xf32, #tpu.memory_space<vmem>>, vector<512x512xf32>,
    %reduce_max3A_152 = arith.constant dense<0xFF800000> : vector<512xf32>
    %reduce_max3A_153 = vector.multi_reduction <maximumf>, %select_n3A_146, %reduce_max3A_152 [1] : vector<512x512xf32> to vector<512xf32>
    %broadcast_in_dim3A_154 = vector.shape_cast %reduce_max3A_153 : vector<512xf32> to vector<512x1xf32>
    %max3A_155 = arith.maximumf %while3A_134, %broadcast_in_dim3A_154 : vector<512x1xf32>
    %add3A_156 = arith.constant 1 : i32
    %add3A_157 = arith.addi %arg1, %add3A_156 : i32
    %broadcast_in_dim3A_158 = arith.constant 0.000000e+00 : f32
    %broadcast_in_dim3A_159 = vector.broadcast %broadcast_in_dim3A_158 : f32 to vector<512x64xf32>
    %broadcast_in_dim3A_160 = arith.constant 0.000000e+00 : f32
    %broadcast_in_dim3A_161 = vector.broadcast %broadcast_in_dim3A_160 : f32 to vector<512x1xf32>
    %while3A_162 = arith.constant 0 : i32
    %while3A_163 = arith.subi %add3A_157, %while3A_162 : i32
    %while3A_164 = arith.addi %while3A_162, %while3A_163 : i32
    %while3A_165 = arith.constant 1 : i32
    %while3A_166 = arith.divsi %while3A_163, %while3A_165 : i32
    %while3A_167 = arith.muli %while3A_166, %while3A_165 : i32
    %while3A_168 = arith.addi %while3A_162, %while3A_167 : i32
    %while3A_169 = arith.constant 1 : i32
    %while3A_170:2 = scf.for %while3A_1013 = %while3A_162 to %while3A_168 step %while3A_169 iter_args(%while3A_1014 = %broadcast_in_dim3A_159, %while3A_1015 = %broadcast_in_dim3A_161) -> (vector<512x64xf32>, vector<512x1xf32>)  : i32 {
      %mul3A_1016 = arith.constant 512 : i32
      %mul3A_1017 = arith.muli %while3A_1013, %mul3A_1016 : i32
      %get3A_1018 = arith.constant 0 : index
      %get3A_1019 = arith.index_cast %mul3A_1017 : i32 to index
      %get3A_1020 = vector.load %arg6[%get3A_1018, %get3A_1019] : memref<512x2048xf32, #tpu.memory_space<vmem>>, vector<512x512xf32>
      %sub3A = vector.broadcast %max3A_155 : vector<512x1xf32> to vector<512x512xf32>
      %sub3A_1021 = arith.subf %get3A_1020, %sub3A : vector<512x512xf32>
      %exp3A = math.exp %sub3A_1021 : vector<512x512xf32>
      %reduce_sum3A = arith.constant dense<0.000000e+00> : vector<512xf32>
      %reduce_sum3A_1022 = vector.multi_reduction <add>, %exp3A, %reduce_sum3A [1] : vector<512x512xf32> to vector<512xf32>
      %broadcast_in_dim3A_1023 = vector.shape_cast %reduce_sum3A_1022 : vector<512xf32> to vector<512x1xf32>
      %add3A_1024 = arith.addf %while3A_1015, %broadcast_in_dim3A_1023 : vector<512x1xf32>
      %convert_element_type3A = arith.truncf %exp3A : vector<512x512xf32> to vector<512x512xbf16>
      %mul3A_1025 = arith.constant 512 : i32
      %mul3A_1026 = arith.muli %while3A_1013, %mul3A_1025 : i32
      %get3A_1027 = arith.constant 0 : index
      %get3A_1028 = arith.index_cast %mul3A_1026 : i32 to index
      %get3A_1029 = arith.constant 128 : index
      %get3A_1030 = vector.load %arg4[%get3A_1027, %get3A_1028, %get3A_1029] : memref<1x2048x1024xbf16, #tpu.memory_space<vmem>>, vector<1x512x64xbf16>
      %get3A_1031 = vector.shape_cast %get3A_1030 : vector<1x512x64xbf16> to vector<512x64xbf16>
      %dot_general3A_1032 = arith.constant dense<0.000000e+00> : vector<512x64xf32>
      %dot_general3A_1033 = tpu.matmul %convert_element_type3A, %get3A_1031, %dot_general3A_1032 {dimension_numbers = #tpu.dot_dimension_numbers<[1], [0], [0], [1], [0, 0, 1, 1], [], []>, transpose_lhs_hint = false} : vector<512x512xbf16>, vector<512x64xbf16>, vector<512x64xf32> -> vector<512x64xf32>
      %add3A_1034 = arith.addf %while3A_1014, %dot_general3A_1033 : vector<512x64xf32>
      scf.yield %add3A_1034, %add3A_1024 : vector<512x64xf32>, vector<512x1xf32>
    }
    %while3A_171 = arith.constant 1 : i32
    %while3A_172:2 = scf.for %while3A_1013 = %while3A_168 to %while3A_164 step %while3A_171 iter_args(%while3A_1014 = %while3A_170#0, %while3A_1015 = %while3A_170#1) -> (vector<512x64xf32>, vector<512x1xf32>)  : i32 {
      %mul3A_1016 = arith.constant 512 : i32
      %mul3A_1017 = arith.muli %while3A_1013, %mul3A_1016 : i32
      %get3A_1018 = arith.constant 0 : index
      %get3A_1019 = arith.index_cast %mul3A_1017 : i32 to index
      %get3A_1020 = vector.load %arg6[%get3A_1018, %get3A_1019] : memref<512x2048xf32, #tpu.memory_space<vmem>>, vector<512x512xf32>
      %sub3A = vector.broadcast %max3A_155 : vector<512x1xf32> to vector<512x512xf32>
      %sub3A_1021 = arith.subf %get3A_1020, %sub3A : vector<512x512xf32>
      %exp3A = math.exp %sub3A_1021 : vector<512x512xf32>
      %reduce_sum3A = arith.constant dense<0.000000e+00> : vector<512xf32>
      %reduce_sum3A_1022 = vector.multi_reduction <add>, %exp3A, %reduce_sum3A [1] : vector<512x512xf32> to vector<512xf32>
      %broadcast_in_dim3A_1023 = vector.shape_cast %reduce_sum3A_1022 : vector<512xf32> to vector<512x1xf32>
      %add3A_1024 = arith.addf %while3A_1015, %broadcast_in_dim3A_1023 : vector<512x1xf32>
      %convert_element_type3A = arith.truncf %exp3A : vector<512x512xf32> to vector<512x512xbf16>
      %mul3A_1025 = arith.constant 512 : i32
      %mul3A_1026 = arith.muli %while3A_1013, %mul3A_1025 : i32
      %get3A_1027 = arith.constant 0 : index
      %get3A_1028 = arith.index_cast %mul3A_1026 : i32 to index
      %get3A_1029 = arith.constant 128 : index
      %get3A_1030 = vector.load %arg4[%get3A_1027, %get3A_1028, %get3A_1029] : memref<1x2048x1024xbf16, #tpu.memory_space<vmem>>, vector<1x512x64xbf16>
      %get3A_1031 = vector.shape_cast %get3A_1030 : vector<1x512x64xbf16> to vector<512x64xbf16>
      %dot_general3A_1032 = arith.constant dense<0.000000e+00> : vector<512x64xf32>
      %dot_general3A_1033 = tpu.matmul %convert_element_type3A, %get3A_1031, %dot_general3A_1032 {dimension_numbers = #tpu.dot_dimension_numbers<[1], [0], [0], [1], [0, 0, 1, 1], [], []>, transpose_lhs_hint = false} : vector<512x512xbf16>, vector<512x64xbf16>, vector<512x64xf32> -> vector<512x64xf32>
      %add3A_1034 = arith.addf %while3A_1014, %dot_general3A_1033 : vector<512x64xf32>
      scf.yield %add3A_1034, %add3A_1024 : vector<512x64xf32>, vector<512x1xf32>
    }
    %div3A_173 = vector.broadcast %while3A_172#1 : vector<512x1xf32> to vector<512x64xf32>
    %div3A_174 = arith.divf %while3A_172#0, %div3A_173 : vector<512x64xf32>
    %swap3A_175 = arith.constant 0 : index
    %swap3A_176 = arith.constant 0 : index
    %swap3A_177 = arith.constant 128 : index
    %swap3A_178 = vector.load %arg5[%swap3A_175, %swap3A_176, %swap3A_177] : memref<1x512x1024xf32, #tpu.memory_space<vmem>>, vector<1x512x64xf32>
    %swap3A_179 = vector.shape_cast %swap3A_178 : vector<1x512x64xf32> to vector<512x64xf32>
    %swap3A_180 = vector.shape_cast %div3A_174 : vector<512x64xf32> to vector<1x512x64xf32>
    tpu.vector_store %arg5[%swap3A_175, %swap3A_176, %swap3A_177], %swap3A_180 {strides = array<i32>} : memref<1x512x1024xf32, #tpu.memory_space<vmem>>, vector<1x512x64xf32>,
    %get3A_181 = arith.constant 0 : index
    %get3A_182 = arith.constant 0 : index
    %get3A_183 = arith.constant 192 : index
    %get3A_184 = vector.load %arg2[%get3A_181, %get3A_182, %get3A_183] : memref<1x512x1024xbf16, #tpu.memory_space<vmem>>, vector<1x512x64xbf16>
    %get3A_185 = vector.shape_cast %get3A_184 : vector<1x512x64xbf16> to vector<512x64xbf16>
    %broadcast_in_dim3A_186 = arith.constant 0xFF800000 : f32
    %broadcast_in_dim3A_187 = vector.broadcast %broadcast_in_dim3A_186 : f32 to vector<512x1xf32>
    %while3A_188 = arith.constant 0 : i32
    %while3A_189 = arith.subi %arg1, %while3A_188 : i32
    %while3A_190 = arith.addi %while3A_188, %while3A_189 : i32
    %while3A_191 = arith.constant 1 : i32
    %while3A_192 = arith.divsi %while3A_189, %while3A_191 : i32
    %while3A_193 = arith.muli %while3A_192, %while3A_191 : i32
    %while3A_194 = arith.addi %while3A_188, %while3A_193 : i32
    %while3A_195 = arith.constant 1 : i32
    %while3A_196 = scf.for %while3A_1013 = %while3A_188 to %while3A_194 step %while3A_195 iter_args(%while3A_1014 = %broadcast_in_dim3A_187) -> (vector<512x1xf32>)  : i32 {
      %mul3A_1015 = arith.constant 512 : i32
      %mul3A_1016 = arith.muli %while3A_1013, %mul3A_1015 : i32
      %get3A_1017 = arith.constant 0 : index
      %get3A_1018 = arith.index_cast %mul3A_1016 : i32 to index
      %get3A_1019 = arith.constant 192 : index
      %get3A_1020 = vector.load %arg3[%get3A_1017, %get3A_1018, %get3A_1019] : memref<1x2048x1024xbf16, #tpu.memory_space<vmem>>, vector<1x512x64xbf16>
      %get3A_1021 = vector.shape_cast %get3A_1020 : vector<1x512x64xbf16> to vector<512x64xbf16>
      %dot_general3A_1022 = arith.constant dense<0.000000e+00> : vector<512x512xf32>
      %dot_general3A_1023 = tpu.matmul %get3A_185, %get3A_1021, %dot_general3A_1022 {dimension_numbers = #tpu.dot_dimension_numbers<[1], [1], [0], [0], [0, 0, 1, 0], [], []>, transpose_lhs_hint = false} : vector<512x64xbf16>, vector<512x64xbf16>, vector<512x512xf32> -> vector<512x512xf32>
      %mul3A_1024 = arith.constant 512 : i32
      %mul3A_1025 = arith.muli %while3A_1013, %mul3A_1024 : i32
      %swap3A_1026 = arith.constant 0 : index
      %swap3A_1027 = arith.index_cast %mul3A_1025 : i32 to index
      %swap3A_1028 = vector.load %arg6[%swap3A_1026, %swap3A_1027] : memref<512x2048xf32, #tpu.memory_space<vmem>>, vector<512x512xf32>
      tpu.vector_store %arg6[%swap3A_1026, %swap3A_1027], %dot_general3A_1023 {strides = array<i32>} : memref<512x2048xf32, #tpu.memory_space<vmem>>, vector<512x512xf32>,
      %reduce_max3A_1029 = arith.constant dense<0xFF800000> : vector<512xf32>
      %reduce_max3A_1030 = vector.multi_reduction <maximumf>, %dot_general3A_1023, %reduce_max3A_1029 [1] : vector<512x512xf32> to vector<512xf32>
      %broadcast_in_dim3A_1031 = vector.shape_cast %reduce_max3A_1030 : vector<512xf32> to vector<512x1xf32>
      %max3A_1032 = arith.maximumf %while3A_1014, %broadcast_in_dim3A_1031 : vector<512x1xf32>
      scf.yield %max3A_1032 : vector<512x1xf32>
    }
    %while3A_197 = arith.constant 1 : i32
    %while3A_198 = scf.for %while3A_1013 = %while3A_194 to %while3A_190 step %while3A_197 iter_args(%while3A_1014 = %while3A_196) -> (vector<512x1xf32>)  : i32 {
      %mul3A_1015 = arith.constant 512 : i32
      %mul3A_1016 = arith.muli %while3A_1013, %mul3A_1015 : i32
      %get3A_1017 = arith.constant 0 : index
      %get3A_1018 = arith.index_cast %mul3A_1016 : i32 to index
      %get3A_1019 = arith.constant 192 : index
      %get3A_1020 = vector.load %arg3[%get3A_1017, %get3A_1018, %get3A_1019] : memref<1x2048x1024xbf16, #tpu.memory_space<vmem>>, vector<1x512x64xbf16>
      %get3A_1021 = vector.shape_cast %get3A_1020 : vector<1x512x64xbf16> to vector<512x64xbf16>
      %dot_general3A_1022 = arith.constant dense<0.000000e+00> : vector<512x512xf32>
      %dot_general3A_1023 = tpu.matmul %get3A_185, %get3A_1021, %dot_general3A_1022 {dimension_numbers = #tpu.dot_dimension_numbers<[1], [1], [0], [0], [0, 0, 1, 0], [], []>, transpose_lhs_hint = false} : vector<512x64xbf16>, vector<512x64xbf16>, vector<512x512xf32> -> vector<512x512xf32>
      %mul3A_1024 = arith.constant 512 : i32
      %mul3A_1025 = arith.muli %while3A_1013, %mul3A_1024 : i32
      %swap3A_1026 = arith.constant 0 : index
      %swap3A_1027 = arith.index_cast %mul3A_1025 : i32 to index
      %swap3A_1028 = vector.load %arg6[%swap3A_1026, %swap3A_1027] : memref<512x2048xf32, #tpu.memory_space<vmem>>, vector<512x512xf32>
      tpu.vector_store %arg6[%swap3A_1026, %swap3A_1027], %dot_general3A_1023 {strides = array<i32>} : memref<512x2048xf32, #tpu.memory_space<vmem>>, vector<512x512xf32>,
      %reduce_max3A_1029 = arith.constant dense<0xFF800000> : vector<512xf32>
      %reduce_max3A_1030 = vector.multi_reduction <maximumf>, %dot_general3A_1023, %reduce_max3A_1029 [1] : vector<512x512xf32> to vector<512xf32>
      %broadcast_in_dim3A_1031 = vector.shape_cast %reduce_max3A_1030 : vector<512xf32> to vector<512x1xf32>
      %max3A_1032 = arith.maximumf %while3A_1014, %broadcast_in_dim3A_1031 : vector<512x1xf32>
      scf.yield %max3A_1032 : vector<512x1xf32>
    }
    %mul3A_199 = arith.constant 512 : i32
    %mul3A_200 = arith.muli %arg1, %mul3A_199 : i32
    %get3A_201 = arith.constant 0 : index
    %get3A_202 = arith.index_cast %mul3A_200 : i32 to index
    %get3A_203 = arith.constant 192 : index
    %get3A_204 = vector.load %arg3[%get3A_201, %get3A_202, %get3A_203] : memref<1x2048x1024xbf16, #tpu.memory_space<vmem>>, vector<1x512x64xbf16>
    %get3A_205 = vector.shape_cast %get3A_204 : vector<1x512x64xbf16> to vector<512x64xbf16>
    %dot_general3A_206 = arith.constant dense<0.000000e+00> : vector<512x512xf32>
    %dot_general3A_207 = tpu.matmul %get3A_185, %get3A_205, %dot_general3A_206 {dimension_numbers = #tpu.dot_dimension_numbers<[1], [1], [0], [0], [0, 0, 1, 0], [], []>, transpose_lhs_hint = false} : vector<512x64xbf16>, vector<512x64xbf16>, vector<512x512xf32> -> vector<512x512xf32>
    %jit3A_208 = arith.constant -1.000000e+30 : f32
    %broadcast_in_dim3A_209 = vector.broadcast %jit3A_208 : f32 to vector<512x512xf32>
    %select_n3A_210 = arith.select %le3A, %dot_general3A_207, %broadcast_in_dim3A_209 : vector<512x512xi1>, vector<512x512xf32>
    %mul3A_211 = arith.constant 512 : i32
    %mul3A_212 = arith.muli %arg1, %mul3A_211 : i32
    %swap3A_213 = arith.constant 0 : index
    %swap3A_214 = arith.index_cast %mul3A_212 : i32 to index
    %swap3A_215 = vector.load %arg6[%swap3A_213, %swap3A_214] : memref<512x2048xf32, #tpu.memory_space<vmem>>, vector<512x512xf32>
    tpu.vector_store %arg6[%swap3A_213, %swap3A_214], %select_n3A_210 {strides = array<i32>} : memref<512x2048xf32, #tpu.memory_space<vmem>>, vector<512x512xf32>,
    %reduce_max3A_216 = arith.constant dense<0xFF800000> : vector<512xf32>
    %reduce_max3A_217 = vector.multi_reduction <maximumf>, %select_n3A_210, %reduce_max3A_216 [1] : vector<512x512xf32> to vector<512xf32>
    %broadcast_in_dim3A_218 = vector.shape_cast %reduce_max3A_217 : vector<512xf32> to vector<512x1xf32>
    %max3A_219 = arith.maximumf %while3A_198, %broadcast_in_dim3A_218 : vector<512x1xf32>
    %add3A_220 = arith.constant 1 : i32
    %add3A_221 = arith.addi %arg1, %add3A_220 : i32
    %broadcast_in_dim3A_222 = arith.constant 0.000000e+00 : f32
    %broadcast_in_dim3A_223 = vector.broadcast %broadcast_in_dim3A_222 : f32 to vector<512x64xf32>
    %broadcast_in_dim3A_224 = arith.constant 0.000000e+00 : f32
    %broadcast_in_dim3A_225 = vector.broadcast %broadcast_in_dim3A_224 : f32 to vector<512x1xf32>
    %while3A_226 = arith.constant 0 : i32
    %while3A_227 = arith.subi %add3A_221, %while3A_226 : i32
    %while3A_228 = arith.addi %while3A_226, %while3A_227 : i32
    %while3A_229 = arith.constant 1 : i32
    %while3A_230 = arith.divsi %while3A_227, %while3A_229 : i32
    %while3A_231 = arith.muli %while3A_230, %while3A_229 : i32
    %while3A_232 = arith.addi %while3A_226, %while3A_231 : i32
    %while3A_233 = arith.constant 1 : i32
    %while3A_234:2 = scf.for %while3A_1013 = %while3A_226 to %while3A_232 step %while3A_233 iter_args(%while3A_1014 = %broadcast_in_dim3A_223, %while3A_1015 = %broadcast_in_dim3A_225) -> (vector<512x64xf32>, vector<512x1xf32>)  : i32 {
      %mul3A_1016 = arith.constant 512 : i32
      %mul3A_1017 = arith.muli %while3A_1013, %mul3A_1016 : i32
      %get3A_1018 = arith.constant 0 : index
      %get3A_1019 = arith.index_cast %mul3A_1017 : i32 to index
      %get3A_1020 = vector.load %arg6[%get3A_1018, %get3A_1019] : memref<512x2048xf32, #tpu.memory_space<vmem>>, vector<512x512xf32>
      %sub3A = vector.broadcast %max3A_219 : vector<512x1xf32> to vector<512x512xf32>
      %sub3A_1021 = arith.subf %get3A_1020, %sub3A : vector<512x512xf32>
      %exp3A = math.exp %sub3A_1021 : vector<512x512xf32>
      %reduce_sum3A = arith.constant dense<0.000000e+00> : vector<512xf32>
      %reduce_sum3A_1022 = vector.multi_reduction <add>, %exp3A, %reduce_sum3A [1] : vector<512x512xf32> to vector<512xf32>
      %broadcast_in_dim3A_1023 = vector.shape_cast %reduce_sum3A_1022 : vector<512xf32> to vector<512x1xf32>
      %add3A_1024 = arith.addf %while3A_1015, %broadcast_in_dim3A_1023 : vector<512x1xf32>
      %convert_element_type3A = arith.truncf %exp3A : vector<512x512xf32> to vector<512x512xbf16>
      %mul3A_1025 = arith.constant 512 : i32
      %mul3A_1026 = arith.muli %while3A_1013, %mul3A_1025 : i32
      %get3A_1027 = arith.constant 0 : index
      %get3A_1028 = arith.index_cast %mul3A_1026 : i32 to index
      %get3A_1029 = arith.constant 192 : index
      %get3A_1030 = vector.load %arg4[%get3A_1027, %get3A_1028, %get3A_1029] : memref<1x2048x1024xbf16, #tpu.memory_space<vmem>>, vector<1x512x64xbf16>
      %get3A_1031 = vector.shape_cast %get3A_1030 : vector<1x512x64xbf16> to vector<512x64xbf16>
      %dot_general3A_1032 = arith.constant dense<0.000000e+00> : vector<512x64xf32>
      %dot_general3A_1033 = tpu.matmul %convert_element_type3A, %get3A_1031, %dot_general3A_1032 {dimension_numbers = #tpu.dot_dimension_numbers<[1], [0], [0], [1], [0, 0, 1, 1], [], []>, transpose_lhs_hint = false} : vector<512x512xbf16>, vector<512x64xbf16>, vector<512x64xf32> -> vector<512x64xf32>
      %add3A_1034 = arith.addf %while3A_1014, %dot_general3A_1033 : vector<512x64xf32>
      scf.yield %add3A_1034, %add3A_1024 : vector<512x64xf32>, vector<512x1xf32>
    }
    %while3A_235 = arith.constant 1 : i32
    %while3A_236:2 = scf.for %while3A_1013 = %while3A_232 to %while3A_228 step %while3A_235 iter_args(%while3A_1014 = %while3A_234#0, %while3A_1015 = %while3A_234#1) -> (vector<512x64xf32>, vector<512x1xf32>)  : i32 {
      %mul3A_1016 = arith.constant 512 : i32
      %mul3A_1017 = arith.muli %while3A_1013, %mul3A_1016 : i32
      %get3A_1018 = arith.constant 0 : index
      %get3A_1019 = arith.index_cast %mul3A_1017 : i32 to index
      %get3A_1020 = vector.load %arg6[%get3A_1018, %get3A_1019] : memref<512x2048xf32, #tpu.memory_space<vmem>>, vector<512x512xf32>
      %sub3A = vector.broadcast %max3A_219 : vector<512x1xf32> to vector<512x512xf32>
      %sub3A_1021 = arith.subf %get3A_1020, %sub3A : vector<512x512xf32>
      %exp3A = math.exp %sub3A_1021 : vector<512x512xf32>
      %reduce_sum3A = arith.constant dense<0.000000e+00> : vector<512xf32>
      %reduce_sum3A_1022 = vector.multi_reduction <add>, %exp3A, %reduce_sum3A [1] : vector<512x512xf32> to vector<512xf32>
      %broadcast_in_dim3A_1023 = vector.shape_cast %reduce_sum3A_1022 : vector<512xf32> to vector<512x1xf32>
      %add3A_1024 = arith.addf %while3A_1015, %broadcast_in_dim3A_1023 : vector<512x1xf32>
      %convert_element_type3A = arith.truncf %exp3A : vector<512x512xf32> to vector<512x512xbf16>
      %mul3A_1025 = arith.constant 512 : i32
      %mul3A_1026 = arith.muli %while3A_1013, %mul3A_1025 : i32
      %get3A_1027 = arith.constant 0 : index
      %get3A_1028 = arith.index_cast %mul3A_1026 : i32 to index
      %get3A_1029 = arith.constant 192 : index
      %get3A_1030 = vector.load %arg4[%get3A_1027, %get3A_1028, %get3A_1029] : memref<1x2048x1024xbf16, #tpu.memory_space<vmem>>, vector<1x512x64xbf16>
      %get3A_1031 = vector.shape_cast %get3A_1030 : vector<1x512x64xbf16> to vector<512x64xbf16>
      %dot_general3A_1032 = arith.constant dense<0.000000e+00> : vector<512x64xf32>
      %dot_general3A_1033 = tpu.matmul %convert_element_type3A, %get3A_1031, %dot_general3A_1032 {dimension_numbers = #tpu.dot_dimension_numbers<[1], [0], [0], [1], [0, 0, 1, 1], [], []>, transpose_lhs_hint = false} : vector<512x512xbf16>, vector<512x64xbf16>, vector<512x64xf32> -> vector<512x64xf32>
      %add3A_1034 = arith.addf %while3A_1014, %dot_general3A_1033 : vector<512x64xf32>
      scf.yield %add3A_1034, %add3A_1024 : vector<512x64xf32>, vector<512x1xf32>
    }
    %div3A_237 = vector.broadcast %while3A_236#1 : vector<512x1xf32> to vector<512x64xf32>
    %div3A_238 = arith.divf %while3A_236#0, %div3A_237 : vector<512x64xf32>
    %swap3A_239 = arith.constant 0 : index
    %swap3A_240 = arith.constant 0 : index
    %swap3A_241 = arith.constant 192 : index
    %swap3A_242 = vector.load %arg5[%swap3A_239, %swap3A_240, %swap3A_241] : memref<1x512x1024xf32, #tpu.memory_space<vmem>>, vector<1x512x64xf32>
    %swap3A_243 = vector.shape_cast %swap3A_242 : vector<1x512x64xf32> to vector<512x64xf32>
    %swap3A_244 = vector.shape_cast %div3A_238 : vector<512x64xf32> to vector<1x512x64xf32>
    tpu.vector_store %arg5[%swap3A_239, %swap3A_240, %swap3A_241], %swap3A_244 {strides = array<i32>} : memref<1x512x1024xf32, #tpu.memory_space<vmem>>, vector<1x512x64xf32>,
    %get3A_245 = arith.constant 0 : index
    %get3A_246 = arith.constant 0 : index
    %get3A_247 = arith.constant 256 : index
    %get3A_248 = vector.load %arg2[%get3A_245, %get3A_246, %get3A_247] : memref<1x512x1024xbf16, #tpu.memory_space<vmem>>, vector<1x512x64xbf16>
    %get3A_249 = vector.shape_cast %get3A_248 : vector<1x512x64xbf16> to vector<512x64xbf16>
    %broadcast_in_dim3A_250 = arith.constant 0xFF800000 : f32
    %broadcast_in_dim3A_251 = vector.broadcast %broadcast_in_dim3A_250 : f32 to vector<512x1xf32>
    %while3A_252 = arith.constant 0 : i32
    %while3A_253 = arith.subi %arg1, %while3A_252 : i32
    %while3A_254 = arith.addi %while3A_252, %while3A_253 : i32
    %while3A_255 = arith.constant 1 : i32
    %while3A_256 = arith.divsi %while3A_253, %while3A_255 : i32
    %while3A_257 = arith.muli %while3A_256, %while3A_255 : i32
    %while3A_258 = arith.addi %while3A_252, %while3A_257 : i32
    %while3A_259 = arith.constant 1 : i32
    %while3A_260 = scf.for %while3A_1013 = %while3A_252 to %while3A_258 step %while3A_259 iter_args(%while3A_1014 = %broadcast_in_dim3A_251) -> (vector<512x1xf32>)  : i32 {
      %mul3A_1015 = arith.constant 512 : i32
      %mul3A_1016 = arith.muli %while3A_1013, %mul3A_1015 : i32
      %get3A_1017 = arith.constant 0 : index
      %get3A_1018 = arith.index_cast %mul3A_1016 : i32 to index
      %get3A_1019 = arith.constant 256 : index
      %get3A_1020 = vector.load %arg3[%get3A_1017, %get3A_1018, %get3A_1019] : memref<1x2048x1024xbf16, #tpu.memory_space<vmem>>, vector<1x512x64xbf16>
      %get3A_1021 = vector.shape_cast %get3A_1020 : vector<1x512x64xbf16> to vector<512x64xbf16>
      %dot_general3A_1022 = arith.constant dense<0.000000e+00> : vector<512x512xf32>
      %dot_general3A_1023 = tpu.matmul %get3A_249, %get3A_1021, %dot_general3A_1022 {dimension_numbers = #tpu.dot_dimension_numbers<[1], [1], [0], [0], [0, 0, 1, 0], [], []>, transpose_lhs_hint = false} : vector<512x64xbf16>, vector<512x64xbf16>, vector<512x512xf32> -> vector<512x512xf32>
      %mul3A_1024 = arith.constant 512 : i32
      %mul3A_1025 = arith.muli %while3A_1013, %mul3A_1024 : i32
      %swap3A_1026 = arith.constant 0 : index
      %swap3A_1027 = arith.index_cast %mul3A_1025 : i32 to index
      %swap3A_1028 = vector.load %arg6[%swap3A_1026, %swap3A_1027] : memref<512x2048xf32, #tpu.memory_space<vmem>>, vector<512x512xf32>
      tpu.vector_store %arg6[%swap3A_1026, %swap3A_1027], %dot_general3A_1023 {strides = array<i32>} : memref<512x2048xf32, #tpu.memory_space<vmem>>, vector<512x512xf32>,
      %reduce_max3A_1029 = arith.constant dense<0xFF800000> : vector<512xf32>
      %reduce_max3A_1030 = vector.multi_reduction <maximumf>, %dot_general3A_1023, %reduce_max3A_1029 [1] : vector<512x512xf32> to vector<512xf32>
      %broadcast_in_dim3A_1031 = vector.shape_cast %reduce_max3A_1030 : vector<512xf32> to vector<512x1xf32>
      %max3A_1032 = arith.maximumf %while3A_1014, %broadcast_in_dim3A_1031 : vector<512x1xf32>
      scf.yield %max3A_1032 : vector<512x1xf32>
    }
    %while3A_261 = arith.constant 1 : i32
    %while3A_262 = scf.for %while3A_1013 = %while3A_258 to %while3A_254 step %while3A_261 iter_args(%while3A_1014 = %while3A_260) -> (vector<512x1xf32>)  : i32 {
      %mul3A_1015 = arith.constant 512 : i32
      %mul3A_1016 = arith.muli %while3A_1013, %mul3A_1015 : i32
      %get3A_1017 = arith.constant 0 : index
      %get3A_1018 = arith.index_cast %mul3A_1016 : i32 to index
      %get3A_1019 = arith.constant 256 : index
      %get3A_1020 = vector.load %arg3[%get3A_1017, %get3A_1018, %get3A_1019] : memref<1x2048x1024xbf16, #tpu.memory_space<vmem>>, vector<1x512x64xbf16>
      %get3A_1021 = vector.shape_cast %get3A_1020 : vector<1x512x64xbf16> to vector<512x64xbf16>
      %dot_general3A_1022 = arith.constant dense<0.000000e+00> : vector<512x512xf32>
      %dot_general3A_1023 = tpu.matmul %get3A_249, %get3A_1021, %dot_general3A_1022 {dimension_numbers = #tpu.dot_dimension_numbers<[1], [1], [0], [0], [0, 0, 1, 0], [], []>, transpose_lhs_hint = false} : vector<512x64xbf16>, vector<512x64xbf16>, vector<512x512xf32> -> vector<512x512xf32>
      %mul3A_1024 = arith.constant 512 : i32
      %mul3A_1025 = arith.muli %while3A_1013, %mul3A_1024 : i32
      %swap3A_1026 = arith.constant 0 : index
      %swap3A_1027 = arith.index_cast %mul3A_1025 : i32 to index
      %swap3A_1028 = vector.load %arg6[%swap3A_1026, %swap3A_1027] : memref<512x2048xf32, #tpu.memory_space<vmem>>, vector<512x512xf32>
      tpu.vector_store %arg6[%swap3A_1026, %swap3A_1027], %dot_general3A_1023 {strides = array<i32>} : memref<512x2048xf32, #tpu.memory_space<vmem>>, vector<512x512xf32>,
      %reduce_max3A_1029 = arith.constant dense<0xFF800000> : vector<512xf32>
      %reduce_max3A_1030 = vector.multi_reduction <maximumf>, %dot_general3A_1023, %reduce_max3A_1029 [1] : vector<512x512xf32> to vector<512xf32>
      %broadcast_in_dim3A_1031 = vector.shape_cast %reduce_max3A_1030 : vector<512xf32> to vector<512x1xf32>
      %max3A_1032 = arith.maximumf %while3A_1014, %broadcast_in_dim3A_1031 : vector<512x1xf32>
      scf.yield %max3A_1032 : vector<512x1xf32>
    }
    %mul3A_263 = arith.constant 512 : i32
    %mul3A_264 = arith.muli %arg1, %mul3A_263 : i32
    %get3A_265 = arith.constant 0 : index
    %get3A_266 = arith.index_cast %mul3A_264 : i32 to index
    %get3A_267 = arith.constant 256 : index
    %get3A_268 = vector.load %arg3[%get3A_265, %get3A_266, %get3A_267] : memref<1x2048x1024xbf16, #tpu.memory_space<vmem>>, vector<1x512x64xbf16>
    %get3A_269 = vector.shape_cast %get3A_268 : vector<1x512x64xbf16> to vector<512x64xbf16>
    %dot_general3A_270 = arith.constant dense<0.000000e+00> : vector<512x512xf32>
    %dot_general3A_271 = tpu.matmul %get3A_249, %get3A_269, %dot_general3A_270 {dimension_numbers = #tpu.dot_dimension_numbers<[1], [1], [0], [0], [0, 0, 1, 0], [], []>, transpose_lhs_hint = false} : vector<512x64xbf16>, vector<512x64xbf16>, vector<512x512xf32> -> vector<512x512xf32>
    %jit3A_272 = arith.constant -1.000000e+30 : f32
    %broadcast_in_dim3A_273 = vector.broadcast %jit3A_272 : f32 to vector<512x512xf32>
    %select_n3A_274 = arith.select %le3A, %dot_general3A_271, %broadcast_in_dim3A_273 : vector<512x512xi1>, vector<512x512xf32>
    %mul3A_275 = arith.constant 512 : i32
    %mul3A_276 = arith.muli %arg1, %mul3A_275 : i32
    %swap3A_277 = arith.constant 0 : index
    %swap3A_278 = arith.index_cast %mul3A_276 : i32 to index
    %swap3A_279 = vector.load %arg6[%swap3A_277, %swap3A_278] : memref<512x2048xf32, #tpu.memory_space<vmem>>, vector<512x512xf32>
    tpu.vector_store %arg6[%swap3A_277, %swap3A_278], %select_n3A_274 {strides = array<i32>} : memref<512x2048xf32, #tpu.memory_space<vmem>>, vector<512x512xf32>,
    %reduce_max3A_280 = arith.constant dense<0xFF800000> : vector<512xf32>
    %reduce_max3A_281 = vector.multi_reduction <maximumf>, %select_n3A_274, %reduce_max3A_280 [1] : vector<512x512xf32> to vector<512xf32>
    %broadcast_in_dim3A_282 = vector.shape_cast %reduce_max3A_281 : vector<512xf32> to vector<512x1xf32>
    %max3A_283 = arith.maximumf %while3A_262, %broadcast_in_dim3A_282 : vector<512x1xf32>
    %add3A_284 = arith.constant 1 : i32
    %add3A_285 = arith.addi %arg1, %add3A_284 : i32
    %broadcast_in_dim3A_286 = arith.constant 0.000000e+00 : f32
    %broadcast_in_dim3A_287 = vector.broadcast %broadcast_in_dim3A_286 : f32 to vector<512x64xf32>
    %broadcast_in_dim3A_288 = arith.constant 0.000000e+00 : f32
    %broadcast_in_dim3A_289 = vector.broadcast %broadcast_in_dim3A_288 : f32 to vector<512x1xf32>
    %while3A_290 = arith.constant 0 : i32
    %while3A_291 = arith.subi %add3A_285, %while3A_290 : i32
    %while3A_292 = arith.addi %while3A_290, %while3A_291 : i32
    %while3A_293 = arith.constant 1 : i32
    %while3A_294 = arith.divsi %while3A_291, %while3A_293 : i32
    %while3A_295 = arith.muli %while3A_294, %while3A_293 : i32
    %while3A_296 = arith.addi %while3A_290, %while3A_295 : i32
    %while3A_297 = arith.constant 1 : i32
    %while3A_298:2 = scf.for %while3A_1013 = %while3A_290 to %while3A_296 step %while3A_297 iter_args(%while3A_1014 = %broadcast_in_dim3A_287, %while3A_1015 = %broadcast_in_dim3A_289) -> (vector<512x64xf32>, vector<512x1xf32>)  : i32 {
      %mul3A_1016 = arith.constant 512 : i32
      %mul3A_1017 = arith.muli %while3A_1013, %mul3A_1016 : i32
      %get3A_1018 = arith.constant 0 : index
      %get3A_1019 = arith.index_cast %mul3A_1017 : i32 to index
      %get3A_1020 = vector.load %arg6[%get3A_1018, %get3A_1019] : memref<512x2048xf32, #tpu.memory_space<vmem>>, vector<512x512xf32>
      %sub3A = vector.broadcast %max3A_283 : vector<512x1xf32> to vector<512x512xf32>
      %sub3A_1021 = arith.subf %get3A_1020, %sub3A : vector<512x512xf32>
      %exp3A = math.exp %sub3A_1021 : vector<512x512xf32>
      %reduce_sum3A = arith.constant dense<0.000000e+00> : vector<512xf32>
      %reduce_sum3A_1022 = vector.multi_reduction <add>, %exp3A, %reduce_sum3A [1] : vector<512x512xf32> to vector<512xf32>
      %broadcast_in_dim3A_1023 = vector.shape_cast %reduce_sum3A_1022 : vector<512xf32> to vector<512x1xf32>
      %add3A_1024 = arith.addf %while3A_1015, %broadcast_in_dim3A_1023 : vector<512x1xf32>
      %convert_element_type3A = arith.truncf %exp3A : vector<512x512xf32> to vector<512x512xbf16>
      %mul3A_1025 = arith.constant 512 : i32
      %mul3A_1026 = arith.muli %while3A_1013, %mul3A_1025 : i32
      %get3A_1027 = arith.constant 0 : index
      %get3A_1028 = arith.index_cast %mul3A_1026 : i32 to index
      %get3A_1029 = arith.constant 256 : index
      %get3A_1030 = vector.load %arg4[%get3A_1027, %get3A_1028, %get3A_1029] : memref<1x2048x1024xbf16, #tpu.memory_space<vmem>>, vector<1x512x64xbf16>
      %get3A_1031 = vector.shape_cast %get3A_1030 : vector<1x512x64xbf16> to vector<512x64xbf16>
      %dot_general3A_1032 = arith.constant dense<0.000000e+00> : vector<512x64xf32>
      %dot_general3A_1033 = tpu.matmul %convert_element_type3A, %get3A_1031, %dot_general3A_1032 {dimension_numbers = #tpu.dot_dimension_numbers<[1], [0], [0], [1], [0, 0, 1, 1], [], []>, transpose_lhs_hint = false} : vector<512x512xbf16>, vector<512x64xbf16>, vector<512x64xf32> -> vector<512x64xf32>
      %add3A_1034 = arith.addf %while3A_1014, %dot_general3A_1033 : vector<512x64xf32>
      scf.yield %add3A_1034, %add3A_1024 : vector<512x64xf32>, vector<512x1xf32>
    }
    %while3A_299 = arith.constant 1 : i32
    %while3A_300:2 = scf.for %while3A_1013 = %while3A_296 to %while3A_292 step %while3A_299 iter_args(%while3A_1014 = %while3A_298#0, %while3A_1015 = %while3A_298#1) -> (vector<512x64xf32>, vector<512x1xf32>)  : i32 {
      %mul3A_1016 = arith.constant 512 : i32
      %mul3A_1017 = arith.muli %while3A_1013, %mul3A_1016 : i32
      %get3A_1018 = arith.constant 0 : index
      %get3A_1019 = arith.index_cast %mul3A_1017 : i32 to index
      %get3A_1020 = vector.load %arg6[%get3A_1018, %get3A_1019] : memref<512x2048xf32, #tpu.memory_space<vmem>>, vector<512x512xf32>
      %sub3A = vector.broadcast %max3A_283 : vector<512x1xf32> to vector<512x512xf32>
      %sub3A_1021 = arith.subf %get3A_1020, %sub3A : vector<512x512xf32>
      %exp3A = math.exp %sub3A_1021 : vector<512x512xf32>
      %reduce_sum3A = arith.constant dense<0.000000e+00> : vector<512xf32>
      %reduce_sum3A_1022 = vector.multi_reduction <add>, %exp3A, %reduce_sum3A [1] : vector<512x512xf32> to vector<512xf32>
      %broadcast_in_dim3A_1023 = vector.shape_cast %reduce_sum3A_1022 : vector<512xf32> to vector<512x1xf32>
      %add3A_1024 = arith.addf %while3A_1015, %broadcast_in_dim3A_1023 : vector<512x1xf32>
      %convert_element_type3A = arith.truncf %exp3A : vector<512x512xf32> to vector<512x512xbf16>
      %mul3A_1025 = arith.constant 512 : i32
      %mul3A_1026 = arith.muli %while3A_1013, %mul3A_1025 : i32
      %get3A_1027 = arith.constant 0 : index
      %get3A_1028 = arith.index_cast %mul3A_1026 : i32 to index
      %get3A_1029 = arith.constant 256 : index
      %get3A_1030 = vector.load %arg4[%get3A_1027, %get3A_1028, %get3A_1029] : memref<1x2048x1024xbf16, #tpu.memory_space<vmem>>, vector<1x512x64xbf16>
      %get3A_1031 = vector.shape_cast %get3A_1030 : vector<1x512x64xbf16> to vector<512x64xbf16>
      %dot_general3A_1032 = arith.constant dense<0.000000e+00> : vector<512x64xf32>
      %dot_general3A_1033 = tpu.matmul %convert_element_type3A, %get3A_1031, %dot_general3A_1032 {dimension_numbers = #tpu.dot_dimension_numbers<[1], [0], [0], [1], [0, 0, 1, 1], [], []>, transpose_lhs_hint = false} : vector<512x512xbf16>, vector<512x64xbf16>, vector<512x64xf32> -> vector<512x64xf32>
      %add3A_1034 = arith.addf %while3A_1014, %dot_general3A_1033 : vector<512x64xf32>
      scf.yield %add3A_1034, %add3A_1024 : vector<512x64xf32>, vector<512x1xf32>
    }
    %div3A_301 = vector.broadcast %while3A_300#1 : vector<512x1xf32> to vector<512x64xf32>
    %div3A_302 = arith.divf %while3A_300#0, %div3A_301 : vector<512x64xf32>
    %swap3A_303 = arith.constant 0 : index
    %swap3A_304 = arith.constant 0 : index
    %swap3A_305 = arith.constant 256 : index
    %swap3A_306 = vector.load %arg5[%swap3A_303, %swap3A_304, %swap3A_305] : memref<1x512x1024xf32, #tpu.memory_space<vmem>>, vector<1x512x64xf32>
    %swap3A_307 = vector.shape_cast %swap3A_306 : vector<1x512x64xf32> to vector<512x64xf32>
    %swap3A_308 = vector.shape_cast %div3A_302 : vector<512x64xf32> to vector<1x512x64xf32>
    tpu.vector_store %arg5[%swap3A_303, %swap3A_304, %swap3A_305], %swap3A_308 {strides = array<i32>} : memref<1x512x1024xf32, #tpu.memory_space<vmem>>, vector<1x512x64xf32>,
    %get3A_309 = arith.constant 0 : index
    %get3A_310 = arith.constant 0 : index
    %get3A_311 = arith.constant 320 : index
    %get3A_312 = vector.load %arg2[%get3A_309, %get3A_310, %get3A_311] : memref<1x512x1024xbf16, #tpu.memory_space<vmem>>, vector<1x512x64xbf16>
    %get3A_313 = vector.shape_cast %get3A_312 : vector<1x512x64xbf16> to vector<512x64xbf16>
    %broadcast_in_dim3A_314 = arith.constant 0xFF800000 : f32
    %broadcast_in_dim3A_315 = vector.broadcast %broadcast_in_dim3A_314 : f32 to vector<512x1xf32>
    %while3A_316 = arith.constant 0 : i32
    %while3A_317 = arith.subi %arg1, %while3A_316 : i32
    %while3A_318 = arith.addi %while3A_316, %while3A_317 : i32
    %while3A_319 = arith.constant 1 : i32
    %while3A_320 = arith.divsi %while3A_317, %while3A_319 : i32
    %while3A_321 = arith.muli %while3A_320, %while3A_319 : i32
    %while3A_322 = arith.addi %while3A_316, %while3A_321 : i32
    %while3A_323 = arith.constant 1 : i32
    %while3A_324 = scf.for %while3A_1013 = %while3A_316 to %while3A_322 step %while3A_323 iter_args(%while3A_1014 = %broadcast_in_dim3A_315) -> (vector<512x1xf32>)  : i32 {
      %mul3A_1015 = arith.constant 512 : i32
      %mul3A_1016 = arith.muli %while3A_1013, %mul3A_1015 : i32
      %get3A_1017 = arith.constant 0 : index
      %get3A_1018 = arith.index_cast %mul3A_1016 : i32 to index
      %get3A_1019 = arith.constant 320 : index
      %get3A_1020 = vector.load %arg3[%get3A_1017, %get3A_1018, %get3A_1019] : memref<1x2048x1024xbf16, #tpu.memory_space<vmem>>, vector<1x512x64xbf16>
      %get3A_1021 = vector.shape_cast %get3A_1020 : vector<1x512x64xbf16> to vector<512x64xbf16>
      %dot_general3A_1022 = arith.constant dense<0.000000e+00> : vector<512x512xf32>
      %dot_general3A_1023 = tpu.matmul %get3A_313, %get3A_1021, %dot_general3A_1022 {dimension_numbers = #tpu.dot_dimension_numbers<[1], [1], [0], [0], [0, 0, 1, 0], [], []>, transpose_lhs_hint = false} : vector<512x64xbf16>, vector<512x64xbf16>, vector<512x512xf32> -> vector<512x512xf32>
      %mul3A_1024 = arith.constant 512 : i32
      %mul3A_1025 = arith.muli %while3A_1013, %mul3A_1024 : i32
      %swap3A_1026 = arith.constant 0 : index
      %swap3A_1027 = arith.index_cast %mul3A_1025 : i32 to index
      %swap3A_1028 = vector.load %arg6[%swap3A_1026, %swap3A_1027] : memref<512x2048xf32, #tpu.memory_space<vmem>>, vector<512x512xf32>
      tpu.vector_store %arg6[%swap3A_1026, %swap3A_1027], %dot_general3A_1023 {strides = array<i32>} : memref<512x2048xf32, #tpu.memory_space<vmem>>, vector<512x512xf32>,
      %reduce_max3A_1029 = arith.constant dense<0xFF800000> : vector<512xf32>
      %reduce_max3A_1030 = vector.multi_reduction <maximumf>, %dot_general3A_1023, %reduce_max3A_1029 [1] : vector<512x512xf32> to vector<512xf32>
      %broadcast_in_dim3A_1031 = vector.shape_cast %reduce_max3A_1030 : vector<512xf32> to vector<512x1xf32>
      %max3A_1032 = arith.maximumf %while3A_1014, %broadcast_in_dim3A_1031 : vector<512x1xf32>
      scf.yield %max3A_1032 : vector<512x1xf32>
    }
    %while3A_325 = arith.constant 1 : i32
    %while3A_326 = scf.for %while3A_1013 = %while3A_322 to %while3A_318 step %while3A_325 iter_args(%while3A_1014 = %while3A_324) -> (vector<512x1xf32>)  : i32 {
      %mul3A_1015 = arith.constant 512 : i32
      %mul3A_1016 = arith.muli %while3A_1013, %mul3A_1015 : i32
      %get3A_1017 = arith.constant 0 : index
      %get3A_1018 = arith.index_cast %mul3A_1016 : i32 to index
      %get3A_1019 = arith.constant 320 : index
      %get3A_1020 = vector.load %arg3[%get3A_1017, %get3A_1018, %get3A_1019] : memref<1x2048x1024xbf16, #tpu.memory_space<vmem>>, vector<1x512x64xbf16>
      %get3A_1021 = vector.shape_cast %get3A_1020 : vector<1x512x64xbf16> to vector<512x64xbf16>
      %dot_general3A_1022 = arith.constant dense<0.000000e+00> : vector<512x512xf32>
      %dot_general3A_1023 = tpu.matmul %get3A_313, %get3A_1021, %dot_general3A_1022 {dimension_numbers = #tpu.dot_dimension_numbers<[1], [1], [0], [0], [0, 0, 1, 0], [], []>, transpose_lhs_hint = false} : vector<512x64xbf16>, vector<512x64xbf16>, vector<512x512xf32> -> vector<512x512xf32>
      %mul3A_1024 = arith.constant 512 : i32
      %mul3A_1025 = arith.muli %while3A_1013, %mul3A_1024 : i32
      %swap3A_1026 = arith.constant 0 : index
      %swap3A_1027 = arith.index_cast %mul3A_1025 : i32 to index
      %swap3A_1028 = vector.load %arg6[%swap3A_1026, %swap3A_1027] : memref<512x2048xf32, #tpu.memory_space<vmem>>, vector<512x512xf32>
      tpu.vector_store %arg6[%swap3A_1026, %swap3A_1027], %dot_general3A_1023 {strides = array<i32>} : memref<512x2048xf32, #tpu.memory_space<vmem>>, vector<512x512xf32>,
      %reduce_max3A_1029 = arith.constant dense<0xFF800000> : vector<512xf32>
      %reduce_max3A_1030 = vector.multi_reduction <maximumf>, %dot_general3A_1023, %reduce_max3A_1029 [1] : vector<512x512xf32> to vector<512xf32>
      %broadcast_in_dim3A_1031 = vector.shape_cast %reduce_max3A_1030 : vector<512xf32> to vector<512x1xf32>
      %max3A_1032 = arith.maximumf %while3A_1014, %broadcast_in_dim3A_1031 : vector<512x1xf32>
      scf.yield %max3A_1032 : vector<512x1xf32>
    }
    %mul3A_327 = arith.constant 512 : i32
    %mul3A_328 = arith.muli %arg1, %mul3A_327 : i32
    %get3A_329 = arith.constant 0 : index
    %get3A_330 = arith.index_cast %mul3A_328 : i32 to index
    %get3A_331 = arith.constant 320 : index
    %get3A_332 = vector.load %arg3[%get3A_329, %get3A_330, %get3A_331] : memref<1x2048x1024xbf16, #tpu.memory_space<vmem>>, vector<1x512x64xbf16>
    %get3A_333 = vector.shape_cast %get3A_332 : vector<1x512x64xbf16> to vector<512x64xbf16>
    %dot_general3A_334 = arith.constant dense<0.000000e+00> : vector<512x512xf32>
    %dot_general3A_335 = tpu.matmul %get3A_313, %get3A_333, %dot_general3A_334 {dimension_numbers = #tpu.dot_dimension_numbers<[1], [1], [0], [0], [0, 0, 1, 0], [], []>, transpose_lhs_hint = false} : vector<512x64xbf16>, vector<512x64xbf16>, vector<512x512xf32> -> vector<512x512xf32>
    %jit3A_336 = arith.constant -1.000000e+30 : f32
    %broadcast_in_dim3A_337 = vector.broadcast %jit3A_336 : f32 to vector<512x512xf32>
    %select_n3A_338 = arith.select %le3A, %dot_general3A_335, %broadcast_in_dim3A_337 : vector<512x512xi1>, vector<512x512xf32>
    %mul3A_339 = arith.constant 512 : i32
    %mul3A_340 = arith.muli %arg1, %mul3A_339 : i32
    %swap3A_341 = arith.constant 0 : index
    %swap3A_342 = arith.index_cast %mul3A_340 : i32 to index
    %swap3A_343 = vector.load %arg6[%swap3A_341, %swap3A_342] : memref<512x2048xf32, #tpu.memory_space<vmem>>, vector<512x512xf32>
    tpu.vector_store %arg6[%swap3A_341, %swap3A_342], %select_n3A_338 {strides = array<i32>} : memref<512x2048xf32, #tpu.memory_space<vmem>>, vector<512x512xf32>,
    %reduce_max3A_344 = arith.constant dense<0xFF800000> : vector<512xf32>
    %reduce_max3A_345 = vector.multi_reduction <maximumf>, %select_n3A_338, %reduce_max3A_344 [1] : vector<512x512xf32> to vector<512xf32>
    %broadcast_in_dim3A_346 = vector.shape_cast %reduce_max3A_345 : vector<512xf32> to vector<512x1xf32>
    %max3A_347 = arith.maximumf %while3A_326, %broadcast_in_dim3A_346 : vector<512x1xf32>
    %add3A_348 = arith.constant 1 : i32
    %add3A_349 = arith.addi %arg1, %add3A_348 : i32
    %broadcast_in_dim3A_350 = arith.constant 0.000000e+00 : f32
    %broadcast_in_dim3A_351 = vector.broadcast %broadcast_in_dim3A_350 : f32 to vector<512x64xf32>
    %broadcast_in_dim3A_352 = arith.constant 0.000000e+00 : f32
    %broadcast_in_dim3A_353 = vector.broadcast %broadcast_in_dim3A_352 : f32 to vector<512x1xf32>
    %while3A_354 = arith.constant 0 : i32
    %while3A_355 = arith.subi %add3A_349, %while3A_354 : i32
    %while3A_356 = arith.addi %while3A_354, %while3A_355 : i32
    %while3A_357 = arith.constant 1 : i32
    %while3A_358 = arith.divsi %while3A_355, %while3A_357 : i32
    %while3A_359 = arith.muli %while3A_358, %while3A_357 : i32
    %while3A_360 = arith.addi %while3A_354, %while3A_359 : i32
    %while3A_361 = arith.constant 1 : i32
    %while3A_362:2 = scf.for %while3A_1013 = %while3A_354 to %while3A_360 step %while3A_361 iter_args(%while3A_1014 = %broadcast_in_dim3A_351, %while3A_1015 = %broadcast_in_dim3A_353) -> (vector<512x64xf32>, vector<512x1xf32>)  : i32 {
      %mul3A_1016 = arith.constant 512 : i32
      %mul3A_1017 = arith.muli %while3A_1013, %mul3A_1016 : i32
      %get3A_1018 = arith.constant 0 : index
      %get3A_1019 = arith.index_cast %mul3A_1017 : i32 to index
      %get3A_1020 = vector.load %arg6[%get3A_1018, %get3A_1019] : memref<512x2048xf32, #tpu.memory_space<vmem>>, vector<512x512xf32>
      %sub3A = vector.broadcast %max3A_347 : vector<512x1xf32> to vector<512x512xf32>
      %sub3A_1021 = arith.subf %get3A_1020, %sub3A : vector<512x512xf32>
      %exp3A = math.exp %sub3A_1021 : vector<512x512xf32>
      %reduce_sum3A = arith.constant dense<0.000000e+00> : vector<512xf32>
      %reduce_sum3A_1022 = vector.multi_reduction <add>, %exp3A, %reduce_sum3A [1] : vector<512x512xf32> to vector<512xf32>
      %broadcast_in_dim3A_1023 = vector.shape_cast %reduce_sum3A_1022 : vector<512xf32> to vector<512x1xf32>
      %add3A_1024 = arith.addf %while3A_1015, %broadcast_in_dim3A_1023 : vector<512x1xf32>
      %convert_element_type3A = arith.truncf %exp3A : vector<512x512xf32> to vector<512x512xbf16>
      %mul3A_1025 = arith.constant 512 : i32
      %mul3A_1026 = arith.muli %while3A_1013, %mul3A_1025 : i32
      %get3A_1027 = arith.constant 0 : index
      %get3A_1028 = arith.index_cast %mul3A_1026 : i32 to index
      %get3A_1029 = arith.constant 320 : index
      %get3A_1030 = vector.load %arg4[%get3A_1027, %get3A_1028, %get3A_1029] : memref<1x2048x1024xbf16, #tpu.memory_space<vmem>>, vector<1x512x64xbf16>
      %get3A_1031 = vector.shape_cast %get3A_1030 : vector<1x512x64xbf16> to vector<512x64xbf16>
      %dot_general3A_1032 = arith.constant dense<0.000000e+00> : vector<512x64xf32>
      %dot_general3A_1033 = tpu.matmul %convert_element_type3A, %get3A_1031, %dot_general3A_1032 {dimension_numbers = #tpu.dot_dimension_numbers<[1], [0], [0], [1], [0, 0, 1, 1], [], []>, transpose_lhs_hint = false} : vector<512x512xbf16>, vector<512x64xbf16>, vector<512x64xf32> -> vector<512x64xf32>
      %add3A_1034 = arith.addf %while3A_1014, %dot_general3A_1033 : vector<512x64xf32>
      scf.yield %add3A_1034, %add3A_1024 : vector<512x64xf32>, vector<512x1xf32>
    }
    %while3A_363 = arith.constant 1 : i32
    %while3A_364:2 = scf.for %while3A_1013 = %while3A_360 to %while3A_356 step %while3A_363 iter_args(%while3A_1014 = %while3A_362#0, %while3A_1015 = %while3A_362#1) -> (vector<512x64xf32>, vector<512x1xf32>)  : i32 {
      %mul3A_1016 = arith.constant 512 : i32
      %mul3A_1017 = arith.muli %while3A_1013, %mul3A_1016 : i32
      %get3A_1018 = arith.constant 0 : index
      %get3A_1019 = arith.index_cast %mul3A_1017 : i32 to index
      %get3A_1020 = vector.load %arg6[%get3A_1018, %get3A_1019] : memref<512x2048xf32, #tpu.memory_space<vmem>>, vector<512x512xf32>
      %sub3A = vector.broadcast %max3A_347 : vector<512x1xf32> to vector<512x512xf32>
      %sub3A_1021 = arith.subf %get3A_1020, %sub3A : vector<512x512xf32>
      %exp3A = math.exp %sub3A_1021 : vector<512x512xf32>
      %reduce_sum3A = arith.constant dense<0.000000e+00> : vector<512xf32>
      %reduce_sum3A_1022 = vector.multi_reduction <add>, %exp3A, %reduce_sum3A [1] : vector<512x512xf32> to vector<512xf32>
      %broadcast_in_dim3A_1023 = vector.shape_cast %reduce_sum3A_1022 : vector<512xf32> to vector<512x1xf32>
      %add3A_1024 = arith.addf %while3A_1015, %broadcast_in_dim3A_1023 : vector<512x1xf32>
      %convert_element_type3A = arith.truncf %exp3A : vector<512x512xf32> to vector<512x512xbf16>
      %mul3A_1025 = arith.constant 512 : i32
      %mul3A_1026 = arith.muli %while3A_1013, %mul3A_1025 : i32
      %get3A_1027 = arith.constant 0 : index
      %get3A_1028 = arith.index_cast %mul3A_1026 : i32 to index
      %get3A_1029 = arith.constant 320 : index
      %get3A_1030 = vector.load %arg4[%get3A_1027, %get3A_1028, %get3A_1029] : memref<1x2048x1024xbf16, #tpu.memory_space<vmem>>, vector<1x512x64xbf16>
      %get3A_1031 = vector.shape_cast %get3A_1030 : vector<1x512x64xbf16> to vector<512x64xbf16>
      %dot_general3A_1032 = arith.constant dense<0.000000e+00> : vector<512x64xf32>
      %dot_general3A_1033 = tpu.matmul %convert_element_type3A, %get3A_1031, %dot_general3A_1032 {dimension_numbers = #tpu.dot_dimension_numbers<[1], [0], [0], [1], [0, 0, 1, 1], [], []>, transpose_lhs_hint = false} : vector<512x512xbf16>, vector<512x64xbf16>, vector<512x64xf32> -> vector<512x64xf32>
      %add3A_1034 = arith.addf %while3A_1014, %dot_general3A_1033 : vector<512x64xf32>
      scf.yield %add3A_1034, %add3A_1024 : vector<512x64xf32>, vector<512x1xf32>
    }
    %div3A_365 = vector.broadcast %while3A_364#1 : vector<512x1xf32> to vector<512x64xf32>
    %div3A_366 = arith.divf %while3A_364#0, %div3A_365 : vector<512x64xf32>
    %swap3A_367 = arith.constant 0 : index
    %swap3A_368 = arith.constant 0 : index
    %swap3A_369 = arith.constant 320 : index
    %swap3A_370 = vector.load %arg5[%swap3A_367, %swap3A_368, %swap3A_369] : memref<1x512x1024xf32, #tpu.memory_space<vmem>>, vector<1x512x64xf32>
    %swap3A_371 = vector.shape_cast %swap3A_370 : vector<1x512x64xf32> to vector<512x64xf32>
    %swap3A_372 = vector.shape_cast %div3A_366 : vector<512x64xf32> to vector<1x512x64xf32>
    tpu.vector_store %arg5[%swap3A_367, %swap3A_368, %swap3A_369], %swap3A_372 {strides = array<i32>} : memref<1x512x1024xf32, #tpu.memory_space<vmem>>, vector<1x512x64xf32>,
    %get3A_373 = arith.constant 0 : index
    %get3A_374 = arith.constant 0 : index
    %get3A_375 = arith.constant 384 : index
    %get3A_376 = vector.load %arg2[%get3A_373, %get3A_374, %get3A_375] : memref<1x512x1024xbf16, #tpu.memory_space<vmem>>, vector<1x512x64xbf16>
    %get3A_377 = vector.shape_cast %get3A_376 : vector<1x512x64xbf16> to vector<512x64xbf16>
    %broadcast_in_dim3A_378 = arith.constant 0xFF800000 : f32
    %broadcast_in_dim3A_379 = vector.broadcast %broadcast_in_dim3A_378 : f32 to vector<512x1xf32>
    %while3A_380 = arith.constant 0 : i32
    %while3A_381 = arith.subi %arg1, %while3A_380 : i32
    %while3A_382 = arith.addi %while3A_380, %while3A_381 : i32
    %while3A_383 = arith.constant 1 : i32
    %while3A_384 = arith.divsi %while3A_381, %while3A_383 : i32
    %while3A_385 = arith.muli %while3A_384, %while3A_383 : i32
    %while3A_386 = arith.addi %while3A_380, %while3A_385 : i32
    %while3A_387 = arith.constant 1 : i32
    %while3A_388 = scf.for %while3A_1013 = %while3A_380 to %while3A_386 step %while3A_387 iter_args(%while3A_1014 = %broadcast_in_dim3A_379) -> (vector<512x1xf32>)  : i32 {
      %mul3A_1015 = arith.constant 512 : i32
      %mul3A_1016 = arith.muli %while3A_1013, %mul3A_1015 : i32
      %get3A_1017 = arith.constant 0 : index
      %get3A_1018 = arith.index_cast %mul3A_1016 : i32 to index
      %get3A_1019 = arith.constant 384 : index
      %get3A_1020 = vector.load %arg3[%get3A_1017, %get3A_1018, %get3A_1019] : memref<1x2048x1024xbf16, #tpu.memory_space<vmem>>, vector<1x512x64xbf16>
      %get3A_1021 = vector.shape_cast %get3A_1020 : vector<1x512x64xbf16> to vector<512x64xbf16>
      %dot_general3A_1022 = arith.constant dense<0.000000e+00> : vector<512x512xf32>
      %dot_general3A_1023 = tpu.matmul %get3A_377, %get3A_1021, %dot_general3A_1022 {dimension_numbers = #tpu.dot_dimension_numbers<[1], [1], [0], [0], [0, 0, 1, 0], [], []>, transpose_lhs_hint = false} : vector<512x64xbf16>, vector<512x64xbf16>, vector<512x512xf32> -> vector<512x512xf32>
      %mul3A_1024 = arith.constant 512 : i32
      %mul3A_1025 = arith.muli %while3A_1013, %mul3A_1024 : i32
      %swap3A_1026 = arith.constant 0 : index
      %swap3A_1027 = arith.index_cast %mul3A_1025 : i32 to index
      %swap3A_1028 = vector.load %arg6[%swap3A_1026, %swap3A_1027] : memref<512x2048xf32, #tpu.memory_space<vmem>>, vector<512x512xf32>
      tpu.vector_store %arg6[%swap3A_1026, %swap3A_1027], %dot_general3A_1023 {strides = array<i32>} : memref<512x2048xf32, #tpu.memory_space<vmem>>, vector<512x512xf32>,
      %reduce_max3A_1029 = arith.constant dense<0xFF800000> : vector<512xf32>
      %reduce_max3A_1030 = vector.multi_reduction <maximumf>, %dot_general3A_1023, %reduce_max3A_1029 [1] : vector<512x512xf32> to vector<512xf32>
      %broadcast_in_dim3A_1031 = vector.shape_cast %reduce_max3A_1030 : vector<512xf32> to vector<512x1xf32>
      %max3A_1032 = arith.maximumf %while3A_1014, %broadcast_in_dim3A_1031 : vector<512x1xf32>
      scf.yield %max3A_1032 : vector<512x1xf32>
    }
    %while3A_389 = arith.constant 1 : i32
    %while3A_390 = scf.for %while3A_1013 = %while3A_386 to %while3A_382 step %while3A_389 iter_args(%while3A_1014 = %while3A_388) -> (vector<512x1xf32>)  : i32 {
      %mul3A_1015 = arith.constant 512 : i32
      %mul3A_1016 = arith.muli %while3A_1013, %mul3A_1015 : i32
      %get3A_1017 = arith.constant 0 : index
      %get3A_1018 = arith.index_cast %mul3A_1016 : i32 to index
      %get3A_1019 = arith.constant 384 : index
      %get3A_1020 = vector.load %arg3[%get3A_1017, %get3A_1018, %get3A_1019] : memref<1x2048x1024xbf16, #tpu.memory_space<vmem>>, vector<1x512x64xbf16>
      %get3A_1021 = vector.shape_cast %get3A_1020 : vector<1x512x64xbf16> to vector<512x64xbf16>
      %dot_general3A_1022 = arith.constant dense<0.000000e+00> : vector<512x512xf32>
      %dot_general3A_1023 = tpu.matmul %get3A_377, %get3A_1021, %dot_general3A_1022 {dimension_numbers = #tpu.dot_dimension_numbers<[1], [1], [0], [0], [0, 0, 1, 0], [], []>, transpose_lhs_hint = false} : vector<512x64xbf16>, vector<512x64xbf16>, vector<512x512xf32> -> vector<512x512xf32>
      %mul3A_1024 = arith.constant 512 : i32
      %mul3A_1025 = arith.muli %while3A_1013, %mul3A_1024 : i32
      %swap3A_1026 = arith.constant 0 : index
      %swap3A_1027 = arith.index_cast %mul3A_1025 : i32 to index
      %swap3A_1028 = vector.load %arg6[%swap3A_1026, %swap3A_1027] : memref<512x2048xf32, #tpu.memory_space<vmem>>, vector<512x512xf32>
      tpu.vector_store %arg6[%swap3A_1026, %swap3A_1027], %dot_general3A_1023 {strides = array<i32>} : memref<512x2048xf32, #tpu.memory_space<vmem>>, vector<512x512xf32>,
      %reduce_max3A_1029 = arith.constant dense<0xFF800000> : vector<512xf32>
      %reduce_max3A_1030 = vector.multi_reduction <maximumf>, %dot_general3A_1023, %reduce_max3A_1029 [1] : vector<512x512xf32> to vector<512xf32>
      %broadcast_in_dim3A_1031 = vector.shape_cast %reduce_max3A_1030 : vector<512xf32> to vector<512x1xf32>
      %max3A_1032 = arith.maximumf %while3A_1014, %broadcast_in_dim3A_1031 : vector<512x1xf32>
      scf.yield %max3A_1032 : vector<512x1xf32>
    }
    %mul3A_391 = arith.constant 512 : i32
    %mul3A_392 = arith.muli %arg1, %mul3A_391 : i32
    %get3A_393 = arith.constant 0 : index
    %get3A_394 = arith.index_cast %mul3A_392 : i32 to index
    %get3A_395 = arith.constant 384 : index
    %get3A_396 = vector.load %arg3[%get3A_393, %get3A_394, %get3A_395] : memref<1x2048x1024xbf16, #tpu.memory_space<vmem>>, vector<1x512x64xbf16>
    %get3A_397 = vector.shape_cast %get3A_396 : vector<1x512x64xbf16> to vector<512x64xbf16>
    %dot_general3A_398 = arith.constant dense<0.000000e+00> : vector<512x512xf32>
    %dot_general3A_399 = tpu.matmul %get3A_377, %get3A_397, %dot_general3A_398 {dimension_numbers = #tpu.dot_dimension_numbers<[1], [1], [0], [0], [0, 0, 1, 0], [], []>, transpose_lhs_hint = false} : vector<512x64xbf16>, vector<512x64xbf16>, vector<512x512xf32> -> vector<512x512xf32>
    %jit3A_400 = arith.constant -1.000000e+30 : f32
    %broadcast_in_dim3A_401 = vector.broadcast %jit3A_400 : f32 to vector<512x512xf32>
    %select_n3A_402 = arith.select %le3A, %dot_general3A_399, %broadcast_in_dim3A_401 : vector<512x512xi1>, vector<512x512xf32>
    %mul3A_403 = arith.constant 512 : i32
    %mul3A_404 = arith.muli %arg1, %mul3A_403 : i32
    %swap3A_405 = arith.constant 0 : index
    %swap3A_406 = arith.index_cast %mul3A_404 : i32 to index
    %swap3A_407 = vector.load %arg6[%swap3A_405, %swap3A_406] : memref<512x2048xf32, #tpu.memory_space<vmem>>, vector<512x512xf32>
    tpu.vector_store %arg6[%swap3A_405, %swap3A_406], %select_n3A_402 {strides = array<i32>} : memref<512x2048xf32, #tpu.memory_space<vmem>>, vector<512x512xf32>,
    %reduce_max3A_408 = arith.constant dense<0xFF800000> : vector<512xf32>
    %reduce_max3A_409 = vector.multi_reduction <maximumf>, %select_n3A_402, %reduce_max3A_408 [1] : vector<512x512xf32> to vector<512xf32>
    %broadcast_in_dim3A_410 = vector.shape_cast %reduce_max3A_409 : vector<512xf32> to vector<512x1xf32>
    %max3A_411 = arith.maximumf %while3A_390, %broadcast_in_dim3A_410 : vector<512x1xf32>
    %add3A_412 = arith.constant 1 : i32
    %add3A_413 = arith.addi %arg1, %add3A_412 : i32
    %broadcast_in_dim3A_414 = arith.constant 0.000000e+00 : f32
    %broadcast_in_dim3A_415 = vector.broadcast %broadcast_in_dim3A_414 : f32 to vector<512x64xf32>
    %broadcast_in_dim3A_416 = arith.constant 0.000000e+00 : f32
    %broadcast_in_dim3A_417 = vector.broadcast %broadcast_in_dim3A_416 : f32 to vector<512x1xf32>
    %while3A_418 = arith.constant 0 : i32
    %while3A_419 = arith.subi %add3A_413, %while3A_418 : i32
    %while3A_420 = arith.addi %while3A_418, %while3A_419 : i32
    %while3A_421 = arith.constant 1 : i32
    %while3A_422 = arith.divsi %while3A_419, %while3A_421 : i32
    %while3A_423 = arith.muli %while3A_422, %while3A_421 : i32
    %while3A_424 = arith.addi %while3A_418, %while3A_423 : i32
    %while3A_425 = arith.constant 1 : i32
    %while3A_426:2 = scf.for %while3A_1013 = %while3A_418 to %while3A_424 step %while3A_425 iter_args(%while3A_1014 = %broadcast_in_dim3A_415, %while3A_1015 = %broadcast_in_dim3A_417) -> (vector<512x64xf32>, vector<512x1xf32>)  : i32 {
      %mul3A_1016 = arith.constant 512 : i32
      %mul3A_1017 = arith.muli %while3A_1013, %mul3A_1016 : i32
      %get3A_1018 = arith.constant 0 : index
      %get3A_1019 = arith.index_cast %mul3A_1017 : i32 to index
      %get3A_1020 = vector.load %arg6[%get3A_1018, %get3A_1019] : memref<512x2048xf32, #tpu.memory_space<vmem>>, vector<512x512xf32>
      %sub3A = vector.broadcast %max3A_411 : vector<512x1xf32> to vector<512x512xf32>
      %sub3A_1021 = arith.subf %get3A_1020, %sub3A : vector<512x512xf32>
      %exp3A = math.exp %sub3A_1021 : vector<512x512xf32>
      %reduce_sum3A = arith.constant dense<0.000000e+00> : vector<512xf32>
      %reduce_sum3A_1022 = vector.multi_reduction <add>, %exp3A, %reduce_sum3A [1] : vector<512x512xf32> to vector<512xf32>
      %broadcast_in_dim3A_1023 = vector.shape_cast %reduce_sum3A_1022 : vector<512xf32> to vector<512x1xf32>
      %add3A_1024 = arith.addf %while3A_1015, %broadcast_in_dim3A_1023 : vector<512x1xf32>
      %convert_element_type3A = arith.truncf %exp3A : vector<512x512xf32> to vector<512x512xbf16>
      %mul3A_1025 = arith.constant 512 : i32
      %mul3A_1026 = arith.muli %while3A_1013, %mul3A_1025 : i32
      %get3A_1027 = arith.constant 0 : index
      %get3A_1028 = arith.index_cast %mul3A_1026 : i32 to index
      %get3A_1029 = arith.constant 384 : index
      %get3A_1030 = vector.load %arg4[%get3A_1027, %get3A_1028, %get3A_1029] : memref<1x2048x1024xbf16, #tpu.memory_space<vmem>>, vector<1x512x64xbf16>
      %get3A_1031 = vector.shape_cast %get3A_1030 : vector<1x512x64xbf16> to vector<512x64xbf16>
      %dot_general3A_1032 = arith.constant dense<0.000000e+00> : vector<512x64xf32>
      %dot_general3A_1033 = tpu.matmul %convert_element_type3A, %get3A_1031, %dot_general3A_1032 {dimension_numbers = #tpu.dot_dimension_numbers<[1], [0], [0], [1], [0, 0, 1, 1], [], []>, transpose_lhs_hint = false} : vector<512x512xbf16>, vector<512x64xbf16>, vector<512x64xf32> -> vector<512x64xf32>
      %add3A_1034 = arith.addf %while3A_1014, %dot_general3A_1033 : vector<512x64xf32>
      scf.yield %add3A_1034, %add3A_1024 : vector<512x64xf32>, vector<512x1xf32>
    }
    %while3A_427 = arith.constant 1 : i32
    %while3A_428:2 = scf.for %while3A_1013 = %while3A_424 to %while3A_420 step %while3A_427 iter_args(%while3A_1014 = %while3A_426#0, %while3A_1015 = %while3A_426#1) -> (vector<512x64xf32>, vector<512x1xf32>)  : i32 {
      %mul3A_1016 = arith.constant 512 : i32
      %mul3A_1017 = arith.muli %while3A_1013, %mul3A_1016 : i32
      %get3A_1018 = arith.constant 0 : index
      %get3A_1019 = arith.index_cast %mul3A_1017 : i32 to index
      %get3A_1020 = vector.load %arg6[%get3A_1018, %get3A_1019] : memref<512x2048xf32, #tpu.memory_space<vmem>>, vector<512x512xf32>
      %sub3A = vector.broadcast %max3A_411 : vector<512x1xf32> to vector<512x512xf32>
      %sub3A_1021 = arith.subf %get3A_1020, %sub3A : vector<512x512xf32>
      %exp3A = math.exp %sub3A_1021 : vector<512x512xf32>
      %reduce_sum3A = arith.constant dense<0.000000e+00> : vector<512xf32>
      %reduce_sum3A_1022 = vector.multi_reduction <add>, %exp3A, %reduce_sum3A [1] : vector<512x512xf32> to vector<512xf32>
      %broadcast_in_dim3A_1023 = vector.shape_cast %reduce_sum3A_1022 : vector<512xf32> to vector<512x1xf32>
      %add3A_1024 = arith.addf %while3A_1015, %broadcast_in_dim3A_1023 : vector<512x1xf32>
      %convert_element_type3A = arith.truncf %exp3A : vector<512x512xf32> to vector<512x512xbf16>
      %mul3A_1025 = arith.constant 512 : i32
      %mul3A_1026 = arith.muli %while3A_1013, %mul3A_1025 : i32
      %get3A_1027 = arith.constant 0 : index
      %get3A_1028 = arith.index_cast %mul3A_1026 : i32 to index
      %get3A_1029 = arith.constant 384 : index
      %get3A_1030 = vector.load %arg4[%get3A_1027, %get3A_1028, %get3A_1029] : memref<1x2048x1024xbf16, #tpu.memory_space<vmem>>, vector<1x512x64xbf16>
      %get3A_1031 = vector.shape_cast %get3A_1030 : vector<1x512x64xbf16> to vector<512x64xbf16>
      %dot_general3A_1032 = arith.constant dense<0.000000e+00> : vector<512x64xf32>
      %dot_general3A_1033 = tpu.matmul %convert_element_type3A, %get3A_1031, %dot_general3A_1032 {dimension_numbers = #tpu.dot_dimension_numbers<[1], [0], [0], [1], [0, 0, 1, 1], [], []>, transpose_lhs_hint = false} : vector<512x512xbf16>, vector<512x64xbf16>, vector<512x64xf32> -> vector<512x64xf32>
      %add3A_1034 = arith.addf %while3A_1014, %dot_general3A_1033 : vector<512x64xf32>
      scf.yield %add3A_1034, %add3A_1024 : vector<512x64xf32>, vector<512x1xf32>
    }
    %div3A_429 = vector.broadcast %while3A_428#1 : vector<512x1xf32> to vector<512x64xf32>
    %div3A_430 = arith.divf %while3A_428#0, %div3A_429 : vector<512x64xf32>
    %swap3A_431 = arith.constant 0 : index
    %swap3A_432 = arith.constant 0 : index
    %swap3A_433 = arith.constant 384 : index
    %swap3A_434 = vector.load %arg5[%swap3A_431, %swap3A_432, %swap3A_433] : memref<1x512x1024xf32, #tpu.memory_space<vmem>>, vector<1x512x64xf32>
    %swap3A_435 = vector.shape_cast %swap3A_434 : vector<1x512x64xf32> to vector<512x64xf32>
    %swap3A_436 = vector.shape_cast %div3A_430 : vector<512x64xf32> to vector<1x512x64xf32>
    tpu.vector_store %arg5[%swap3A_431, %swap3A_432, %swap3A_433], %swap3A_436 {strides = array<i32>} : memref<1x512x1024xf32, #tpu.memory_space<vmem>>, vector<1x512x64xf32>,
    %get3A_437 = arith.constant 0 : index
    %get3A_438 = arith.constant 0 : index
    %get3A_439 = arith.constant 448 : index
    %get3A_440 = vector.load %arg2[%get3A_437, %get3A_438, %get3A_439] : memref<1x512x1024xbf16, #tpu.memory_space<vmem>>, vector<1x512x64xbf16>
    %get3A_441 = vector.shape_cast %get3A_440 : vector<1x512x64xbf16> to vector<512x64xbf16>
    %broadcast_in_dim3A_442 = arith.constant 0xFF800000 : f32
    %broadcast_in_dim3A_443 = vector.broadcast %broadcast_in_dim3A_442 : f32 to vector<512x1xf32>
    %while3A_444 = arith.constant 0 : i32
    %while3A_445 = arith.subi %arg1, %while3A_444 : i32
    %while3A_446 = arith.addi %while3A_444, %while3A_445 : i32
    %while3A_447 = arith.constant 1 : i32
    %while3A_448 = arith.divsi %while3A_445, %while3A_447 : i32
    %while3A_449 = arith.muli %while3A_448, %while3A_447 : i32
    %while3A_450 = arith.addi %while3A_444, %while3A_449 : i32
    %while3A_451 = arith.constant 1 : i32
    %while3A_452 = scf.for %while3A_1013 = %while3A_444 to %while3A_450 step %while3A_451 iter_args(%while3A_1014 = %broadcast_in_dim3A_443) -> (vector<512x1xf32>)  : i32 {
      %mul3A_1015 = arith.constant 512 : i32
      %mul3A_1016 = arith.muli %while3A_1013, %mul3A_1015 : i32
      %get3A_1017 = arith.constant 0 : index
      %get3A_1018 = arith.index_cast %mul3A_1016 : i32 to index
      %get3A_1019 = arith.constant 448 : index
      %get3A_1020 = vector.load %arg3[%get3A_1017, %get3A_1018, %get3A_1019] : memref<1x2048x1024xbf16, #tpu.memory_space<vmem>>, vector<1x512x64xbf16>
      %get3A_1021 = vector.shape_cast %get3A_1020 : vector<1x512x64xbf16> to vector<512x64xbf16>
      %dot_general3A_1022 = arith.constant dense<0.000000e+00> : vector<512x512xf32>
      %dot_general3A_1023 = tpu.matmul %get3A_441, %get3A_1021, %dot_general3A_1022 {dimension_numbers = #tpu.dot_dimension_numbers<[1], [1], [0], [0], [0, 0, 1, 0], [], []>, transpose_lhs_hint = false} : vector<512x64xbf16>, vector<512x64xbf16>, vector<512x512xf32> -> vector<512x512xf32>
      %mul3A_1024 = arith.constant 512 : i32
      %mul3A_1025 = arith.muli %while3A_1013, %mul3A_1024 : i32
      %swap3A_1026 = arith.constant 0 : index
      %swap3A_1027 = arith.index_cast %mul3A_1025 : i32 to index
      %swap3A_1028 = vector.load %arg6[%swap3A_1026, %swap3A_1027] : memref<512x2048xf32, #tpu.memory_space<vmem>>, vector<512x512xf32>
      tpu.vector_store %arg6[%swap3A_1026, %swap3A_1027], %dot_general3A_1023 {strides = array<i32>} : memref<512x2048xf32, #tpu.memory_space<vmem>>, vector<512x512xf32>,
      %reduce_max3A_1029 = arith.constant dense<0xFF800000> : vector<512xf32>
      %reduce_max3A_1030 = vector.multi_reduction <maximumf>, %dot_general3A_1023, %reduce_max3A_1029 [1] : vector<512x512xf32> to vector<512xf32>
      %broadcast_in_dim3A_1031 = vector.shape_cast %reduce_max3A_1030 : vector<512xf32> to vector<512x1xf32>
      %max3A_1032 = arith.maximumf %while3A_1014, %broadcast_in_dim3A_1031 : vector<512x1xf32>
      scf.yield %max3A_1032 : vector<512x1xf32>
    }
    %while3A_453 = arith.constant 1 : i32
    %while3A_454 = scf.for %while3A_1013 = %while3A_450 to %while3A_446 step %while3A_453 iter_args(%while3A_1014 = %while3A_452) -> (vector<512x1xf32>)  : i32 {
      %mul3A_1015 = arith.constant 512 : i32
      %mul3A_1016 = arith.muli %while3A_1013, %mul3A_1015 : i32
      %get3A_1017 = arith.constant 0 : index
      %get3A_1018 = arith.index_cast %mul3A_1016 : i32 to index
      %get3A_1019 = arith.constant 448 : index
      %get3A_1020 = vector.load %arg3[%get3A_1017, %get3A_1018, %get3A_1019] : memref<1x2048x1024xbf16, #tpu.memory_space<vmem>>, vector<1x512x64xbf16>
      %get3A_1021 = vector.shape_cast %get3A_1020 : vector<1x512x64xbf16> to vector<512x64xbf16>
      %dot_general3A_1022 = arith.constant dense<0.000000e+00> : vector<512x512xf32>
      %dot_general3A_1023 = tpu.matmul %get3A_441, %get3A_1021, %dot_general3A_1022 {dimension_numbers = #tpu.dot_dimension_numbers<[1], [1], [0], [0], [0, 0, 1, 0], [], []>, transpose_lhs_hint = false} : vector<512x64xbf16>, vector<512x64xbf16>, vector<512x512xf32> -> vector<512x512xf32>
      %mul3A_1024 = arith.constant 512 : i32
      %mul3A_1025 = arith.muli %while3A_1013, %mul3A_1024 : i32
      %swap3A_1026 = arith.constant 0 : index
      %swap3A_1027 = arith.index_cast %mul3A_1025 : i32 to index
      %swap3A_1028 = vector.load %arg6[%swap3A_1026, %swap3A_1027] : memref<512x2048xf32, #tpu.memory_space<vmem>>, vector<512x512xf32>
      tpu.vector_store %arg6[%swap3A_1026, %swap3A_1027], %dot_general3A_1023 {strides = array<i32>} : memref<512x2048xf32, #tpu.memory_space<vmem>>, vector<512x512xf32>,
      %reduce_max3A_1029 = arith.constant dense<0xFF800000> : vector<512xf32>
      %reduce_max3A_1030 = vector.multi_reduction <maximumf>, %dot_general3A_1023, %reduce_max3A_1029 [1] : vector<512x512xf32> to vector<512xf32>
      %broadcast_in_dim3A_1031 = vector.shape_cast %reduce_max3A_1030 : vector<512xf32> to vector<512x1xf32>
      %max3A_1032 = arith.maximumf %while3A_1014, %broadcast_in_dim3A_1031 : vector<512x1xf32>
      scf.yield %max3A_1032 : vector<512x1xf32>
    }
    %mul3A_455 = arith.constant 512 : i32
    %mul3A_456 = arith.muli %arg1, %mul3A_455 : i32
    %get3A_457 = arith.constant 0 : index
    %get3A_458 = arith.index_cast %mul3A_456 : i32 to index
    %get3A_459 = arith.constant 448 : index
    %get3A_460 = vector.load %arg3[%get3A_457, %get3A_458, %get3A_459] : memref<1x2048x1024xbf16, #tpu.memory_space<vmem>>, vector<1x512x64xbf16>
    %get3A_461 = vector.shape_cast %get3A_460 : vector<1x512x64xbf16> to vector<512x64xbf16>
    %dot_general3A_462 = arith.constant dense<0.000000e+00> : vector<512x512xf32>
    %dot_general3A_463 = tpu.matmul %get3A_441, %get3A_461, %dot_general3A_462 {dimension_numbers = #tpu.dot_dimension_numbers<[1], [1], [0], [0], [0, 0, 1, 0], [], []>, transpose_lhs_hint = false} : vector<512x64xbf16>, vector<512x64xbf16>, vector<512x512xf32> -> vector<512x512xf32>
    %jit3A_464 = arith.constant -1.000000e+30 : f32
    %broadcast_in_dim3A_465 = vector.broadcast %jit3A_464 : f32 to vector<512x512xf32>
    %select_n3A_466 = arith.select %le3A, %dot_general3A_463, %broadcast_in_dim3A_465 : vector<512x512xi1>, vector<512x512xf32>
    %mul3A_467 = arith.constant 512 : i32
    %mul3A_468 = arith.muli %arg1, %mul3A_467 : i32
    %swap3A_469 = arith.constant 0 : index
    %swap3A_470 = arith.index_cast %mul3A_468 : i32 to index
    %swap3A_471 = vector.load %arg6[%swap3A_469, %swap3A_470] : memref<512x2048xf32, #tpu.memory_space<vmem>>, vector<512x512xf32>
    tpu.vector_store %arg6[%swap3A_469, %swap3A_470], %select_n3A_466 {strides = array<i32>} : memref<512x2048xf32, #tpu.memory_space<vmem>>, vector<512x512xf32>,
    %reduce_max3A_472 = arith.constant dense<0xFF800000> : vector<512xf32>
    %reduce_max3A_473 = vector.multi_reduction <maximumf>, %select_n3A_466, %reduce_max3A_472 [1] : vector<512x512xf32> to vector<512xf32>
    %broadcast_in_dim3A_474 = vector.shape_cast %reduce_max3A_473 : vector<512xf32> to vector<512x1xf32>
    %max3A_475 = arith.maximumf %while3A_454, %broadcast_in_dim3A_474 : vector<512x1xf32>
    %add3A_476 = arith.constant 1 : i32
    %add3A_477 = arith.addi %arg1, %add3A_476 : i32
    %broadcast_in_dim3A_478 = arith.constant 0.000000e+00 : f32
    %broadcast_in_dim3A_479 = vector.broadcast %broadcast_in_dim3A_478 : f32 to vector<512x64xf32>
    %broadcast_in_dim3A_480 = arith.constant 0.000000e+00 : f32
    %broadcast_in_dim3A_481 = vector.broadcast %broadcast_in_dim3A_480 : f32 to vector<512x1xf32>
    %while3A_482 = arith.constant 0 : i32
    %while3A_483 = arith.subi %add3A_477, %while3A_482 : i32
    %while3A_484 = arith.addi %while3A_482, %while3A_483 : i32
    %while3A_485 = arith.constant 1 : i32
    %while3A_486 = arith.divsi %while3A_483, %while3A_485 : i32
    %while3A_487 = arith.muli %while3A_486, %while3A_485 : i32
    %while3A_488 = arith.addi %while3A_482, %while3A_487 : i32
    %while3A_489 = arith.constant 1 : i32
    %while3A_490:2 = scf.for %while3A_1013 = %while3A_482 to %while3A_488 step %while3A_489 iter_args(%while3A_1014 = %broadcast_in_dim3A_479, %while3A_1015 = %broadcast_in_dim3A_481) -> (vector<512x64xf32>, vector<512x1xf32>)  : i32 {
      %mul3A_1016 = arith.constant 512 : i32
      %mul3A_1017 = arith.muli %while3A_1013, %mul3A_1016 : i32
      %get3A_1018 = arith.constant 0 : index
      %get3A_1019 = arith.index_cast %mul3A_1017 : i32 to index
      %get3A_1020 = vector.load %arg6[%get3A_1018, %get3A_1019] : memref<512x2048xf32, #tpu.memory_space<vmem>>, vector<512x512xf32>
      %sub3A = vector.broadcast %max3A_475 : vector<512x1xf32> to vector<512x512xf32>
      %sub3A_1021 = arith.subf %get3A_1020, %sub3A : vector<512x512xf32>
      %exp3A = math.exp %sub3A_1021 : vector<512x512xf32>
      %reduce_sum3A = arith.constant dense<0.000000e+00> : vector<512xf32>
      %reduce_sum3A_1022 = vector.multi_reduction <add>, %exp3A, %reduce_sum3A [1] : vector<512x512xf32> to vector<512xf32>
      %broadcast_in_dim3A_1023 = vector.shape_cast %reduce_sum3A_1022 : vector<512xf32> to vector<512x1xf32>
      %add3A_1024 = arith.addf %while3A_1015, %broadcast_in_dim3A_1023 : vector<512x1xf32>
      %convert_element_type3A = arith.truncf %exp3A : vector<512x512xf32> to vector<512x512xbf16>
      %mul3A_1025 = arith.constant 512 : i32
      %mul3A_1026 = arith.muli %while3A_1013, %mul3A_1025 : i32
      %get3A_1027 = arith.constant 0 : index
      %get3A_1028 = arith.index_cast %mul3A_1026 : i32 to index
      %get3A_1029 = arith.constant 448 : index
      %get3A_1030 = vector.load %arg4[%get3A_1027, %get3A_1028, %get3A_1029] : memref<1x2048x1024xbf16, #tpu.memory_space<vmem>>, vector<1x512x64xbf16>
      %get3A_1031 = vector.shape_cast %get3A_1030 : vector<1x512x64xbf16> to vector<512x64xbf16>
      %dot_general3A_1032 = arith.constant dense<0.000000e+00> : vector<512x64xf32>
      %dot_general3A_1033 = tpu.matmul %convert_element_type3A, %get3A_1031, %dot_general3A_1032 {dimension_numbers = #tpu.dot_dimension_numbers<[1], [0], [0], [1], [0, 0, 1, 1], [], []>, transpose_lhs_hint = false} : vector<512x512xbf16>, vector<512x64xbf16>, vector<512x64xf32> -> vector<512x64xf32>
      %add3A_1034 = arith.addf %while3A_1014, %dot_general3A_1033 : vector<512x64xf32>
      scf.yield %add3A_1034, %add3A_1024 : vector<512x64xf32>, vector<512x1xf32>
    }
    %while3A_491 = arith.constant 1 : i32
    %while3A_492:2 = scf.for %while3A_1013 = %while3A_488 to %while3A_484 step %while3A_491 iter_args(%while3A_1014 = %while3A_490#0, %while3A_1015 = %while3A_490#1) -> (vector<512x64xf32>, vector<512x1xf32>)  : i32 {
      %mul3A_1016 = arith.constant 512 : i32
      %mul3A_1017 = arith.muli %while3A_1013, %mul3A_1016 : i32
      %get3A_1018 = arith.constant 0 : index
      %get3A_1019 = arith.index_cast %mul3A_1017 : i32 to index
      %get3A_1020 = vector.load %arg6[%get3A_1018, %get3A_1019] : memref<512x2048xf32, #tpu.memory_space<vmem>>, vector<512x512xf32>
      %sub3A = vector.broadcast %max3A_475 : vector<512x1xf32> to vector<512x512xf32>
      %sub3A_1021 = arith.subf %get3A_1020, %sub3A : vector<512x512xf32>
      %exp3A = math.exp %sub3A_1021 : vector<512x512xf32>
      %reduce_sum3A = arith.constant dense<0.000000e+00> : vector<512xf32>
      %reduce_sum3A_1022 = vector.multi_reduction <add>, %exp3A, %reduce_sum3A [1] : vector<512x512xf32> to vector<512xf32>
      %broadcast_in_dim3A_1023 = vector.shape_cast %reduce_sum3A_1022 : vector<512xf32> to vector<512x1xf32>
      %add3A_1024 = arith.addf %while3A_1015, %broadcast_in_dim3A_1023 : vector<512x1xf32>
      %convert_element_type3A = arith.truncf %exp3A : vector<512x512xf32> to vector<512x512xbf16>
      %mul3A_1025 = arith.constant 512 : i32
      %mul3A_1026 = arith.muli %while3A_1013, %mul3A_1025 : i32
      %get3A_1027 = arith.constant 0 : index
      %get3A_1028 = arith.index_cast %mul3A_1026 : i32 to index
      %get3A_1029 = arith.constant 448 : index
      %get3A_1030 = vector.load %arg4[%get3A_1027, %get3A_1028, %get3A_1029] : memref<1x2048x1024xbf16, #tpu.memory_space<vmem>>, vector<1x512x64xbf16>
      %get3A_1031 = vector.shape_cast %get3A_1030 : vector<1x512x64xbf16> to vector<512x64xbf16>
      %dot_general3A_1032 = arith.constant dense<0.000000e+00> : vector<512x64xf32>
      %dot_general3A_1033 = tpu.matmul %convert_element_type3A, %get3A_1031, %dot_general3A_1032 {dimension_numbers = #tpu.dot_dimension_numbers<[1], [0], [0], [1], [0, 0, 1, 1], [], []>, transpose_lhs_hint = false} : vector<512x512xbf16>, vector<512x64xbf16>, vector<512x64xf32> -> vector<512x64xf32>
      %add3A_1034 = arith.addf %while3A_1014, %dot_general3A_1033 : vector<512x64xf32>
      scf.yield %add3A_1034, %add3A_1024 : vector<512x64xf32>, vector<512x1xf32>
    }
    %div3A_493 = vector.broadcast %while3A_492#1 : vector<512x1xf32> to vector<512x64xf32>
    %div3A_494 = arith.divf %while3A_492#0, %div3A_493 : vector<512x64xf32>
    %swap3A_495 = arith.constant 0 : index
    %swap3A_496 = arith.constant 0 : index
    %swap3A_497 = arith.constant 448 : index
    %swap3A_498 = vector.load %arg5[%swap3A_495, %swap3A_496, %swap3A_497] : memref<1x512x1024xf32, #tpu.memory_space<vmem>>, vector<1x512x64xf32>
    %swap3A_499 = vector.shape_cast %swap3A_498 : vector<1x512x64xf32> to vector<512x64xf32>
    %swap3A_500 = vector.shape_cast %div3A_494 : vector<512x64xf32> to vector<1x512x64xf32>
    tpu.vector_store %arg5[%swap3A_495, %swap3A_496, %swap3A_497], %swap3A_500 {strides = array<i32>} : memref<1x512x1024xf32, #tpu.memory_space<vmem>>, vector<1x512x64xf32>,
    %get3A_501 = arith.constant 0 : index
    %get3A_502 = arith.constant 0 : index
    %get3A_503 = arith.constant 512 : index
    %get3A_504 = vector.load %arg2[%get3A_501, %get3A_502, %get3A_503] : memref<1x512x1024xbf16, #tpu.memory_space<vmem>>, vector<1x512x64xbf16>
    %get3A_505 = vector.shape_cast %get3A_504 : vector<1x512x64xbf16> to vector<512x64xbf16>
    %broadcast_in_dim3A_506 = arith.constant 0xFF800000 : f32
    %broadcast_in_dim3A_507 = vector.broadcast %broadcast_in_dim3A_506 : f32 to vector<512x1xf32>
    %while3A_508 = arith.constant 0 : i32
    %while3A_509 = arith.subi %arg1, %while3A_508 : i32
    %while3A_510 = arith.addi %while3A_508, %while3A_509 : i32
    %while3A_511 = arith.constant 1 : i32
    %while3A_512 = arith.divsi %while3A_509, %while3A_511 : i32
    %while3A_513 = arith.muli %while3A_512, %while3A_511 : i32
    %while3A_514 = arith.addi %while3A_508, %while3A_513 : i32
    %while3A_515 = arith.constant 1 : i32
    %while3A_516 = scf.for %while3A_1013 = %while3A_508 to %while3A_514 step %while3A_515 iter_args(%while3A_1014 = %broadcast_in_dim3A_507) -> (vector<512x1xf32>)  : i32 {
      %mul3A_1015 = arith.constant 512 : i32
      %mul3A_1016 = arith.muli %while3A_1013, %mul3A_1015 : i32
      %get3A_1017 = arith.constant 0 : index
      %get3A_1018 = arith.index_cast %mul3A_1016 : i32 to index
      %get3A_1019 = arith.constant 512 : index
      %get3A_1020 = vector.load %arg3[%get3A_1017, %get3A_1018, %get3A_1019] : memref<1x2048x1024xbf16, #tpu.memory_space<vmem>>, vector<1x512x64xbf16>
      %get3A_1021 = vector.shape_cast %get3A_1020 : vector<1x512x64xbf16> to vector<512x64xbf16>
      %dot_general3A_1022 = arith.constant dense<0.000000e+00> : vector<512x512xf32>
      %dot_general3A_1023 = tpu.matmul %get3A_505, %get3A_1021, %dot_general3A_1022 {dimension_numbers = #tpu.dot_dimension_numbers<[1], [1], [0], [0], [0, 0, 1, 0], [], []>, transpose_lhs_hint = false} : vector<512x64xbf16>, vector<512x64xbf16>, vector<512x512xf32> -> vector<512x512xf32>
      %mul3A_1024 = arith.constant 512 : i32
      %mul3A_1025 = arith.muli %while3A_1013, %mul3A_1024 : i32
      %swap3A_1026 = arith.constant 0 : index
      %swap3A_1027 = arith.index_cast %mul3A_1025 : i32 to index
      %swap3A_1028 = vector.load %arg6[%swap3A_1026, %swap3A_1027] : memref<512x2048xf32, #tpu.memory_space<vmem>>, vector<512x512xf32>
      tpu.vector_store %arg6[%swap3A_1026, %swap3A_1027], %dot_general3A_1023 {strides = array<i32>} : memref<512x2048xf32, #tpu.memory_space<vmem>>, vector<512x512xf32>,
      %reduce_max3A_1029 = arith.constant dense<0xFF800000> : vector<512xf32>
      %reduce_max3A_1030 = vector.multi_reduction <maximumf>, %dot_general3A_1023, %reduce_max3A_1029 [1] : vector<512x512xf32> to vector<512xf32>
      %broadcast_in_dim3A_1031 = vector.shape_cast %reduce_max3A_1030 : vector<512xf32> to vector<512x1xf32>
      %max3A_1032 = arith.maximumf %while3A_1014, %broadcast_in_dim3A_1031 : vector<512x1xf32>
      scf.yield %max3A_1032 : vector<512x1xf32>
    }
    %while3A_517 = arith.constant 1 : i32
    %while3A_518 = scf.for %while3A_1013 = %while3A_514 to %while3A_510 step %while3A_517 iter_args(%while3A_1014 = %while3A_516) -> (vector<512x1xf32>)  : i32 {
      %mul3A_1015 = arith.constant 512 : i32
      %mul3A_1016 = arith.muli %while3A_1013, %mul3A_1015 : i32
      %get3A_1017 = arith.constant 0 : index
      %get3A_1018 = arith.index_cast %mul3A_1016 : i32 to index
      %get3A_1019 = arith.constant 512 : index
      %get3A_1020 = vector.load %arg3[%get3A_1017, %get3A_1018, %get3A_1019] : memref<1x2048x1024xbf16, #tpu.memory_space<vmem>>, vector<1x512x64xbf16>
      %get3A_1021 = vector.shape_cast %get3A_1020 : vector<1x512x64xbf16> to vector<512x64xbf16>
      %dot_general3A_1022 = arith.constant dense<0.000000e+00> : vector<512x512xf32>
      %dot_general3A_1023 = tpu.matmul %get3A_505, %get3A_1021, %dot_general3A_1022 {dimension_numbers = #tpu.dot_dimension_numbers<[1], [1], [0], [0], [0, 0, 1, 0], [], []>, transpose_lhs_hint = false} : vector<512x64xbf16>, vector<512x64xbf16>, vector<512x512xf32> -> vector<512x512xf32>
      %mul3A_1024 = arith.constant 512 : i32
      %mul3A_1025 = arith.muli %while3A_1013, %mul3A_1024 : i32
      %swap3A_1026 = arith.constant 0 : index
      %swap3A_1027 = arith.index_cast %mul3A_1025 : i32 to index
      %swap3A_1028 = vector.load %arg6[%swap3A_1026, %swap3A_1027] : memref<512x2048xf32, #tpu.memory_space<vmem>>, vector<512x512xf32>
      tpu.vector_store %arg6[%swap3A_1026, %swap3A_1027], %dot_general3A_1023 {strides = array<i32>} : memref<512x2048xf32, #tpu.memory_space<vmem>>, vector<512x512xf32>,
      %reduce_max3A_1029 = arith.constant dense<0xFF800000> : vector<512xf32>
      %reduce_max3A_1030 = vector.multi_reduction <maximumf>, %dot_general3A_1023, %reduce_max3A_1029 [1] : vector<512x512xf32> to vector<512xf32>
      %broadcast_in_dim3A_1031 = vector.shape_cast %reduce_max3A_1030 : vector<512xf32> to vector<512x1xf32>
      %max3A_1032 = arith.maximumf %while3A_1014, %broadcast_in_dim3A_1031 : vector<512x1xf32>
      scf.yield %max3A_1032 : vector<512x1xf32>
    }
    %mul3A_519 = arith.constant 512 : i32
    %mul3A_520 = arith.muli %arg1, %mul3A_519 : i32
    %get3A_521 = arith.constant 0 : index
    %get3A_522 = arith.index_cast %mul3A_520 : i32 to index
    %get3A_523 = arith.constant 512 : index
    %get3A_524 = vector.load %arg3[%get3A_521, %get3A_522, %get3A_523] : memref<1x2048x1024xbf16, #tpu.memory_space<vmem>>, vector<1x512x64xbf16>
    %get3A_525 = vector.shape_cast %get3A_524 : vector<1x512x64xbf16> to vector<512x64xbf16>
    %dot_general3A_526 = arith.constant dense<0.000000e+00> : vector<512x512xf32>
    %dot_general3A_527 = tpu.matmul %get3A_505, %get3A_525, %dot_general3A_526 {dimension_numbers = #tpu.dot_dimension_numbers<[1], [1], [0], [0], [0, 0, 1, 0], [], []>, transpose_lhs_hint = false} : vector<512x64xbf16>, vector<512x64xbf16>, vector<512x512xf32> -> vector<512x512xf32>
    %jit3A_528 = arith.constant -1.000000e+30 : f32
    %broadcast_in_dim3A_529 = vector.broadcast %jit3A_528 : f32 to vector<512x512xf32>
    %select_n3A_530 = arith.select %le3A, %dot_general3A_527, %broadcast_in_dim3A_529 : vector<512x512xi1>, vector<512x512xf32>
    %mul3A_531 = arith.constant 512 : i32
    %mul3A_532 = arith.muli %arg1, %mul3A_531 : i32
    %swap3A_533 = arith.constant 0 : index
    %swap3A_534 = arith.index_cast %mul3A_532 : i32 to index
    %swap3A_535 = vector.load %arg6[%swap3A_533, %swap3A_534] : memref<512x2048xf32, #tpu.memory_space<vmem>>, vector<512x512xf32>
    tpu.vector_store %arg6[%swap3A_533, %swap3A_534], %select_n3A_530 {strides = array<i32>} : memref<512x2048xf32, #tpu.memory_space<vmem>>, vector<512x512xf32>,
    %reduce_max3A_536 = arith.constant dense<0xFF800000> : vector<512xf32>
    %reduce_max3A_537 = vector.multi_reduction <maximumf>, %select_n3A_530, %reduce_max3A_536 [1] : vector<512x512xf32> to vector<512xf32>
    %broadcast_in_dim3A_538 = vector.shape_cast %reduce_max3A_537 : vector<512xf32> to vector<512x1xf32>
    %max3A_539 = arith.maximumf %while3A_518, %broadcast_in_dim3A_538 : vector<512x1xf32>
    %add3A_540 = arith.constant 1 : i32
    %add3A_541 = arith.addi %arg1, %add3A_540 : i32
    %broadcast_in_dim3A_542 = arith.constant 0.000000e+00 : f32
    %broadcast_in_dim3A_543 = vector.broadcast %broadcast_in_dim3A_542 : f32 to vector<512x64xf32>
    %broadcast_in_dim3A_544 = arith.constant 0.000000e+00 : f32
    %broadcast_in_dim3A_545 = vector.broadcast %broadcast_in_dim3A_544 : f32 to vector<512x1xf32>
    %while3A_546 = arith.constant 0 : i32
    %while3A_547 = arith.subi %add3A_541, %while3A_546 : i32
    %while3A_548 = arith.addi %while3A_546, %while3A_547 : i32
    %while3A_549 = arith.constant 1 : i32
    %while3A_550 = arith.divsi %while3A_547, %while3A_549 : i32
    %while3A_551 = arith.muli %while3A_550, %while3A_549 : i32
    %while3A_552 = arith.addi %while3A_546, %while3A_551 : i32
    %while3A_553 = arith.constant 1 : i32
    %while3A_554:2 = scf.for %while3A_1013 = %while3A_546 to %while3A_552 step %while3A_553 iter_args(%while3A_1014 = %broadcast_in_dim3A_543, %while3A_1015 = %broadcast_in_dim3A_545) -> (vector<512x64xf32>, vector<512x1xf32>)  : i32 {
      %mul3A_1016 = arith.constant 512 : i32
      %mul3A_1017 = arith.muli %while3A_1013, %mul3A_1016 : i32
      %get3A_1018 = arith.constant 0 : index
      %get3A_1019 = arith.index_cast %mul3A_1017 : i32 to index
      %get3A_1020 = vector.load %arg6[%get3A_1018, %get3A_1019] : memref<512x2048xf32, #tpu.memory_space<vmem>>, vector<512x512xf32>
      %sub3A = vector.broadcast %max3A_539 : vector<512x1xf32> to vector<512x512xf32>
      %sub3A_1021 = arith.subf %get3A_1020, %sub3A : vector<512x512xf32>
      %exp3A = math.exp %sub3A_1021 : vector<512x512xf32>
      %reduce_sum3A = arith.constant dense<0.000000e+00> : vector<512xf32>
      %reduce_sum3A_1022 = vector.multi_reduction <add>, %exp3A, %reduce_sum3A [1] : vector<512x512xf32> to vector<512xf32>
      %broadcast_in_dim3A_1023 = vector.shape_cast %reduce_sum3A_1022 : vector<512xf32> to vector<512x1xf32>
      %add3A_1024 = arith.addf %while3A_1015, %broadcast_in_dim3A_1023 : vector<512x1xf32>
      %convert_element_type3A = arith.truncf %exp3A : vector<512x512xf32> to vector<512x512xbf16>
      %mul3A_1025 = arith.constant 512 : i32
      %mul3A_1026 = arith.muli %while3A_1013, %mul3A_1025 : i32
      %get3A_1027 = arith.constant 0 : index
      %get3A_1028 = arith.index_cast %mul3A_1026 : i32 to index
      %get3A_1029 = arith.constant 512 : index
      %get3A_1030 = vector.load %arg4[%get3A_1027, %get3A_1028, %get3A_1029] : memref<1x2048x1024xbf16, #tpu.memory_space<vmem>>, vector<1x512x64xbf16>
      %get3A_1031 = vector.shape_cast %get3A_1030 : vector<1x512x64xbf16> to vector<512x64xbf16>
      %dot_general3A_1032 = arith.constant dense<0.000000e+00> : vector<512x64xf32>
      %dot_general3A_1033 = tpu.matmul %convert_element_type3A, %get3A_1031, %dot_general3A_1032 {dimension_numbers = #tpu.dot_dimension_numbers<[1], [0], [0], [1], [0, 0, 1, 1], [], []>, transpose_lhs_hint = false} : vector<512x512xbf16>, vector<512x64xbf16>, vector<512x64xf32> -> vector<512x64xf32>
      %add3A_1034 = arith.addf %while3A_1014, %dot_general3A_1033 : vector<512x64xf32>
      scf.yield %add3A_1034, %add3A_1024 : vector<512x64xf32>, vector<512x1xf32>
    }
    %while3A_555 = arith.constant 1 : i32
    %while3A_556:2 = scf.for %while3A_1013 = %while3A_552 to %while3A_548 step %while3A_555 iter_args(%while3A_1014 = %while3A_554#0, %while3A_1015 = %while3A_554#1) -> (vector<512x64xf32>, vector<512x1xf32>)  : i32 {
      %mul3A_1016 = arith.constant 512 : i32
      %mul3A_1017 = arith.muli %while3A_1013, %mul3A_1016 : i32
      %get3A_1018 = arith.constant 0 : index
      %get3A_1019 = arith.index_cast %mul3A_1017 : i32 to index
      %get3A_1020 = vector.load %arg6[%get3A_1018, %get3A_1019] : memref<512x2048xf32, #tpu.memory_space<vmem>>, vector<512x512xf32>
      %sub3A = vector.broadcast %max3A_539 : vector<512x1xf32> to vector<512x512xf32>
      %sub3A_1021 = arith.subf %get3A_1020, %sub3A : vector<512x512xf32>
      %exp3A = math.exp %sub3A_1021 : vector<512x512xf32>
      %reduce_sum3A = arith.constant dense<0.000000e+00> : vector<512xf32>
      %reduce_sum3A_1022 = vector.multi_reduction <add>, %exp3A, %reduce_sum3A [1] : vector<512x512xf32> to vector<512xf32>
      %broadcast_in_dim3A_1023 = vector.shape_cast %reduce_sum3A_1022 : vector<512xf32> to vector<512x1xf32>
      %add3A_1024 = arith.addf %while3A_1015, %broadcast_in_dim3A_1023 : vector<512x1xf32>
      %convert_element_type3A = arith.truncf %exp3A : vector<512x512xf32> to vector<512x512xbf16>
      %mul3A_1025 = arith.constant 512 : i32
      %mul3A_1026 = arith.muli %while3A_1013, %mul3A_1025 : i32
      %get3A_1027 = arith.constant 0 : index
      %get3A_1028 = arith.index_cast %mul3A_1026 : i32 to index
      %get3A_1029 = arith.constant 512 : index
      %get3A_1030 = vector.load %arg4[%get3A_1027, %get3A_1028, %get3A_1029] : memref<1x2048x1024xbf16, #tpu.memory_space<vmem>>, vector<1x512x64xbf16>
      %get3A_1031 = vector.shape_cast %get3A_1030 : vector<1x512x64xbf16> to vector<512x64xbf16>
      %dot_general3A_1032 = arith.constant dense<0.000000e+00> : vector<512x64xf32>
      %dot_general3A_1033 = tpu.matmul %convert_element_type3A, %get3A_1031, %dot_general3A_1032 {dimension_numbers = #tpu.dot_dimension_numbers<[1], [0], [0], [1], [0, 0, 1, 1], [], []>, transpose_lhs_hint = false} : vector<512x512xbf16>, vector<512x64xbf16>, vector<512x64xf32> -> vector<512x64xf32>
      %add3A_1034 = arith.addf %while3A_1014, %dot_general3A_1033 : vector<512x64xf32>
      scf.yield %add3A_1034, %add3A_1024 : vector<512x64xf32>, vector<512x1xf32>
    }
    %div3A_557 = vector.broadcast %while3A_556#1 : vector<512x1xf32> to vector<512x64xf32>
    %div3A_558 = arith.divf %while3A_556#0, %div3A_557 : vector<512x64xf32>
    %swap3A_559 = arith.constant 0 : index
    %swap3A_560 = arith.constant 0 : index
    %swap3A_561 = arith.constant 512 : index
    %swap3A_562 = vector.load %arg5[%swap3A_559, %swap3A_560, %swap3A_561] : memref<1x512x1024xf32, #tpu.memory_space<vmem>>, vector<1x512x64xf32>
    %swap3A_563 = vector.shape_cast %swap3A_562 : vector<1x512x64xf32> to vector<512x64xf32>
    %swap3A_564 = vector.shape_cast %div3A_558 : vector<512x64xf32> to vector<1x512x64xf32>
    tpu.vector_store %arg5[%swap3A_559, %swap3A_560, %swap3A_561], %swap3A_564 {strides = array<i32>} : memref<1x512x1024xf32, #tpu.memory_space<vmem>>, vector<1x512x64xf32>,
    %get3A_565 = arith.constant 0 : index
    %get3A_566 = arith.constant 0 : index
    %get3A_567 = arith.constant 576 : index
    %get3A_568 = vector.load %arg2[%get3A_565, %get3A_566, %get3A_567] : memref<1x512x1024xbf16, #tpu.memory_space<vmem>>, vector<1x512x64xbf16>
    %get3A_569 = vector.shape_cast %get3A_568 : vector<1x512x64xbf16> to vector<512x64xbf16>
    %broadcast_in_dim3A_570 = arith.constant 0xFF800000 : f32
    %broadcast_in_dim3A_571 = vector.broadcast %broadcast_in_dim3A_570 : f32 to vector<512x1xf32>
    %while3A_572 = arith.constant 0 : i32
    %while3A_573 = arith.subi %arg1, %while3A_572 : i32
    %while3A_574 = arith.addi %while3A_572, %while3A_573 : i32
    %while3A_575 = arith.constant 1 : i32
    %while3A_576 = arith.divsi %while3A_573, %while3A_575 : i32
    %while3A_577 = arith.muli %while3A_576, %while3A_575 : i32
    %while3A_578 = arith.addi %while3A_572, %while3A_577 : i32
    %while3A_579 = arith.constant 1 : i32
    %while3A_580 = scf.for %while3A_1013 = %while3A_572 to %while3A_578 step %while3A_579 iter_args(%while3A_1014 = %broadcast_in_dim3A_571) -> (vector<512x1xf32>)  : i32 {
      %mul3A_1015 = arith.constant 512 : i32
      %mul3A_1016 = arith.muli %while3A_1013, %mul3A_1015 : i32
      %get3A_1017 = arith.constant 0 : index
      %get3A_1018 = arith.index_cast %mul3A_1016 : i32 to index
      %get3A_1019 = arith.constant 576 : index
      %get3A_1020 = vector.load %arg3[%get3A_1017, %get3A_1018, %get3A_1019] : memref<1x2048x1024xbf16, #tpu.memory_space<vmem>>, vector<1x512x64xbf16>
      %get3A_1021 = vector.shape_cast %get3A_1020 : vector<1x512x64xbf16> to vector<512x64xbf16>
      %dot_general3A_1022 = arith.constant dense<0.000000e+00> : vector<512x512xf32>
      %dot_general3A_1023 = tpu.matmul %get3A_569, %get3A_1021, %dot_general3A_1022 {dimension_numbers = #tpu.dot_dimension_numbers<[1], [1], [0], [0], [0, 0, 1, 0], [], []>, transpose_lhs_hint = false} : vector<512x64xbf16>, vector<512x64xbf16>, vector<512x512xf32> -> vector<512x512xf32>
      %mul3A_1024 = arith.constant 512 : i32
      %mul3A_1025 = arith.muli %while3A_1013, %mul3A_1024 : i32
      %swap3A_1026 = arith.constant 0 : index
      %swap3A_1027 = arith.index_cast %mul3A_1025 : i32 to index
      %swap3A_1028 = vector.load %arg6[%swap3A_1026, %swap3A_1027] : memref<512x2048xf32, #tpu.memory_space<vmem>>, vector<512x512xf32>
      tpu.vector_store %arg6[%swap3A_1026, %swap3A_1027], %dot_general3A_1023 {strides = array<i32>} : memref<512x2048xf32, #tpu.memory_space<vmem>>, vector<512x512xf32>,
      %reduce_max3A_1029 = arith.constant dense<0xFF800000> : vector<512xf32>
      %reduce_max3A_1030 = vector.multi_reduction <maximumf>, %dot_general3A_1023, %reduce_max3A_1029 [1] : vector<512x512xf32> to vector<512xf32>
      %broadcast_in_dim3A_1031 = vector.shape_cast %reduce_max3A_1030 : vector<512xf32> to vector<512x1xf32>
      %max3A_1032 = arith.maximumf %while3A_1014, %broadcast_in_dim3A_1031 : vector<512x1xf32>
      scf.yield %max3A_1032 : vector<512x1xf32>
    }
    %while3A_581 = arith.constant 1 : i32
    %while3A_582 = scf.for %while3A_1013 = %while3A_578 to %while3A_574 step %while3A_581 iter_args(%while3A_1014 = %while3A_580) -> (vector<512x1xf32>)  : i32 {
      %mul3A_1015 = arith.constant 512 : i32
      %mul3A_1016 = arith.muli %while3A_1013, %mul3A_1015 : i32
      %get3A_1017 = arith.constant 0 : index
      %get3A_1018 = arith.index_cast %mul3A_1016 : i32 to index
      %get3A_1019 = arith.constant 576 : index
      %get3A_1020 = vector.load %arg3[%get3A_1017, %get3A_1018, %get3A_1019] : memref<1x2048x1024xbf16, #tpu.memory_space<vmem>>, vector<1x512x64xbf16>
      %get3A_1021 = vector.shape_cast %get3A_1020 : vector<1x512x64xbf16> to vector<512x64xbf16>
      %dot_general3A_1022 = arith.constant dense<0.000000e+00> : vector<512x512xf32>
      %dot_general3A_1023 = tpu.matmul %get3A_569, %get3A_1021, %dot_general3A_1022 {dimension_numbers = #tpu.dot_dimension_numbers<[1], [1], [0], [0], [0, 0, 1, 0], [], []>, transpose_lhs_hint = false} : vector<512x64xbf16>, vector<512x64xbf16>, vector<512x512xf32> -> vector<512x512xf32>
      %mul3A_1024 = arith.constant 512 : i32
      %mul3A_1025 = arith.muli %while3A_1013, %mul3A_1024 : i32
      %swap3A_1026 = arith.constant 0 : index
      %swap3A_1027 = arith.index_cast %mul3A_1025 : i32 to index
      %swap3A_1028 = vector.load %arg6[%swap3A_1026, %swap3A_1027] : memref<512x2048xf32, #tpu.memory_space<vmem>>, vector<512x512xf32>
      tpu.vector_store %arg6[%swap3A_1026, %swap3A_1027], %dot_general3A_1023 {strides = array<i32>} : memref<512x2048xf32, #tpu.memory_space<vmem>>, vector<512x512xf32>,
      %reduce_max3A_1029 = arith.constant dense<0xFF800000> : vector<512xf32>
      %reduce_max3A_1030 = vector.multi_reduction <maximumf>, %dot_general3A_1023, %reduce_max3A_1029 [1] : vector<512x512xf32> to vector<512xf32>
      %broadcast_in_dim3A_1031 = vector.shape_cast %reduce_max3A_1030 : vector<512xf32> to vector<512x1xf32>
      %max3A_1032 = arith.maximumf %while3A_1014, %broadcast_in_dim3A_1031 : vector<512x1xf32>
      scf.yield %max3A_1032 : vector<512x1xf32>
    }
    %mul3A_583 = arith.constant 512 : i32
    %mul3A_584 = arith.muli %arg1, %mul3A_583 : i32
    %get3A_585 = arith.constant 0 : index
    %get3A_586 = arith.index_cast %mul3A_584 : i32 to index
    %get3A_587 = arith.constant 576 : index
    %get3A_588 = vector.load %arg3[%get3A_585, %get3A_586, %get3A_587] : memref<1x2048x1024xbf16, #tpu.memory_space<vmem>>, vector<1x512x64xbf16>
    %get3A_589 = vector.shape_cast %get3A_588 : vector<1x512x64xbf16> to vector<512x64xbf16>
    %dot_general3A_590 = arith.constant dense<0.000000e+00> : vector<512x512xf32>
    %dot_general3A_591 = tpu.matmul %get3A_569, %get3A_589, %dot_general3A_590 {dimension_numbers = #tpu.dot_dimension_numbers<[1], [1], [0], [0], [0, 0, 1, 0], [], []>, transpose_lhs_hint = false} : vector<512x64xbf16>, vector<512x64xbf16>, vector<512x512xf32> -> vector<512x512xf32>
    %jit3A_592 = arith.constant -1.000000e+30 : f32
    %broadcast_in_dim3A_593 = vector.broadcast %jit3A_592 : f32 to vector<512x512xf32>
    %select_n3A_594 = arith.select %le3A, %dot_general3A_591, %broadcast_in_dim3A_593 : vector<512x512xi1>, vector<512x512xf32>
    %mul3A_595 = arith.constant 512 : i32
    %mul3A_596 = arith.muli %arg1, %mul3A_595 : i32
    %swap3A_597 = arith.constant 0 : index
    %swap3A_598 = arith.index_cast %mul3A_596 : i32 to index
    %swap3A_599 = vector.load %arg6[%swap3A_597, %swap3A_598] : memref<512x2048xf32, #tpu.memory_space<vmem>>, vector<512x512xf32>
    tpu.vector_store %arg6[%swap3A_597, %swap3A_598], %select_n3A_594 {strides = array<i32>} : memref<512x2048xf32, #tpu.memory_space<vmem>>, vector<512x512xf32>,
    %reduce_max3A_600 = arith.constant dense<0xFF800000> : vector<512xf32>
    %reduce_max3A_601 = vector.multi_reduction <maximumf>, %select_n3A_594, %reduce_max3A_600 [1] : vector<512x512xf32> to vector<512xf32>
    %broadcast_in_dim3A_602 = vector.shape_cast %reduce_max3A_601 : vector<512xf32> to vector<512x1xf32>
    %max3A_603 = arith.maximumf %while3A_582, %broadcast_in_dim3A_602 : vector<512x1xf32>
    %add3A_604 = arith.constant 1 : i32
    %add3A_605 = arith.addi %arg1, %add3A_604 : i32
    %broadcast_in_dim3A_606 = arith.constant 0.000000e+00 : f32
    %broadcast_in_dim3A_607 = vector.broadcast %broadcast_in_dim3A_606 : f32 to vector<512x64xf32>
    %broadcast_in_dim3A_608 = arith.constant 0.000000e+00 : f32
    %broadcast_in_dim3A_609 = vector.broadcast %broadcast_in_dim3A_608 : f32 to vector<512x1xf32>
    %while3A_610 = arith.constant 0 : i32
    %while3A_611 = arith.subi %add3A_605, %while3A_610 : i32
    %while3A_612 = arith.addi %while3A_610, %while3A_611 : i32
    %while3A_613 = arith.constant 1 : i32
    %while3A_614 = arith.divsi %while3A_611, %while3A_613 : i32
    %while3A_615 = arith.muli %while3A_614, %while3A_613 : i32
    %while3A_616 = arith.addi %while3A_610, %while3A_615 : i32
    %while3A_617 = arith.constant 1 : i32
    %while3A_618:2 = scf.for %while3A_1013 = %while3A_610 to %while3A_616 step %while3A_617 iter_args(%while3A_1014 = %broadcast_in_dim3A_607, %while3A_1015 = %broadcast_in_dim3A_609) -> (vector<512x64xf32>, vector<512x1xf32>)  : i32 {
      %mul3A_1016 = arith.constant 512 : i32
      %mul3A_1017 = arith.muli %while3A_1013, %mul3A_1016 : i32
      %get3A_1018 = arith.constant 0 : index
      %get3A_1019 = arith.index_cast %mul3A_1017 : i32 to index
      %get3A_1020 = vector.load %arg6[%get3A_1018, %get3A_1019] : memref<512x2048xf32, #tpu.memory_space<vmem>>, vector<512x512xf32>
      %sub3A = vector.broadcast %max3A_603 : vector<512x1xf32> to vector<512x512xf32>
      %sub3A_1021 = arith.subf %get3A_1020, %sub3A : vector<512x512xf32>
      %exp3A = math.exp %sub3A_1021 : vector<512x512xf32>
      %reduce_sum3A = arith.constant dense<0.000000e+00> : vector<512xf32>
      %reduce_sum3A_1022 = vector.multi_reduction <add>, %exp3A, %reduce_sum3A [1] : vector<512x512xf32> to vector<512xf32>
      %broadcast_in_dim3A_1023 = vector.shape_cast %reduce_sum3A_1022 : vector<512xf32> to vector<512x1xf32>
      %add3A_1024 = arith.addf %while3A_1015, %broadcast_in_dim3A_1023 : vector<512x1xf32>
      %convert_element_type3A = arith.truncf %exp3A : vector<512x512xf32> to vector<512x512xbf16>
      %mul3A_1025 = arith.constant 512 : i32
      %mul3A_1026 = arith.muli %while3A_1013, %mul3A_1025 : i32
      %get3A_1027 = arith.constant 0 : index
      %get3A_1028 = arith.index_cast %mul3A_1026 : i32 to index
      %get3A_1029 = arith.constant 576 : index
      %get3A_1030 = vector.load %arg4[%get3A_1027, %get3A_1028, %get3A_1029] : memref<1x2048x1024xbf16, #tpu.memory_space<vmem>>, vector<1x512x64xbf16>
      %get3A_1031 = vector.shape_cast %get3A_1030 : vector<1x512x64xbf16> to vector<512x64xbf16>
      %dot_general3A_1032 = arith.constant dense<0.000000e+00> : vector<512x64xf32>
      %dot_general3A_1033 = tpu.matmul %convert_element_type3A, %get3A_1031, %dot_general3A_1032 {dimension_numbers = #tpu.dot_dimension_numbers<[1], [0], [0], [1], [0, 0, 1, 1], [], []>, transpose_lhs_hint = false} : vector<512x512xbf16>, vector<512x64xbf16>, vector<512x64xf32> -> vector<512x64xf32>
      %add3A_1034 = arith.addf %while3A_1014, %dot_general3A_1033 : vector<512x64xf32>
      scf.yield %add3A_1034, %add3A_1024 : vector<512x64xf32>, vector<512x1xf32>
    }
    %while3A_619 = arith.constant 1 : i32
    %while3A_620:2 = scf.for %while3A_1013 = %while3A_616 to %while3A_612 step %while3A_619 iter_args(%while3A_1014 = %while3A_618#0, %while3A_1015 = %while3A_618#1) -> (vector<512x64xf32>, vector<512x1xf32>)  : i32 {
      %mul3A_1016 = arith.constant 512 : i32
      %mul3A_1017 = arith.muli %while3A_1013, %mul3A_1016 : i32
      %get3A_1018 = arith.constant 0 : index
      %get3A_1019 = arith.index_cast %mul3A_1017 : i32 to index
      %get3A_1020 = vector.load %arg6[%get3A_1018, %get3A_1019] : memref<512x2048xf32, #tpu.memory_space<vmem>>, vector<512x512xf32>
      %sub3A = vector.broadcast %max3A_603 : vector<512x1xf32> to vector<512x512xf32>
      %sub3A_1021 = arith.subf %get3A_1020, %sub3A : vector<512x512xf32>
      %exp3A = math.exp %sub3A_1021 : vector<512x512xf32>
      %reduce_sum3A = arith.constant dense<0.000000e+00> : vector<512xf32>
      %reduce_sum3A_1022 = vector.multi_reduction <add>, %exp3A, %reduce_sum3A [1] : vector<512x512xf32> to vector<512xf32>
      %broadcast_in_dim3A_1023 = vector.shape_cast %reduce_sum3A_1022 : vector<512xf32> to vector<512x1xf32>
      %add3A_1024 = arith.addf %while3A_1015, %broadcast_in_dim3A_1023 : vector<512x1xf32>
      %convert_element_type3A = arith.truncf %exp3A : vector<512x512xf32> to vector<512x512xbf16>
      %mul3A_1025 = arith.constant 512 : i32
      %mul3A_1026 = arith.muli %while3A_1013, %mul3A_1025 : i32
      %get3A_1027 = arith.constant 0 : index
      %get3A_1028 = arith.index_cast %mul3A_1026 : i32 to index
      %get3A_1029 = arith.constant 576 : index
      %get3A_1030 = vector.load %arg4[%get3A_1027, %get3A_1028, %get3A_1029] : memref<1x2048x1024xbf16, #tpu.memory_space<vmem>>, vector<1x512x64xbf16>
      %get3A_1031 = vector.shape_cast %get3A_1030 : vector<1x512x64xbf16> to vector<512x64xbf16>
      %dot_general3A_1032 = arith.constant dense<0.000000e+00> : vector<512x64xf32>
      %dot_general3A_1033 = tpu.matmul %convert_element_type3A, %get3A_1031, %dot_general3A_1032 {dimension_numbers = #tpu.dot_dimension_numbers<[1], [0], [0], [1], [0, 0, 1, 1], [], []>, transpose_lhs_hint = false} : vector<512x512xbf16>, vector<512x64xbf16>, vector<512x64xf32> -> vector<512x64xf32>
      %add3A_1034 = arith.addf %while3A_1014, %dot_general3A_1033 : vector<512x64xf32>
      scf.yield %add3A_1034, %add3A_1024 : vector<512x64xf32>, vector<512x1xf32>
    }
    %div3A_621 = vector.broadcast %while3A_620#1 : vector<512x1xf32> to vector<512x64xf32>
    %div3A_622 = arith.divf %while3A_620#0, %div3A_621 : vector<512x64xf32>
    %swap3A_623 = arith.constant 0 : index
    %swap3A_624 = arith.constant 0 : index
    %swap3A_625 = arith.constant 576 : index
    %swap3A_626 = vector.load %arg5[%swap3A_623, %swap3A_624, %swap3A_625] : memref<1x512x1024xf32, #tpu.memory_space<vmem>>, vector<1x512x64xf32>
    %swap3A_627 = vector.shape_cast %swap3A_626 : vector<1x512x64xf32> to vector<512x64xf32>
    %swap3A_628 = vector.shape_cast %div3A_622 : vector<512x64xf32> to vector<1x512x64xf32>
    tpu.vector_store %arg5[%swap3A_623, %swap3A_624, %swap3A_625], %swap3A_628 {strides = array<i32>} : memref<1x512x1024xf32, #tpu.memory_space<vmem>>, vector<1x512x64xf32>,
    %get3A_629 = arith.constant 0 : index
    %get3A_630 = arith.constant 0 : index
    %get3A_631 = arith.constant 640 : index
    %get3A_632 = vector.load %arg2[%get3A_629, %get3A_630, %get3A_631] : memref<1x512x1024xbf16, #tpu.memory_space<vmem>>, vector<1x512x64xbf16>
    %get3A_633 = vector.shape_cast %get3A_632 : vector<1x512x64xbf16> to vector<512x64xbf16>
    %broadcast_in_dim3A_634 = arith.constant 0xFF800000 : f32
    %broadcast_in_dim3A_635 = vector.broadcast %broadcast_in_dim3A_634 : f32 to vector<512x1xf32>
    %while3A_636 = arith.constant 0 : i32
    %while3A_637 = arith.subi %arg1, %while3A_636 : i32
    %while3A_638 = arith.addi %while3A_636, %while3A_637 : i32
    %while3A_639 = arith.constant 1 : i32
    %while3A_640 = arith.divsi %while3A_637, %while3A_639 : i32
    %while3A_641 = arith.muli %while3A_640, %while3A_639 : i32
    %while3A_642 = arith.addi %while3A_636, %while3A_641 : i32
    %while3A_643 = arith.constant 1 : i32
    %while3A_644 = scf.for %while3A_1013 = %while3A_636 to %while3A_642 step %while3A_643 iter_args(%while3A_1014 = %broadcast_in_dim3A_635) -> (vector<512x1xf32>)  : i32 {
      %mul3A_1015 = arith.constant 512 : i32
      %mul3A_1016 = arith.muli %while3A_1013, %mul3A_1015 : i32
      %get3A_1017 = arith.constant 0 : index
      %get3A_1018 = arith.index_cast %mul3A_1016 : i32 to index
      %get3A_1019 = arith.constant 640 : index
      %get3A_1020 = vector.load %arg3[%get3A_1017, %get3A_1018, %get3A_1019] : memref<1x2048x1024xbf16, #tpu.memory_space<vmem>>, vector<1x512x64xbf16>
      %get3A_1021 = vector.shape_cast %get3A_1020 : vector<1x512x64xbf16> to vector<512x64xbf16>
      %dot_general3A_1022 = arith.constant dense<0.000000e+00> : vector<512x512xf32>
      %dot_general3A_1023 = tpu.matmul %get3A_633, %get3A_1021, %dot_general3A_1022 {dimension_numbers = #tpu.dot_dimension_numbers<[1], [1], [0], [0], [0, 0, 1, 0], [], []>, transpose_lhs_hint = false} : vector<512x64xbf16>, vector<512x64xbf16>, vector<512x512xf32> -> vector<512x512xf32>
      %mul3A_1024 = arith.constant 512 : i32
      %mul3A_1025 = arith.muli %while3A_1013, %mul3A_1024 : i32
      %swap3A_1026 = arith.constant 0 : index
      %swap3A_1027 = arith.index_cast %mul3A_1025 : i32 to index
      %swap3A_1028 = vector.load %arg6[%swap3A_1026, %swap3A_1027] : memref<512x2048xf32, #tpu.memory_space<vmem>>, vector<512x512xf32>
      tpu.vector_store %arg6[%swap3A_1026, %swap3A_1027], %dot_general3A_1023 {strides = array<i32>} : memref<512x2048xf32, #tpu.memory_space<vmem>>, vector<512x512xf32>,
      %reduce_max3A_1029 = arith.constant dense<0xFF800000> : vector<512xf32>
      %reduce_max3A_1030 = vector.multi_reduction <maximumf>, %dot_general3A_1023, %reduce_max3A_1029 [1] : vector<512x512xf32> to vector<512xf32>
      %broadcast_in_dim3A_1031 = vector.shape_cast %reduce_max3A_1030 : vector<512xf32> to vector<512x1xf32>
      %max3A_1032 = arith.maximumf %while3A_1014, %broadcast_in_dim3A_1031 : vector<512x1xf32>
      scf.yield %max3A_1032 : vector<512x1xf32>
    }
    %while3A_645 = arith.constant 1 : i32
    %while3A_646 = scf.for %while3A_1013 = %while3A_642 to %while3A_638 step %while3A_645 iter_args(%while3A_1014 = %while3A_644) -> (vector<512x1xf32>)  : i32 {
      %mul3A_1015 = arith.constant 512 : i32
      %mul3A_1016 = arith.muli %while3A_1013, %mul3A_1015 : i32
      %get3A_1017 = arith.constant 0 : index
      %get3A_1018 = arith.index_cast %mul3A_1016 : i32 to index
      %get3A_1019 = arith.constant 640 : index
      %get3A_1020 = vector.load %arg3[%get3A_1017, %get3A_1018, %get3A_1019] : memref<1x2048x1024xbf16, #tpu.memory_space<vmem>>, vector<1x512x64xbf16>
      %get3A_1021 = vector.shape_cast %get3A_1020 : vector<1x512x64xbf16> to vector<512x64xbf16>
      %dot_general3A_1022 = arith.constant dense<0.000000e+00> : vector<512x512xf32>
      %dot_general3A_1023 = tpu.matmul %get3A_633, %get3A_1021, %dot_general3A_1022 {dimension_numbers = #tpu.dot_dimension_numbers<[1], [1], [0], [0], [0, 0, 1, 0], [], []>, transpose_lhs_hint = false} : vector<512x64xbf16>, vector<512x64xbf16>, vector<512x512xf32> -> vector<512x512xf32>
      %mul3A_1024 = arith.constant 512 : i32
      %mul3A_1025 = arith.muli %while3A_1013, %mul3A_1024 : i32
      %swap3A_1026 = arith.constant 0 : index
      %swap3A_1027 = arith.index_cast %mul3A_1025 : i32 to index
      %swap3A_1028 = vector.load %arg6[%swap3A_1026, %swap3A_1027] : memref<512x2048xf32, #tpu.memory_space<vmem>>, vector<512x512xf32>
      tpu.vector_store %arg6[%swap3A_1026, %swap3A_1027], %dot_general3A_1023 {strides = array<i32>} : memref<512x2048xf32, #tpu.memory_space<vmem>>, vector<512x512xf32>,
      %reduce_max3A_1029 = arith.constant dense<0xFF800000> : vector<512xf32>
      %reduce_max3A_1030 = vector.multi_reduction <maximumf>, %dot_general3A_1023, %reduce_max3A_1029 [1] : vector<512x512xf32> to vector<512xf32>
      %broadcast_in_dim3A_1031 = vector.shape_cast %reduce_max3A_1030 : vector<512xf32> to vector<512x1xf32>
      %max3A_1032 = arith.maximumf %while3A_1014, %broadcast_in_dim3A_1031 : vector<512x1xf32>
      scf.yield %max3A_1032 : vector<512x1xf32>
    }
    %mul3A_647 = arith.constant 512 : i32
    %mul3A_648 = arith.muli %arg1, %mul3A_647 : i32
    %get3A_649 = arith.constant 0 : index
    %get3A_650 = arith.index_cast %mul3A_648 : i32 to index
    %get3A_651 = arith.constant 640 : index
    %get3A_652 = vector.load %arg3[%get3A_649, %get3A_650, %get3A_651] : memref<1x2048x1024xbf16, #tpu.memory_space<vmem>>, vector<1x512x64xbf16>
    %get3A_653 = vector.shape_cast %get3A_652 : vector<1x512x64xbf16> to vector<512x64xbf16>
    %dot_general3A_654 = arith.constant dense<0.000000e+00> : vector<512x512xf32>
    %dot_general3A_655 = tpu.matmul %get3A_633, %get3A_653, %dot_general3A_654 {dimension_numbers = #tpu.dot_dimension_numbers<[1], [1], [0], [0], [0, 0, 1, 0], [], []>, transpose_lhs_hint = false} : vector<512x64xbf16>, vector<512x64xbf16>, vector<512x512xf32> -> vector<512x512xf32>
    %jit3A_656 = arith.constant -1.000000e+30 : f32
    %broadcast_in_dim3A_657 = vector.broadcast %jit3A_656 : f32 to vector<512x512xf32>
    %select_n3A_658 = arith.select %le3A, %dot_general3A_655, %broadcast_in_dim3A_657 : vector<512x512xi1>, vector<512x512xf32>
    %mul3A_659 = arith.constant 512 : i32
    %mul3A_660 = arith.muli %arg1, %mul3A_659 : i32
    %swap3A_661 = arith.constant 0 : index
    %swap3A_662 = arith.index_cast %mul3A_660 : i32 to index
    %swap3A_663 = vector.load %arg6[%swap3A_661, %swap3A_662] : memref<512x2048xf32, #tpu.memory_space<vmem>>, vector<512x512xf32>
    tpu.vector_store %arg6[%swap3A_661, %swap3A_662], %select_n3A_658 {strides = array<i32>} : memref<512x2048xf32, #tpu.memory_space<vmem>>, vector<512x512xf32>,
    %reduce_max3A_664 = arith.constant dense<0xFF800000> : vector<512xf32>
    %reduce_max3A_665 = vector.multi_reduction <maximumf>, %select_n3A_658, %reduce_max3A_664 [1] : vector<512x512xf32> to vector<512xf32>
    %broadcast_in_dim3A_666 = vector.shape_cast %reduce_max3A_665 : vector<512xf32> to vector<512x1xf32>
    %max3A_667 = arith.maximumf %while3A_646, %broadcast_in_dim3A_666 : vector<512x1xf32>
    %add3A_668 = arith.constant 1 : i32
    %add3A_669 = arith.addi %arg1, %add3A_668 : i32
    %broadcast_in_dim3A_670 = arith.constant 0.000000e+00 : f32
    %broadcast_in_dim3A_671 = vector.broadcast %broadcast_in_dim3A_670 : f32 to vector<512x64xf32>
    %broadcast_in_dim3A_672 = arith.constant 0.000000e+00 : f32
    %broadcast_in_dim3A_673 = vector.broadcast %broadcast_in_dim3A_672 : f32 to vector<512x1xf32>
    %while3A_674 = arith.constant 0 : i32
    %while3A_675 = arith.subi %add3A_669, %while3A_674 : i32
    %while3A_676 = arith.addi %while3A_674, %while3A_675 : i32
    %while3A_677 = arith.constant 1 : i32
    %while3A_678 = arith.divsi %while3A_675, %while3A_677 : i32
    %while3A_679 = arith.muli %while3A_678, %while3A_677 : i32
    %while3A_680 = arith.addi %while3A_674, %while3A_679 : i32
    %while3A_681 = arith.constant 1 : i32
    %while3A_682:2 = scf.for %while3A_1013 = %while3A_674 to %while3A_680 step %while3A_681 iter_args(%while3A_1014 = %broadcast_in_dim3A_671, %while3A_1015 = %broadcast_in_dim3A_673) -> (vector<512x64xf32>, vector<512x1xf32>)  : i32 {
      %mul3A_1016 = arith.constant 512 : i32
      %mul3A_1017 = arith.muli %while3A_1013, %mul3A_1016 : i32
      %get3A_1018 = arith.constant 0 : index
      %get3A_1019 = arith.index_cast %mul3A_1017 : i32 to index
      %get3A_1020 = vector.load %arg6[%get3A_1018, %get3A_1019] : memref<512x2048xf32, #tpu.memory_space<vmem>>, vector<512x512xf32>
      %sub3A = vector.broadcast %max3A_667 : vector<512x1xf32> to vector<512x512xf32>
      %sub3A_1021 = arith.subf %get3A_1020, %sub3A : vector<512x512xf32>
      %exp3A = math.exp %sub3A_1021 : vector<512x512xf32>
      %reduce_sum3A = arith.constant dense<0.000000e+00> : vector<512xf32>
      %reduce_sum3A_1022 = vector.multi_reduction <add>, %exp3A, %reduce_sum3A [1] : vector<512x512xf32> to vector<512xf32>
      %broadcast_in_dim3A_1023 = vector.shape_cast %reduce_sum3A_1022 : vector<512xf32> to vector<512x1xf32>
      %add3A_1024 = arith.addf %while3A_1015, %broadcast_in_dim3A_1023 : vector<512x1xf32>
      %convert_element_type3A = arith.truncf %exp3A : vector<512x512xf32> to vector<512x512xbf16>
      %mul3A_1025 = arith.constant 512 : i32
      %mul3A_1026 = arith.muli %while3A_1013, %mul3A_1025 : i32
      %get3A_1027 = arith.constant 0 : index
      %get3A_1028 = arith.index_cast %mul3A_1026 : i32 to index
      %get3A_1029 = arith.constant 640 : index
      %get3A_1030 = vector.load %arg4[%get3A_1027, %get3A_1028, %get3A_1029] : memref<1x2048x1024xbf16, #tpu.memory_space<vmem>>, vector<1x512x64xbf16>
      %get3A_1031 = vector.shape_cast %get3A_1030 : vector<1x512x64xbf16> to vector<512x64xbf16>
      %dot_general3A_1032 = arith.constant dense<0.000000e+00> : vector<512x64xf32>
      %dot_general3A_1033 = tpu.matmul %convert_element_type3A, %get3A_1031, %dot_general3A_1032 {dimension_numbers = #tpu.dot_dimension_numbers<[1], [0], [0], [1], [0, 0, 1, 1], [], []>, transpose_lhs_hint = false} : vector<512x512xbf16>, vector<512x64xbf16>, vector<512x64xf32> -> vector<512x64xf32>
      %add3A_1034 = arith.addf %while3A_1014, %dot_general3A_1033 : vector<512x64xf32>
      scf.yield %add3A_1034, %add3A_1024 : vector<512x64xf32>, vector<512x1xf32>
    }
    %while3A_683 = arith.constant 1 : i32
    %while3A_684:2 = scf.for %while3A_1013 = %while3A_680 to %while3A_676 step %while3A_683 iter_args(%while3A_1014 = %while3A_682#0, %while3A_1015 = %while3A_682#1) -> (vector<512x64xf32>, vector<512x1xf32>)  : i32 {
      %mul3A_1016 = arith.constant 512 : i32
      %mul3A_1017 = arith.muli %while3A_1013, %mul3A_1016 : i32
      %get3A_1018 = arith.constant 0 : index
      %get3A_1019 = arith.index_cast %mul3A_1017 : i32 to index
      %get3A_1020 = vector.load %arg6[%get3A_1018, %get3A_1019] : memref<512x2048xf32, #tpu.memory_space<vmem>>, vector<512x512xf32>
      %sub3A = vector.broadcast %max3A_667 : vector<512x1xf32> to vector<512x512xf32>
      %sub3A_1021 = arith.subf %get3A_1020, %sub3A : vector<512x512xf32>
      %exp3A = math.exp %sub3A_1021 : vector<512x512xf32>
      %reduce_sum3A = arith.constant dense<0.000000e+00> : vector<512xf32>
      %reduce_sum3A_1022 = vector.multi_reduction <add>, %exp3A, %reduce_sum3A [1] : vector<512x512xf32> to vector<512xf32>
      %broadcast_in_dim3A_1023 = vector.shape_cast %reduce_sum3A_1022 : vector<512xf32> to vector<512x1xf32>
      %add3A_1024 = arith.addf %while3A_1015, %broadcast_in_dim3A_1023 : vector<512x1xf32>
      %convert_element_type3A = arith.truncf %exp3A : vector<512x512xf32> to vector<512x512xbf16>
      %mul3A_1025 = arith.constant 512 : i32
      %mul3A_1026 = arith.muli %while3A_1013, %mul3A_1025 : i32
      %get3A_1027 = arith.constant 0 : index
      %get3A_1028 = arith.index_cast %mul3A_1026 : i32 to index
      %get3A_1029 = arith.constant 640 : index
      %get3A_1030 = vector.load %arg4[%get3A_1027, %get3A_1028, %get3A_1029] : memref<1x2048x1024xbf16, #tpu.memory_space<vmem>>, vector<1x512x64xbf16>
      %get3A_1031 = vector.shape_cast %get3A_1030 : vector<1x512x64xbf16> to vector<512x64xbf16>
      %dot_general3A_1032 = arith.constant dense<0.000000e+00> : vector<512x64xf32>
      %dot_general3A_1033 = tpu.matmul %convert_element_type3A, %get3A_1031, %dot_general3A_1032 {dimension_numbers = #tpu.dot_dimension_numbers<[1], [0], [0], [1], [0, 0, 1, 1], [], []>, transpose_lhs_hint = false} : vector<512x512xbf16>, vector<512x64xbf16>, vector<512x64xf32> -> vector<512x64xf32>
      %add3A_1034 = arith.addf %while3A_1014, %dot_general3A_1033 : vector<512x64xf32>
      scf.yield %add3A_1034, %add3A_1024 : vector<512x64xf32>, vector<512x1xf32>
    }
    %div3A_685 = vector.broadcast %while3A_684#1 : vector<512x1xf32> to vector<512x64xf32>
    %div3A_686 = arith.divf %while3A_684#0, %div3A_685 : vector<512x64xf32>
    %swap3A_687 = arith.constant 0 : index
    %swap3A_688 = arith.constant 0 : index
    %swap3A_689 = arith.constant 640 : index
    %swap3A_690 = vector.load %arg5[%swap3A_687, %swap3A_688, %swap3A_689] : memref<1x512x1024xf32, #tpu.memory_space<vmem>>, vector<1x512x64xf32>
    %swap3A_691 = vector.shape_cast %swap3A_690 : vector<1x512x64xf32> to vector<512x64xf32>
    %swap3A_692 = vector.shape_cast %div3A_686 : vector<512x64xf32> to vector<1x512x64xf32>
    tpu.vector_store %arg5[%swap3A_687, %swap3A_688, %swap3A_689], %swap3A_692 {strides = array<i32>} : memref<1x512x1024xf32, #tpu.memory_space<vmem>>, vector<1x512x64xf32>,
    %get3A_693 = arith.constant 0 : index
    %get3A_694 = arith.constant 0 : index
    %get3A_695 = arith.constant 704 : index
    %get3A_696 = vector.load %arg2[%get3A_693, %get3A_694, %get3A_695] : memref<1x512x1024xbf16, #tpu.memory_space<vmem>>, vector<1x512x64xbf16>
    %get3A_697 = vector.shape_cast %get3A_696 : vector<1x512x64xbf16> to vector<512x64xbf16>
    %broadcast_in_dim3A_698 = arith.constant 0xFF800000 : f32
    %broadcast_in_dim3A_699 = vector.broadcast %broadcast_in_dim3A_698 : f32 to vector<512x1xf32>
    %while3A_700 = arith.constant 0 : i32
    %while3A_701 = arith.subi %arg1, %while3A_700 : i32
    %while3A_702 = arith.addi %while3A_700, %while3A_701 : i32
    %while3A_703 = arith.constant 1 : i32
    %while3A_704 = arith.divsi %while3A_701, %while3A_703 : i32
    %while3A_705 = arith.muli %while3A_704, %while3A_703 : i32
    %while3A_706 = arith.addi %while3A_700, %while3A_705 : i32
    %while3A_707 = arith.constant 1 : i32
    %while3A_708 = scf.for %while3A_1013 = %while3A_700 to %while3A_706 step %while3A_707 iter_args(%while3A_1014 = %broadcast_in_dim3A_699) -> (vector<512x1xf32>)  : i32 {
      %mul3A_1015 = arith.constant 512 : i32
      %mul3A_1016 = arith.muli %while3A_1013, %mul3A_1015 : i32
      %get3A_1017 = arith.constant 0 : index
      %get3A_1018 = arith.index_cast %mul3A_1016 : i32 to index
      %get3A_1019 = arith.constant 704 : index
      %get3A_1020 = vector.load %arg3[%get3A_1017, %get3A_1018, %get3A_1019] : memref<1x2048x1024xbf16, #tpu.memory_space<vmem>>, vector<1x512x64xbf16>
      %get3A_1021 = vector.shape_cast %get3A_1020 : vector<1x512x64xbf16> to vector<512x64xbf16>
      %dot_general3A_1022 = arith.constant dense<0.000000e+00> : vector<512x512xf32>
      %dot_general3A_1023 = tpu.matmul %get3A_697, %get3A_1021, %dot_general3A_1022 {dimension_numbers = #tpu.dot_dimension_numbers<[1], [1], [0], [0], [0, 0, 1, 0], [], []>, transpose_lhs_hint = false} : vector<512x64xbf16>, vector<512x64xbf16>, vector<512x512xf32> -> vector<512x512xf32>
      %mul3A_1024 = arith.constant 512 : i32
      %mul3A_1025 = arith.muli %while3A_1013, %mul3A_1024 : i32
      %swap3A_1026 = arith.constant 0 : index
      %swap3A_1027 = arith.index_cast %mul3A_1025 : i32 to index
      %swap3A_1028 = vector.load %arg6[%swap3A_1026, %swap3A_1027] : memref<512x2048xf32, #tpu.memory_space<vmem>>, vector<512x512xf32>
      tpu.vector_store %arg6[%swap3A_1026, %swap3A_1027], %dot_general3A_1023 {strides = array<i32>} : memref<512x2048xf32, #tpu.memory_space<vmem>>, vector<512x512xf32>,
      %reduce_max3A_1029 = arith.constant dense<0xFF800000> : vector<512xf32>
      %reduce_max3A_1030 = vector.multi_reduction <maximumf>, %dot_general3A_1023, %reduce_max3A_1029 [1] : vector<512x512xf32> to vector<512xf32>
      %broadcast_in_dim3A_1031 = vector.shape_cast %reduce_max3A_1030 : vector<512xf32> to vector<512x1xf32>
      %max3A_1032 = arith.maximumf %while3A_1014, %broadcast_in_dim3A_1031 : vector<512x1xf32>
      scf.yield %max3A_1032 : vector<512x1xf32>
    }
    %while3A_709 = arith.constant 1 : i32
    %while3A_710 = scf.for %while3A_1013 = %while3A_706 to %while3A_702 step %while3A_709 iter_args(%while3A_1014 = %while3A_708) -> (vector<512x1xf32>)  : i32 {
      %mul3A_1015 = arith.constant 512 : i32
      %mul3A_1016 = arith.muli %while3A_1013, %mul3A_1015 : i32
      %get3A_1017 = arith.constant 0 : index
      %get3A_1018 = arith.index_cast %mul3A_1016 : i32 to index
      %get3A_1019 = arith.constant 704 : index
      %get3A_1020 = vector.load %arg3[%get3A_1017, %get3A_1018, %get3A_1019] : memref<1x2048x1024xbf16, #tpu.memory_space<vmem>>, vector<1x512x64xbf16>
      %get3A_1021 = vector.shape_cast %get3A_1020 : vector<1x512x64xbf16> to vector<512x64xbf16>
      %dot_general3A_1022 = arith.constant dense<0.000000e+00> : vector<512x512xf32>
      %dot_general3A_1023 = tpu.matmul %get3A_697, %get3A_1021, %dot_general3A_1022 {dimension_numbers = #tpu.dot_dimension_numbers<[1], [1], [0], [0], [0, 0, 1, 0], [], []>, transpose_lhs_hint = false} : vector<512x64xbf16>, vector<512x64xbf16>, vector<512x512xf32> -> vector<512x512xf32>
      %mul3A_1024 = arith.constant 512 : i32
      %mul3A_1025 = arith.muli %while3A_1013, %mul3A_1024 : i32
      %swap3A_1026 = arith.constant 0 : index
      %swap3A_1027 = arith.index_cast %mul3A_1025 : i32 to index
      %swap3A_1028 = vector.load %arg6[%swap3A_1026, %swap3A_1027] : memref<512x2048xf32, #tpu.memory_space<vmem>>, vector<512x512xf32>
      tpu.vector_store %arg6[%swap3A_1026, %swap3A_1027], %dot_general3A_1023 {strides = array<i32>} : memref<512x2048xf32, #tpu.memory_space<vmem>>, vector<512x512xf32>,
      %reduce_max3A_1029 = arith.constant dense<0xFF800000> : vector<512xf32>
      %reduce_max3A_1030 = vector.multi_reduction <maximumf>, %dot_general3A_1023, %reduce_max3A_1029 [1] : vector<512x512xf32> to vector<512xf32>
      %broadcast_in_dim3A_1031 = vector.shape_cast %reduce_max3A_1030 : vector<512xf32> to vector<512x1xf32>
      %max3A_1032 = arith.maximumf %while3A_1014, %broadcast_in_dim3A_1031 : vector<512x1xf32>
      scf.yield %max3A_1032 : vector<512x1xf32>
    }
    %mul3A_711 = arith.constant 512 : i32
    %mul3A_712 = arith.muli %arg1, %mul3A_711 : i32
    %get3A_713 = arith.constant 0 : index
    %get3A_714 = arith.index_cast %mul3A_712 : i32 to index
    %get3A_715 = arith.constant 704 : index
    %get3A_716 = vector.load %arg3[%get3A_713, %get3A_714, %get3A_715] : memref<1x2048x1024xbf16, #tpu.memory_space<vmem>>, vector<1x512x64xbf16>
    %get3A_717 = vector.shape_cast %get3A_716 : vector<1x512x64xbf16> to vector<512x64xbf16>
    %dot_general3A_718 = arith.constant dense<0.000000e+00> : vector<512x512xf32>
    %dot_general3A_719 = tpu.matmul %get3A_697, %get3A_717, %dot_general3A_718 {dimension_numbers = #tpu.dot_dimension_numbers<[1], [1], [0], [0], [0, 0, 1, 0], [], []>, transpose_lhs_hint = false} : vector<512x64xbf16>, vector<512x64xbf16>, vector<512x512xf32> -> vector<512x512xf32>
    %jit3A_720 = arith.constant -1.000000e+30 : f32
    %broadcast_in_dim3A_721 = vector.broadcast %jit3A_720 : f32 to vector<512x512xf32>
    %select_n3A_722 = arith.select %le3A, %dot_general3A_719, %broadcast_in_dim3A_721 : vector<512x512xi1>, vector<512x512xf32>
    %mul3A_723 = arith.constant 512 : i32
    %mul3A_724 = arith.muli %arg1, %mul3A_723 : i32
    %swap3A_725 = arith.constant 0 : index
    %swap3A_726 = arith.index_cast %mul3A_724 : i32 to index
    %swap3A_727 = vector.load %arg6[%swap3A_725, %swap3A_726] : memref<512x2048xf32, #tpu.memory_space<vmem>>, vector<512x512xf32>
    tpu.vector_store %arg6[%swap3A_725, %swap3A_726], %select_n3A_722 {strides = array<i32>} : memref<512x2048xf32, #tpu.memory_space<vmem>>, vector<512x512xf32>,
    %reduce_max3A_728 = arith.constant dense<0xFF800000> : vector<512xf32>
    %reduce_max3A_729 = vector.multi_reduction <maximumf>, %select_n3A_722, %reduce_max3A_728 [1] : vector<512x512xf32> to vector<512xf32>
    %broadcast_in_dim3A_730 = vector.shape_cast %reduce_max3A_729 : vector<512xf32> to vector<512x1xf32>
    %max3A_731 = arith.maximumf %while3A_710, %broadcast_in_dim3A_730 : vector<512x1xf32>
    %add3A_732 = arith.constant 1 : i32
    %add3A_733 = arith.addi %arg1, %add3A_732 : i32
    %broadcast_in_dim3A_734 = arith.constant 0.000000e+00 : f32
    %broadcast_in_dim3A_735 = vector.broadcast %broadcast_in_dim3A_734 : f32 to vector<512x64xf32>
    %broadcast_in_dim3A_736 = arith.constant 0.000000e+00 : f32
    %broadcast_in_dim3A_737 = vector.broadcast %broadcast_in_dim3A_736 : f32 to vector<512x1xf32>
    %while3A_738 = arith.constant 0 : i32
    %while3A_739 = arith.subi %add3A_733, %while3A_738 : i32
    %while3A_740 = arith.addi %while3A_738, %while3A_739 : i32
    %while3A_741 = arith.constant 1 : i32
    %while3A_742 = arith.divsi %while3A_739, %while3A_741 : i32
    %while3A_743 = arith.muli %while3A_742, %while3A_741 : i32
    %while3A_744 = arith.addi %while3A_738, %while3A_743 : i32
    %while3A_745 = arith.constant 1 : i32
    %while3A_746:2 = scf.for %while3A_1013 = %while3A_738 to %while3A_744 step %while3A_745 iter_args(%while3A_1014 = %broadcast_in_dim3A_735, %while3A_1015 = %broadcast_in_dim3A_737) -> (vector<512x64xf32>, vector<512x1xf32>)  : i32 {
      %mul3A_1016 = arith.constant 512 : i32
      %mul3A_1017 = arith.muli %while3A_1013, %mul3A_1016 : i32
      %get3A_1018 = arith.constant 0 : index
      %get3A_1019 = arith.index_cast %mul3A_1017 : i32 to index
      %get3A_1020 = vector.load %arg6[%get3A_1018, %get3A_1019] : memref<512x2048xf32, #tpu.memory_space<vmem>>, vector<512x512xf32>
      %sub3A = vector.broadcast %max3A_731 : vector<512x1xf32> to vector<512x512xf32>
      %sub3A_1021 = arith.subf %get3A_1020, %sub3A : vector<512x512xf32>
      %exp3A = math.exp %sub3A_1021 : vector<512x512xf32>
      %reduce_sum3A = arith.constant dense<0.000000e+00> : vector<512xf32>
      %reduce_sum3A_1022 = vector.multi_reduction <add>, %exp3A, %reduce_sum3A [1] : vector<512x512xf32> to vector<512xf32>
      %broadcast_in_dim3A_1023 = vector.shape_cast %reduce_sum3A_1022 : vector<512xf32> to vector<512x1xf32>
      %add3A_1024 = arith.addf %while3A_1015, %broadcast_in_dim3A_1023 : vector<512x1xf32>
      %convert_element_type3A = arith.truncf %exp3A : vector<512x512xf32> to vector<512x512xbf16>
      %mul3A_1025 = arith.constant 512 : i32
      %mul3A_1026 = arith.muli %while3A_1013, %mul3A_1025 : i32
      %get3A_1027 = arith.constant 0 : index
      %get3A_1028 = arith.index_cast %mul3A_1026 : i32 to index
      %get3A_1029 = arith.constant 704 : index
      %get3A_1030 = vector.load %arg4[%get3A_1027, %get3A_1028, %get3A_1029] : memref<1x2048x1024xbf16, #tpu.memory_space<vmem>>, vector<1x512x64xbf16>
      %get3A_1031 = vector.shape_cast %get3A_1030 : vector<1x512x64xbf16> to vector<512x64xbf16>
      %dot_general3A_1032 = arith.constant dense<0.000000e+00> : vector<512x64xf32>
      %dot_general3A_1033 = tpu.matmul %convert_element_type3A, %get3A_1031, %dot_general3A_1032 {dimension_numbers = #tpu.dot_dimension_numbers<[1], [0], [0], [1], [0, 0, 1, 1], [], []>, transpose_lhs_hint = false} : vector<512x512xbf16>, vector<512x64xbf16>, vector<512x64xf32> -> vector<512x64xf32>
      %add3A_1034 = arith.addf %while3A_1014, %dot_general3A_1033 : vector<512x64xf32>
      scf.yield %add3A_1034, %add3A_1024 : vector<512x64xf32>, vector<512x1xf32>
    }
    %while3A_747 = arith.constant 1 : i32
    %while3A_748:2 = scf.for %while3A_1013 = %while3A_744 to %while3A_740 step %while3A_747 iter_args(%while3A_1014 = %while3A_746#0, %while3A_1015 = %while3A_746#1) -> (vector<512x64xf32>, vector<512x1xf32>)  : i32 {
      %mul3A_1016 = arith.constant 512 : i32
      %mul3A_1017 = arith.muli %while3A_1013, %mul3A_1016 : i32
      %get3A_1018 = arith.constant 0 : index
      %get3A_1019 = arith.index_cast %mul3A_1017 : i32 to index
      %get3A_1020 = vector.load %arg6[%get3A_1018, %get3A_1019] : memref<512x2048xf32, #tpu.memory_space<vmem>>, vector<512x512xf32>
      %sub3A = vector.broadcast %max3A_731 : vector<512x1xf32> to vector<512x512xf32>
      %sub3A_1021 = arith.subf %get3A_1020, %sub3A : vector<512x512xf32>
      %exp3A = math.exp %sub3A_1021 : vector<512x512xf32>
      %reduce_sum3A = arith.constant dense<0.000000e+00> : vector<512xf32>
      %reduce_sum3A_1022 = vector.multi_reduction <add>, %exp3A, %reduce_sum3A [1] : vector<512x512xf32> to vector<512xf32>
      %broadcast_in_dim3A_1023 = vector.shape_cast %reduce_sum3A_1022 : vector<512xf32> to vector<512x1xf32>
      %add3A_1024 = arith.addf %while3A_1015, %broadcast_in_dim3A_1023 : vector<512x1xf32>
      %convert_element_type3A = arith.truncf %exp3A : vector<512x512xf32> to vector<512x512xbf16>
      %mul3A_1025 = arith.constant 512 : i32
      %mul3A_1026 = arith.muli %while3A_1013, %mul3A_1025 : i32
      %get3A_1027 = arith.constant 0 : index
      %get3A_1028 = arith.index_cast %mul3A_1026 : i32 to index
      %get3A_1029 = arith.constant 704 : index
      %get3A_1030 = vector.load %arg4[%get3A_1027, %get3A_1028, %get3A_1029] : memref<1x2048x1024xbf16, #tpu.memory_space<vmem>>, vector<1x512x64xbf16>
      %get3A_1031 = vector.shape_cast %get3A_1030 : vector<1x512x64xbf16> to vector<512x64xbf16>
      %dot_general3A_1032 = arith.constant dense<0.000000e+00> : vector<512x64xf32>
      %dot_general3A_1033 = tpu.matmul %convert_element_type3A, %get3A_1031, %dot_general3A_1032 {dimension_numbers = #tpu.dot_dimension_numbers<[1], [0], [0], [1], [0, 0, 1, 1], [], []>, transpose_lhs_hint = false} : vector<512x512xbf16>, vector<512x64xbf16>, vector<512x64xf32> -> vector<512x64xf32>
      %add3A_1034 = arith.addf %while3A_1014, %dot_general3A_1033 : vector<512x64xf32>
      scf.yield %add3A_1034, %add3A_1024 : vector<512x64xf32>, vector<512x1xf32>
    }
    %div3A_749 = vector.broadcast %while3A_748#1 : vector<512x1xf32> to vector<512x64xf32>
    %div3A_750 = arith.divf %while3A_748#0, %div3A_749 : vector<512x64xf32>
    %swap3A_751 = arith.constant 0 : index
    %swap3A_752 = arith.constant 0 : index
    %swap3A_753 = arith.constant 704 : index
    %swap3A_754 = vector.load %arg5[%swap3A_751, %swap3A_752, %swap3A_753] : memref<1x512x1024xf32, #tpu.memory_space<vmem>>, vector<1x512x64xf32>
    %swap3A_755 = vector.shape_cast %swap3A_754 : vector<1x512x64xf32> to vector<512x64xf32>
    %swap3A_756 = vector.shape_cast %div3A_750 : vector<512x64xf32> to vector<1x512x64xf32>
    tpu.vector_store %arg5[%swap3A_751, %swap3A_752, %swap3A_753], %swap3A_756 {strides = array<i32>} : memref<1x512x1024xf32, #tpu.memory_space<vmem>>, vector<1x512x64xf32>,
    %get3A_757 = arith.constant 0 : index
    %get3A_758 = arith.constant 0 : index
    %get3A_759 = arith.constant 768 : index
    %get3A_760 = vector.load %arg2[%get3A_757, %get3A_758, %get3A_759] : memref<1x512x1024xbf16, #tpu.memory_space<vmem>>, vector<1x512x64xbf16>
    %get3A_761 = vector.shape_cast %get3A_760 : vector<1x512x64xbf16> to vector<512x64xbf16>
    %broadcast_in_dim3A_762 = arith.constant 0xFF800000 : f32
    %broadcast_in_dim3A_763 = vector.broadcast %broadcast_in_dim3A_762 : f32 to vector<512x1xf32>
    %while3A_764 = arith.constant 0 : i32
    %while3A_765 = arith.subi %arg1, %while3A_764 : i32
    %while3A_766 = arith.addi %while3A_764, %while3A_765 : i32
    %while3A_767 = arith.constant 1 : i32
    %while3A_768 = arith.divsi %while3A_765, %while3A_767 : i32
    %while3A_769 = arith.muli %while3A_768, %while3A_767 : i32
    %while3A_770 = arith.addi %while3A_764, %while3A_769 : i32
    %while3A_771 = arith.constant 1 : i32
    %while3A_772 = scf.for %while3A_1013 = %while3A_764 to %while3A_770 step %while3A_771 iter_args(%while3A_1014 = %broadcast_in_dim3A_763) -> (vector<512x1xf32>)  : i32 {
      %mul3A_1015 = arith.constant 512 : i32
      %mul3A_1016 = arith.muli %while3A_1013, %mul3A_1015 : i32
      %get3A_1017 = arith.constant 0 : index
      %get3A_1018 = arith.index_cast %mul3A_1016 : i32 to index
      %get3A_1019 = arith.constant 768 : index
      %get3A_1020 = vector.load %arg3[%get3A_1017, %get3A_1018, %get3A_1019] : memref<1x2048x1024xbf16, #tpu.memory_space<vmem>>, vector<1x512x64xbf16>
      %get3A_1021 = vector.shape_cast %get3A_1020 : vector<1x512x64xbf16> to vector<512x64xbf16>
      %dot_general3A_1022 = arith.constant dense<0.000000e+00> : vector<512x512xf32>
      %dot_general3A_1023 = tpu.matmul %get3A_761, %get3A_1021, %dot_general3A_1022 {dimension_numbers = #tpu.dot_dimension_numbers<[1], [1], [0], [0], [0, 0, 1, 0], [], []>, transpose_lhs_hint = false} : vector<512x64xbf16>, vector<512x64xbf16>, vector<512x512xf32> -> vector<512x512xf32>
      %mul3A_1024 = arith.constant 512 : i32
      %mul3A_1025 = arith.muli %while3A_1013, %mul3A_1024 : i32
      %swap3A_1026 = arith.constant 0 : index
      %swap3A_1027 = arith.index_cast %mul3A_1025 : i32 to index
      %swap3A_1028 = vector.load %arg6[%swap3A_1026, %swap3A_1027] : memref<512x2048xf32, #tpu.memory_space<vmem>>, vector<512x512xf32>
      tpu.vector_store %arg6[%swap3A_1026, %swap3A_1027], %dot_general3A_1023 {strides = array<i32>} : memref<512x2048xf32, #tpu.memory_space<vmem>>, vector<512x512xf32>,
      %reduce_max3A_1029 = arith.constant dense<0xFF800000> : vector<512xf32>
      %reduce_max3A_1030 = vector.multi_reduction <maximumf>, %dot_general3A_1023, %reduce_max3A_1029 [1] : vector<512x512xf32> to vector<512xf32>
      %broadcast_in_dim3A_1031 = vector.shape_cast %reduce_max3A_1030 : vector<512xf32> to vector<512x1xf32>
      %max3A_1032 = arith.maximumf %while3A_1014, %broadcast_in_dim3A_1031 : vector<512x1xf32>
      scf.yield %max3A_1032 : vector<512x1xf32>
    }
    %while3A_773 = arith.constant 1 : i32
    %while3A_774 = scf.for %while3A_1013 = %while3A_770 to %while3A_766 step %while3A_773 iter_args(%while3A_1014 = %while3A_772) -> (vector<512x1xf32>)  : i32 {
      %mul3A_1015 = arith.constant 512 : i32
      %mul3A_1016 = arith.muli %while3A_1013, %mul3A_1015 : i32
      %get3A_1017 = arith.constant 0 : index
      %get3A_1018 = arith.index_cast %mul3A_1016 : i32 to index
      %get3A_1019 = arith.constant 768 : index
      %get3A_1020 = vector.load %arg3[%get3A_1017, %get3A_1018, %get3A_1019] : memref<1x2048x1024xbf16, #tpu.memory_space<vmem>>, vector<1x512x64xbf16>
      %get3A_1021 = vector.shape_cast %get3A_1020 : vector<1x512x64xbf16> to vector<512x64xbf16>
      %dot_general3A_1022 = arith.constant dense<0.000000e+00> : vector<512x512xf32>
      %dot_general3A_1023 = tpu.matmul %get3A_761, %get3A_1021, %dot_general3A_1022 {dimension_numbers = #tpu.dot_dimension_numbers<[1], [1], [0], [0], [0, 0, 1, 0], [], []>, transpose_lhs_hint = false} : vector<512x64xbf16>, vector<512x64xbf16>, vector<512x512xf32> -> vector<512x512xf32>
      %mul3A_1024 = arith.constant 512 : i32
      %mul3A_1025 = arith.muli %while3A_1013, %mul3A_1024 : i32
      %swap3A_1026 = arith.constant 0 : index
      %swap3A_1027 = arith.index_cast %mul3A_1025 : i32 to index
      %swap3A_1028 = vector.load %arg6[%swap3A_1026, %swap3A_1027] : memref<512x2048xf32, #tpu.memory_space<vmem>>, vector<512x512xf32>
      tpu.vector_store %arg6[%swap3A_1026, %swap3A_1027], %dot_general3A_1023 {strides = array<i32>} : memref<512x2048xf32, #tpu.memory_space<vmem>>, vector<512x512xf32>,
      %reduce_max3A_1029 = arith.constant dense<0xFF800000> : vector<512xf32>
      %reduce_max3A_1030 = vector.multi_reduction <maximumf>, %dot_general3A_1023, %reduce_max3A_1029 [1] : vector<512x512xf32> to vector<512xf32>
      %broadcast_in_dim3A_1031 = vector.shape_cast %reduce_max3A_1030 : vector<512xf32> to vector<512x1xf32>
      %max3A_1032 = arith.maximumf %while3A_1014, %broadcast_in_dim3A_1031 : vector<512x1xf32>
      scf.yield %max3A_1032 : vector<512x1xf32>
    }
    %mul3A_775 = arith.constant 512 : i32
    %mul3A_776 = arith.muli %arg1, %mul3A_775 : i32
    %get3A_777 = arith.constant 0 : index
    %get3A_778 = arith.index_cast %mul3A_776 : i32 to index
    %get3A_779 = arith.constant 768 : index
    %get3A_780 = vector.load %arg3[%get3A_777, %get3A_778, %get3A_779] : memref<1x2048x1024xbf16, #tpu.memory_space<vmem>>, vector<1x512x64xbf16>
    %get3A_781 = vector.shape_cast %get3A_780 : vector<1x512x64xbf16> to vector<512x64xbf16>
    %dot_general3A_782 = arith.constant dense<0.000000e+00> : vector<512x512xf32>
    %dot_general3A_783 = tpu.matmul %get3A_761, %get3A_781, %dot_general3A_782 {dimension_numbers = #tpu.dot_dimension_numbers<[1], [1], [0], [0], [0, 0, 1, 0], [], []>, transpose_lhs_hint = false} : vector<512x64xbf16>, vector<512x64xbf16>, vector<512x512xf32> -> vector<512x512xf32>
    %jit3A_784 = arith.constant -1.000000e+30 : f32
    %broadcast_in_dim3A_785 = vector.broadcast %jit3A_784 : f32 to vector<512x512xf32>
    %select_n3A_786 = arith.select %le3A, %dot_general3A_783, %broadcast_in_dim3A_785 : vector<512x512xi1>, vector<512x512xf32>
    %mul3A_787 = arith.constant 512 : i32
    %mul3A_788 = arith.muli %arg1, %mul3A_787 : i32
    %swap3A_789 = arith.constant 0 : index
    %swap3A_790 = arith.index_cast %mul3A_788 : i32 to index
    %swap3A_791 = vector.load %arg6[%swap3A_789, %swap3A_790] : memref<512x2048xf32, #tpu.memory_space<vmem>>, vector<512x512xf32>
    tpu.vector_store %arg6[%swap3A_789, %swap3A_790], %select_n3A_786 {strides = array<i32>} : memref<512x2048xf32, #tpu.memory_space<vmem>>, vector<512x512xf32>,
    %reduce_max3A_792 = arith.constant dense<0xFF800000> : vector<512xf32>
    %reduce_max3A_793 = vector.multi_reduction <maximumf>, %select_n3A_786, %reduce_max3A_792 [1] : vector<512x512xf32> to vector<512xf32>
    %broadcast_in_dim3A_794 = vector.shape_cast %reduce_max3A_793 : vector<512xf32> to vector<512x1xf32>
    %max3A_795 = arith.maximumf %while3A_774, %broadcast_in_dim3A_794 : vector<512x1xf32>
    %add3A_796 = arith.constant 1 : i32
    %add3A_797 = arith.addi %arg1, %add3A_796 : i32
    %broadcast_in_dim3A_798 = arith.constant 0.000000e+00 : f32
    %broadcast_in_dim3A_799 = vector.broadcast %broadcast_in_dim3A_798 : f32 to vector<512x64xf32>
    %broadcast_in_dim3A_800 = arith.constant 0.000000e+00 : f32
    %broadcast_in_dim3A_801 = vector.broadcast %broadcast_in_dim3A_800 : f32 to vector<512x1xf32>
    %while3A_802 = arith.constant 0 : i32
    %while3A_803 = arith.subi %add3A_797, %while3A_802 : i32
    %while3A_804 = arith.addi %while3A_802, %while3A_803 : i32
    %while3A_805 = arith.constant 1 : i32
    %while3A_806 = arith.divsi %while3A_803, %while3A_805 : i32
    %while3A_807 = arith.muli %while3A_806, %while3A_805 : i32
    %while3A_808 = arith.addi %while3A_802, %while3A_807 : i32
    %while3A_809 = arith.constant 1 : i32
    %while3A_810:2 = scf.for %while3A_1013 = %while3A_802 to %while3A_808 step %while3A_809 iter_args(%while3A_1014 = %broadcast_in_dim3A_799, %while3A_1015 = %broadcast_in_dim3A_801) -> (vector<512x64xf32>, vector<512x1xf32>)  : i32 {
      %mul3A_1016 = arith.constant 512 : i32
      %mul3A_1017 = arith.muli %while3A_1013, %mul3A_1016 : i32
      %get3A_1018 = arith.constant 0 : index
      %get3A_1019 = arith.index_cast %mul3A_1017 : i32 to index
      %get3A_1020 = vector.load %arg6[%get3A_1018, %get3A_1019] : memref<512x2048xf32, #tpu.memory_space<vmem>>, vector<512x512xf32>
      %sub3A = vector.broadcast %max3A_795 : vector<512x1xf32> to vector<512x512xf32>
      %sub3A_1021 = arith.subf %get3A_1020, %sub3A : vector<512x512xf32>
      %exp3A = math.exp %sub3A_1021 : vector<512x512xf32>
      %reduce_sum3A = arith.constant dense<0.000000e+00> : vector<512xf32>
      %reduce_sum3A_1022 = vector.multi_reduction <add>, %exp3A, %reduce_sum3A [1] : vector<512x512xf32> to vector<512xf32>
      %broadcast_in_dim3A_1023 = vector.shape_cast %reduce_sum3A_1022 : vector<512xf32> to vector<512x1xf32>
      %add3A_1024 = arith.addf %while3A_1015, %broadcast_in_dim3A_1023 : vector<512x1xf32>
      %convert_element_type3A = arith.truncf %exp3A : vector<512x512xf32> to vector<512x512xbf16>
      %mul3A_1025 = arith.constant 512 : i32
      %mul3A_1026 = arith.muli %while3A_1013, %mul3A_1025 : i32
      %get3A_1027 = arith.constant 0 : index
      %get3A_1028 = arith.index_cast %mul3A_1026 : i32 to index
      %get3A_1029 = arith.constant 768 : index
      %get3A_1030 = vector.load %arg4[%get3A_1027, %get3A_1028, %get3A_1029] : memref<1x2048x1024xbf16, #tpu.memory_space<vmem>>, vector<1x512x64xbf16>
      %get3A_1031 = vector.shape_cast %get3A_1030 : vector<1x512x64xbf16> to vector<512x64xbf16>
      %dot_general3A_1032 = arith.constant dense<0.000000e+00> : vector<512x64xf32>
      %dot_general3A_1033 = tpu.matmul %convert_element_type3A, %get3A_1031, %dot_general3A_1032 {dimension_numbers = #tpu.dot_dimension_numbers<[1], [0], [0], [1], [0, 0, 1, 1], [], []>, transpose_lhs_hint = false} : vector<512x512xbf16>, vector<512x64xbf16>, vector<512x64xf32> -> vector<512x64xf32>
      %add3A_1034 = arith.addf %while3A_1014, %dot_general3A_1033 : vector<512x64xf32>
      scf.yield %add3A_1034, %add3A_1024 : vector<512x64xf32>, vector<512x1xf32>
    }
    %while3A_811 = arith.constant 1 : i32
    %while3A_812:2 = scf.for %while3A_1013 = %while3A_808 to %while3A_804 step %while3A_811 iter_args(%while3A_1014 = %while3A_810#0, %while3A_1015 = %while3A_810#1) -> (vector<512x64xf32>, vector<512x1xf32>)  : i32 {
      %mul3A_1016 = arith.constant 512 : i32
      %mul3A_1017 = arith.muli %while3A_1013, %mul3A_1016 : i32
      %get3A_1018 = arith.constant 0 : index
      %get3A_1019 = arith.index_cast %mul3A_1017 : i32 to index
      %get3A_1020 = vector.load %arg6[%get3A_1018, %get3A_1019] : memref<512x2048xf32, #tpu.memory_space<vmem>>, vector<512x512xf32>
      %sub3A = vector.broadcast %max3A_795 : vector<512x1xf32> to vector<512x512xf32>
      %sub3A_1021 = arith.subf %get3A_1020, %sub3A : vector<512x512xf32>
      %exp3A = math.exp %sub3A_1021 : vector<512x512xf32>
      %reduce_sum3A = arith.constant dense<0.000000e+00> : vector<512xf32>
      %reduce_sum3A_1022 = vector.multi_reduction <add>, %exp3A, %reduce_sum3A [1] : vector<512x512xf32> to vector<512xf32>
      %broadcast_in_dim3A_1023 = vector.shape_cast %reduce_sum3A_1022 : vector<512xf32> to vector<512x1xf32>
      %add3A_1024 = arith.addf %while3A_1015, %broadcast_in_dim3A_1023 : vector<512x1xf32>
      %convert_element_type3A = arith.truncf %exp3A : vector<512x512xf32> to vector<512x512xbf16>
      %mul3A_1025 = arith.constant 512 : i32
      %mul3A_1026 = arith.muli %while3A_1013, %mul3A_1025 : i32
      %get3A_1027 = arith.constant 0 : index
      %get3A_1028 = arith.index_cast %mul3A_1026 : i32 to index
      %get3A_1029 = arith.constant 768 : index
      %get3A_1030 = vector.load %arg4[%get3A_1027, %get3A_1028, %get3A_1029] : memref<1x2048x1024xbf16, #tpu.memory_space<vmem>>, vector<1x512x64xbf16>
      %get3A_1031 = vector.shape_cast %get3A_1030 : vector<1x512x64xbf16> to vector<512x64xbf16>
      %dot_general3A_1032 = arith.constant dense<0.000000e+00> : vector<512x64xf32>
      %dot_general3A_1033 = tpu.matmul %convert_element_type3A, %get3A_1031, %dot_general3A_1032 {dimension_numbers = #tpu.dot_dimension_numbers<[1], [0], [0], [1], [0, 0, 1, 1], [], []>, transpose_lhs_hint = false} : vector<512x512xbf16>, vector<512x64xbf16>, vector<512x64xf32> -> vector<512x64xf32>
      %add3A_1034 = arith.addf %while3A_1014, %dot_general3A_1033 : vector<512x64xf32>
      scf.yield %add3A_1034, %add3A_1024 : vector<512x64xf32>, vector<512x1xf32>
    }
    %div3A_813 = vector.broadcast %while3A_812#1 : vector<512x1xf32> to vector<512x64xf32>
    %div3A_814 = arith.divf %while3A_812#0, %div3A_813 : vector<512x64xf32>
    %swap3A_815 = arith.constant 0 : index
    %swap3A_816 = arith.constant 0 : index
    %swap3A_817 = arith.constant 768 : index
    %swap3A_818 = vector.load %arg5[%swap3A_815, %swap3A_816, %swap3A_817] : memref<1x512x1024xf32, #tpu.memory_space<vmem>>, vector<1x512x64xf32>
    %swap3A_819 = vector.shape_cast %swap3A_818 : vector<1x512x64xf32> to vector<512x64xf32>
    %swap3A_820 = vector.shape_cast %div3A_814 : vector<512x64xf32> to vector<1x512x64xf32>
    tpu.vector_store %arg5[%swap3A_815, %swap3A_816, %swap3A_817], %swap3A_820 {strides = array<i32>} : memref<1x512x1024xf32, #tpu.memory_space<vmem>>, vector<1x512x64xf32>,
    %get3A_821 = arith.constant 0 : index
    %get3A_822 = arith.constant 0 : index
    %get3A_823 = arith.constant 832 : index
    %get3A_824 = vector.load %arg2[%get3A_821, %get3A_822, %get3A_823] : memref<1x512x1024xbf16, #tpu.memory_space<vmem>>, vector<1x512x64xbf16>
    %get3A_825 = vector.shape_cast %get3A_824 : vector<1x512x64xbf16> to vector<512x64xbf16>
    %broadcast_in_dim3A_826 = arith.constant 0xFF800000 : f32
    %broadcast_in_dim3A_827 = vector.broadcast %broadcast_in_dim3A_826 : f32 to vector<512x1xf32>
    %while3A_828 = arith.constant 0 : i32
    %while3A_829 = arith.subi %arg1, %while3A_828 : i32
    %while3A_830 = arith.addi %while3A_828, %while3A_829 : i32
    %while3A_831 = arith.constant 1 : i32
    %while3A_832 = arith.divsi %while3A_829, %while3A_831 : i32
    %while3A_833 = arith.muli %while3A_832, %while3A_831 : i32
    %while3A_834 = arith.addi %while3A_828, %while3A_833 : i32
    %while3A_835 = arith.constant 1 : i32
    %while3A_836 = scf.for %while3A_1013 = %while3A_828 to %while3A_834 step %while3A_835 iter_args(%while3A_1014 = %broadcast_in_dim3A_827) -> (vector<512x1xf32>)  : i32 {
      %mul3A_1015 = arith.constant 512 : i32
      %mul3A_1016 = arith.muli %while3A_1013, %mul3A_1015 : i32
      %get3A_1017 = arith.constant 0 : index
      %get3A_1018 = arith.index_cast %mul3A_1016 : i32 to index
      %get3A_1019 = arith.constant 832 : index
      %get3A_1020 = vector.load %arg3[%get3A_1017, %get3A_1018, %get3A_1019] : memref<1x2048x1024xbf16, #tpu.memory_space<vmem>>, vector<1x512x64xbf16>
      %get3A_1021 = vector.shape_cast %get3A_1020 : vector<1x512x64xbf16> to vector<512x64xbf16>
      %dot_general3A_1022 = arith.constant dense<0.000000e+00> : vector<512x512xf32>
      %dot_general3A_1023 = tpu.matmul %get3A_825, %get3A_1021, %dot_general3A_1022 {dimension_numbers = #tpu.dot_dimension_numbers<[1], [1], [0], [0], [0, 0, 1, 0], [], []>, transpose_lhs_hint = false} : vector<512x64xbf16>, vector<512x64xbf16>, vector<512x512xf32> -> vector<512x512xf32>
      %mul3A_1024 = arith.constant 512 : i32
      %mul3A_1025 = arith.muli %while3A_1013, %mul3A_1024 : i32
      %swap3A_1026 = arith.constant 0 : index
      %swap3A_1027 = arith.index_cast %mul3A_1025 : i32 to index
      %swap3A_1028 = vector.load %arg6[%swap3A_1026, %swap3A_1027] : memref<512x2048xf32, #tpu.memory_space<vmem>>, vector<512x512xf32>
      tpu.vector_store %arg6[%swap3A_1026, %swap3A_1027], %dot_general3A_1023 {strides = array<i32>} : memref<512x2048xf32, #tpu.memory_space<vmem>>, vector<512x512xf32>,
      %reduce_max3A_1029 = arith.constant dense<0xFF800000> : vector<512xf32>
      %reduce_max3A_1030 = vector.multi_reduction <maximumf>, %dot_general3A_1023, %reduce_max3A_1029 [1] : vector<512x512xf32> to vector<512xf32>
      %broadcast_in_dim3A_1031 = vector.shape_cast %reduce_max3A_1030 : vector<512xf32> to vector<512x1xf32>
      %max3A_1032 = arith.maximumf %while3A_1014, %broadcast_in_dim3A_1031 : vector<512x1xf32>
      scf.yield %max3A_1032 : vector<512x1xf32>
    }
    %while3A_837 = arith.constant 1 : i32
    %while3A_838 = scf.for %while3A_1013 = %while3A_834 to %while3A_830 step %while3A_837 iter_args(%while3A_1014 = %while3A_836) -> (vector<512x1xf32>)  : i32 {
      %mul3A_1015 = arith.constant 512 : i32
      %mul3A_1016 = arith.muli %while3A_1013, %mul3A_1015 : i32
      %get3A_1017 = arith.constant 0 : index
      %get3A_1018 = arith.index_cast %mul3A_1016 : i32 to index
      %get3A_1019 = arith.constant 832 : index
      %get3A_1020 = vector.load %arg3[%get3A_1017, %get3A_1018, %get3A_1019] : memref<1x2048x1024xbf16, #tpu.memory_space<vmem>>, vector<1x512x64xbf16>
      %get3A_1021 = vector.shape_cast %get3A_1020 : vector<1x512x64xbf16> to vector<512x64xbf16>
      %dot_general3A_1022 = arith.constant dense<0.000000e+00> : vector<512x512xf32>
      %dot_general3A_1023 = tpu.matmul %get3A_825, %get3A_1021, %dot_general3A_1022 {dimension_numbers = #tpu.dot_dimension_numbers<[1], [1], [0], [0], [0, 0, 1, 0], [], []>, transpose_lhs_hint = false} : vector<512x64xbf16>, vector<512x64xbf16>, vector<512x512xf32> -> vector<512x512xf32>
      %mul3A_1024 = arith.constant 512 : i32
      %mul3A_1025 = arith.muli %while3A_1013, %mul3A_1024 : i32
      %swap3A_1026 = arith.constant 0 : index
      %swap3A_1027 = arith.index_cast %mul3A_1025 : i32 to index
      %swap3A_1028 = vector.load %arg6[%swap3A_1026, %swap3A_1027] : memref<512x2048xf32, #tpu.memory_space<vmem>>, vector<512x512xf32>
      tpu.vector_store %arg6[%swap3A_1026, %swap3A_1027], %dot_general3A_1023 {strides = array<i32>} : memref<512x2048xf32, #tpu.memory_space<vmem>>, vector<512x512xf32>,
      %reduce_max3A_1029 = arith.constant dense<0xFF800000> : vector<512xf32>
      %reduce_max3A_1030 = vector.multi_reduction <maximumf>, %dot_general3A_1023, %reduce_max3A_1029 [1] : vector<512x512xf32> to vector<512xf32>
      %broadcast_in_dim3A_1031 = vector.shape_cast %reduce_max3A_1030 : vector<512xf32> to vector<512x1xf32>
      %max3A_1032 = arith.maximumf %while3A_1014, %broadcast_in_dim3A_1031 : vector<512x1xf32>
      scf.yield %max3A_1032 : vector<512x1xf32>
    }
    %mul3A_839 = arith.constant 512 : i32
    %mul3A_840 = arith.muli %arg1, %mul3A_839 : i32
    %get3A_841 = arith.constant 0 : index
    %get3A_842 = arith.index_cast %mul3A_840 : i32 to index
    %get3A_843 = arith.constant 832 : index
    %get3A_844 = vector.load %arg3[%get3A_841, %get3A_842, %get3A_843] : memref<1x2048x1024xbf16, #tpu.memory_space<vmem>>, vector<1x512x64xbf16>
    %get3A_845 = vector.shape_cast %get3A_844 : vector<1x512x64xbf16> to vector<512x64xbf16>
    %dot_general3A_846 = arith.constant dense<0.000000e+00> : vector<512x512xf32>
    %dot_general3A_847 = tpu.matmul %get3A_825, %get3A_845, %dot_general3A_846 {dimension_numbers = #tpu.dot_dimension_numbers<[1], [1], [0], [0], [0, 0, 1, 0], [], []>, transpose_lhs_hint = false} : vector<512x64xbf16>, vector<512x64xbf16>, vector<512x512xf32> -> vector<512x512xf32>
    %jit3A_848 = arith.constant -1.000000e+30 : f32
    %broadcast_in_dim3A_849 = vector.broadcast %jit3A_848 : f32 to vector<512x512xf32>
    %select_n3A_850 = arith.select %le3A, %dot_general3A_847, %broadcast_in_dim3A_849 : vector<512x512xi1>, vector<512x512xf32>
    %mul3A_851 = arith.constant 512 : i32
    %mul3A_852 = arith.muli %arg1, %mul3A_851 : i32
    %swap3A_853 = arith.constant 0 : index
    %swap3A_854 = arith.index_cast %mul3A_852 : i32 to index
    %swap3A_855 = vector.load %arg6[%swap3A_853, %swap3A_854] : memref<512x2048xf32, #tpu.memory_space<vmem>>, vector<512x512xf32>
    tpu.vector_store %arg6[%swap3A_853, %swap3A_854], %select_n3A_850 {strides = array<i32>} : memref<512x2048xf32, #tpu.memory_space<vmem>>, vector<512x512xf32>,
    %reduce_max3A_856 = arith.constant dense<0xFF800000> : vector<512xf32>
    %reduce_max3A_857 = vector.multi_reduction <maximumf>, %select_n3A_850, %reduce_max3A_856 [1] : vector<512x512xf32> to vector<512xf32>
    %broadcast_in_dim3A_858 = vector.shape_cast %reduce_max3A_857 : vector<512xf32> to vector<512x1xf32>
    %max3A_859 = arith.maximumf %while3A_838, %broadcast_in_dim3A_858 : vector<512x1xf32>
    %add3A_860 = arith.constant 1 : i32
    %add3A_861 = arith.addi %arg1, %add3A_860 : i32
    %broadcast_in_dim3A_862 = arith.constant 0.000000e+00 : f32
    %broadcast_in_dim3A_863 = vector.broadcast %broadcast_in_dim3A_862 : f32 to vector<512x64xf32>
    %broadcast_in_dim3A_864 = arith.constant 0.000000e+00 : f32
    %broadcast_in_dim3A_865 = vector.broadcast %broadcast_in_dim3A_864 : f32 to vector<512x1xf32>
    %while3A_866 = arith.constant 0 : i32
    %while3A_867 = arith.subi %add3A_861, %while3A_866 : i32
    %while3A_868 = arith.addi %while3A_866, %while3A_867 : i32
    %while3A_869 = arith.constant 1 : i32
    %while3A_870 = arith.divsi %while3A_867, %while3A_869 : i32
    %while3A_871 = arith.muli %while3A_870, %while3A_869 : i32
    %while3A_872 = arith.addi %while3A_866, %while3A_871 : i32
    %while3A_873 = arith.constant 1 : i32
    %while3A_874:2 = scf.for %while3A_1013 = %while3A_866 to %while3A_872 step %while3A_873 iter_args(%while3A_1014 = %broadcast_in_dim3A_863, %while3A_1015 = %broadcast_in_dim3A_865) -> (vector<512x64xf32>, vector<512x1xf32>)  : i32 {
      %mul3A_1016 = arith.constant 512 : i32
      %mul3A_1017 = arith.muli %while3A_1013, %mul3A_1016 : i32
      %get3A_1018 = arith.constant 0 : index
      %get3A_1019 = arith.index_cast %mul3A_1017 : i32 to index
      %get3A_1020 = vector.load %arg6[%get3A_1018, %get3A_1019] : memref<512x2048xf32, #tpu.memory_space<vmem>>, vector<512x512xf32>
      %sub3A = vector.broadcast %max3A_859 : vector<512x1xf32> to vector<512x512xf32>
      %sub3A_1021 = arith.subf %get3A_1020, %sub3A : vector<512x512xf32>
      %exp3A = math.exp %sub3A_1021 : vector<512x512xf32>
      %reduce_sum3A = arith.constant dense<0.000000e+00> : vector<512xf32>
      %reduce_sum3A_1022 = vector.multi_reduction <add>, %exp3A, %reduce_sum3A [1] : vector<512x512xf32> to vector<512xf32>
      %broadcast_in_dim3A_1023 = vector.shape_cast %reduce_sum3A_1022 : vector<512xf32> to vector<512x1xf32>
      %add3A_1024 = arith.addf %while3A_1015, %broadcast_in_dim3A_1023 : vector<512x1xf32>
      %convert_element_type3A = arith.truncf %exp3A : vector<512x512xf32> to vector<512x512xbf16>
      %mul3A_1025 = arith.constant 512 : i32
      %mul3A_1026 = arith.muli %while3A_1013, %mul3A_1025 : i32
      %get3A_1027 = arith.constant 0 : index
      %get3A_1028 = arith.index_cast %mul3A_1026 : i32 to index
      %get3A_1029 = arith.constant 832 : index
      %get3A_1030 = vector.load %arg4[%get3A_1027, %get3A_1028, %get3A_1029] : memref<1x2048x1024xbf16, #tpu.memory_space<vmem>>, vector<1x512x64xbf16>
      %get3A_1031 = vector.shape_cast %get3A_1030 : vector<1x512x64xbf16> to vector<512x64xbf16>
      %dot_general3A_1032 = arith.constant dense<0.000000e+00> : vector<512x64xf32>
      %dot_general3A_1033 = tpu.matmul %convert_element_type3A, %get3A_1031, %dot_general3A_1032 {dimension_numbers = #tpu.dot_dimension_numbers<[1], [0], [0], [1], [0, 0, 1, 1], [], []>, transpose_lhs_hint = false} : vector<512x512xbf16>, vector<512x64xbf16>, vector<512x64xf32> -> vector<512x64xf32>
      %add3A_1034 = arith.addf %while3A_1014, %dot_general3A_1033 : vector<512x64xf32>
      scf.yield %add3A_1034, %add3A_1024 : vector<512x64xf32>, vector<512x1xf32>
    }
    %while3A_875 = arith.constant 1 : i32
    %while3A_876:2 = scf.for %while3A_1013 = %while3A_872 to %while3A_868 step %while3A_875 iter_args(%while3A_1014 = %while3A_874#0, %while3A_1015 = %while3A_874#1) -> (vector<512x64xf32>, vector<512x1xf32>)  : i32 {
      %mul3A_1016 = arith.constant 512 : i32
      %mul3A_1017 = arith.muli %while3A_1013, %mul3A_1016 : i32
      %get3A_1018 = arith.constant 0 : index
      %get3A_1019 = arith.index_cast %mul3A_1017 : i32 to index
      %get3A_1020 = vector.load %arg6[%get3A_1018, %get3A_1019] : memref<512x2048xf32, #tpu.memory_space<vmem>>, vector<512x512xf32>
      %sub3A = vector.broadcast %max3A_859 : vector<512x1xf32> to vector<512x512xf32>
      %sub3A_1021 = arith.subf %get3A_1020, %sub3A : vector<512x512xf32>
      %exp3A = math.exp %sub3A_1021 : vector<512x512xf32>
      %reduce_sum3A = arith.constant dense<0.000000e+00> : vector<512xf32>
      %reduce_sum3A_1022 = vector.multi_reduction <add>, %exp3A, %reduce_sum3A [1] : vector<512x512xf32> to vector<512xf32>
      %broadcast_in_dim3A_1023 = vector.shape_cast %reduce_sum3A_1022 : vector<512xf32> to vector<512x1xf32>
      %add3A_1024 = arith.addf %while3A_1015, %broadcast_in_dim3A_1023 : vector<512x1xf32>
      %convert_element_type3A = arith.truncf %exp3A : vector<512x512xf32> to vector<512x512xbf16>
      %mul3A_1025 = arith.constant 512 : i32
      %mul3A_1026 = arith.muli %while3A_1013, %mul3A_1025 : i32
      %get3A_1027 = arith.constant 0 : index
      %get3A_1028 = arith.index_cast %mul3A_1026 : i32 to index
      %get3A_1029 = arith.constant 832 : index
      %get3A_1030 = vector.load %arg4[%get3A_1027, %get3A_1028, %get3A_1029] : memref<1x2048x1024xbf16, #tpu.memory_space<vmem>>, vector<1x512x64xbf16>
      %get3A_1031 = vector.shape_cast %get3A_1030 : vector<1x512x64xbf16> to vector<512x64xbf16>
      %dot_general3A_1032 = arith.constant dense<0.000000e+00> : vector<512x64xf32>
      %dot_general3A_1033 = tpu.matmul %convert_element_type3A, %get3A_1031, %dot_general3A_1032 {dimension_numbers = #tpu.dot_dimension_numbers<[1], [0], [0], [1], [0, 0, 1, 1], [], []>, transpose_lhs_hint = false} : vector<512x512xbf16>, vector<512x64xbf16>, vector<512x64xf32> -> vector<512x64xf32>
      %add3A_1034 = arith.addf %while3A_1014, %dot_general3A_1033 : vector<512x64xf32>
      scf.yield %add3A_1034, %add3A_1024 : vector<512x64xf32>, vector<512x1xf32>
    }
    %div3A_877 = vector.broadcast %while3A_876#1 : vector<512x1xf32> to vector<512x64xf32>
    %div3A_878 = arith.divf %while3A_876#0, %div3A_877 : vector<512x64xf32>
    %swap3A_879 = arith.constant 0 : index
    %swap3A_880 = arith.constant 0 : index
    %swap3A_881 = arith.constant 832 : index
    %swap3A_882 = vector.load %arg5[%swap3A_879, %swap3A_880, %swap3A_881] : memref<1x512x1024xf32, #tpu.memory_space<vmem>>, vector<1x512x64xf32>
    %swap3A_883 = vector.shape_cast %swap3A_882 : vector<1x512x64xf32> to vector<512x64xf32>
    %swap3A_884 = vector.shape_cast %div3A_878 : vector<512x64xf32> to vector<1x512x64xf32>
    tpu.vector_store %arg5[%swap3A_879, %swap3A_880, %swap3A_881], %swap3A_884 {strides = array<i32>} : memref<1x512x1024xf32, #tpu.memory_space<vmem>>, vector<1x512x64xf32>,
    %get3A_885 = arith.constant 0 : index
    %get3A_886 = arith.constant 0 : index
    %get3A_887 = arith.constant 896 : index
    %get3A_888 = vector.load %arg2[%get3A_885, %get3A_886, %get3A_887] : memref<1x512x1024xbf16, #tpu.memory_space<vmem>>, vector<1x512x64xbf16>
    %get3A_889 = vector.shape_cast %get3A_888 : vector<1x512x64xbf16> to vector<512x64xbf16>
    %broadcast_in_dim3A_890 = arith.constant 0xFF800000 : f32
    %broadcast_in_dim3A_891 = vector.broadcast %broadcast_in_dim3A_890 : f32 to vector<512x1xf32>
    %while3A_892 = arith.constant 0 : i32
    %while3A_893 = arith.subi %arg1, %while3A_892 : i32
    %while3A_894 = arith.addi %while3A_892, %while3A_893 : i32
    %while3A_895 = arith.constant 1 : i32
    %while3A_896 = arith.divsi %while3A_893, %while3A_895 : i32
    %while3A_897 = arith.muli %while3A_896, %while3A_895 : i32
    %while3A_898 = arith.addi %while3A_892, %while3A_897 : i32
    %while3A_899 = arith.constant 1 : i32
    %while3A_900 = scf.for %while3A_1013 = %while3A_892 to %while3A_898 step %while3A_899 iter_args(%while3A_1014 = %broadcast_in_dim3A_891) -> (vector<512x1xf32>)  : i32 {
      %mul3A_1015 = arith.constant 512 : i32
      %mul3A_1016 = arith.muli %while3A_1013, %mul3A_1015 : i32
      %get3A_1017 = arith.constant 0 : index
      %get3A_1018 = arith.index_cast %mul3A_1016 : i32 to index
      %get3A_1019 = arith.constant 896 : index
      %get3A_1020 = vector.load %arg3[%get3A_1017, %get3A_1018, %get3A_1019] : memref<1x2048x1024xbf16, #tpu.memory_space<vmem>>, vector<1x512x64xbf16>
      %get3A_1021 = vector.shape_cast %get3A_1020 : vector<1x512x64xbf16> to vector<512x64xbf16>
      %dot_general3A_1022 = arith.constant dense<0.000000e+00> : vector<512x512xf32>
      %dot_general3A_1023 = tpu.matmul %get3A_889, %get3A_1021, %dot_general3A_1022 {dimension_numbers = #tpu.dot_dimension_numbers<[1], [1], [0], [0], [0, 0, 1, 0], [], []>, transpose_lhs_hint = false} : vector<512x64xbf16>, vector<512x64xbf16>, vector<512x512xf32> -> vector<512x512xf32>
      %mul3A_1024 = arith.constant 512 : i32
      %mul3A_1025 = arith.muli %while3A_1013, %mul3A_1024 : i32
      %swap3A_1026 = arith.constant 0 : index
      %swap3A_1027 = arith.index_cast %mul3A_1025 : i32 to index
      %swap3A_1028 = vector.load %arg6[%swap3A_1026, %swap3A_1027] : memref<512x2048xf32, #tpu.memory_space<vmem>>, vector<512x512xf32>
      tpu.vector_store %arg6[%swap3A_1026, %swap3A_1027], %dot_general3A_1023 {strides = array<i32>} : memref<512x2048xf32, #tpu.memory_space<vmem>>, vector<512x512xf32>,
      %reduce_max3A_1029 = arith.constant dense<0xFF800000> : vector<512xf32>
      %reduce_max3A_1030 = vector.multi_reduction <maximumf>, %dot_general3A_1023, %reduce_max3A_1029 [1] : vector<512x512xf32> to vector<512xf32>
      %broadcast_in_dim3A_1031 = vector.shape_cast %reduce_max3A_1030 : vector<512xf32> to vector<512x1xf32>
      %max3A_1032 = arith.maximumf %while3A_1014, %broadcast_in_dim3A_1031 : vector<512x1xf32>
      scf.yield %max3A_1032 : vector<512x1xf32>
    }
    %while3A_901 = arith.constant 1 : i32
    %while3A_902 = scf.for %while3A_1013 = %while3A_898 to %while3A_894 step %while3A_901 iter_args(%while3A_1014 = %while3A_900) -> (vector<512x1xf32>)  : i32 {
      %mul3A_1015 = arith.constant 512 : i32
      %mul3A_1016 = arith.muli %while3A_1013, %mul3A_1015 : i32
      %get3A_1017 = arith.constant 0 : index
      %get3A_1018 = arith.index_cast %mul3A_1016 : i32 to index
      %get3A_1019 = arith.constant 896 : index
      %get3A_1020 = vector.load %arg3[%get3A_1017, %get3A_1018, %get3A_1019] : memref<1x2048x1024xbf16, #tpu.memory_space<vmem>>, vector<1x512x64xbf16>
      %get3A_1021 = vector.shape_cast %get3A_1020 : vector<1x512x64xbf16> to vector<512x64xbf16>
      %dot_general3A_1022 = arith.constant dense<0.000000e+00> : vector<512x512xf32>
      %dot_general3A_1023 = tpu.matmul %get3A_889, %get3A_1021, %dot_general3A_1022 {dimension_numbers = #tpu.dot_dimension_numbers<[1], [1], [0], [0], [0, 0, 1, 0], [], []>, transpose_lhs_hint = false} : vector<512x64xbf16>, vector<512x64xbf16>, vector<512x512xf32> -> vector<512x512xf32>
      %mul3A_1024 = arith.constant 512 : i32
      %mul3A_1025 = arith.muli %while3A_1013, %mul3A_1024 : i32
      %swap3A_1026 = arith.constant 0 : index
      %swap3A_1027 = arith.index_cast %mul3A_1025 : i32 to index
      %swap3A_1028 = vector.load %arg6[%swap3A_1026, %swap3A_1027] : memref<512x2048xf32, #tpu.memory_space<vmem>>, vector<512x512xf32>
      tpu.vector_store %arg6[%swap3A_1026, %swap3A_1027], %dot_general3A_1023 {strides = array<i32>} : memref<512x2048xf32, #tpu.memory_space<vmem>>, vector<512x512xf32>,
      %reduce_max3A_1029 = arith.constant dense<0xFF800000> : vector<512xf32>
      %reduce_max3A_1030 = vector.multi_reduction <maximumf>, %dot_general3A_1023, %reduce_max3A_1029 [1] : vector<512x512xf32> to vector<512xf32>
      %broadcast_in_dim3A_1031 = vector.shape_cast %reduce_max3A_1030 : vector<512xf32> to vector<512x1xf32>
      %max3A_1032 = arith.maximumf %while3A_1014, %broadcast_in_dim3A_1031 : vector<512x1xf32>
      scf.yield %max3A_1032 : vector<512x1xf32>
    }
    %mul3A_903 = arith.constant 512 : i32
    %mul3A_904 = arith.muli %arg1, %mul3A_903 : i32
    %get3A_905 = arith.constant 0 : index
    %get3A_906 = arith.index_cast %mul3A_904 : i32 to index
    %get3A_907 = arith.constant 896 : index
    %get3A_908 = vector.load %arg3[%get3A_905, %get3A_906, %get3A_907] : memref<1x2048x1024xbf16, #tpu.memory_space<vmem>>, vector<1x512x64xbf16>
    %get3A_909 = vector.shape_cast %get3A_908 : vector<1x512x64xbf16> to vector<512x64xbf16>
    %dot_general3A_910 = arith.constant dense<0.000000e+00> : vector<512x512xf32>
    %dot_general3A_911 = tpu.matmul %get3A_889, %get3A_909, %dot_general3A_910 {dimension_numbers = #tpu.dot_dimension_numbers<[1], [1], [0], [0], [0, 0, 1, 0], [], []>, transpose_lhs_hint = false} : vector<512x64xbf16>, vector<512x64xbf16>, vector<512x512xf32> -> vector<512x512xf32>
    %jit3A_912 = arith.constant -1.000000e+30 : f32
    %broadcast_in_dim3A_913 = vector.broadcast %jit3A_912 : f32 to vector<512x512xf32>
    %select_n3A_914 = arith.select %le3A, %dot_general3A_911, %broadcast_in_dim3A_913 : vector<512x512xi1>, vector<512x512xf32>
    %mul3A_915 = arith.constant 512 : i32
    %mul3A_916 = arith.muli %arg1, %mul3A_915 : i32
    %swap3A_917 = arith.constant 0 : index
    %swap3A_918 = arith.index_cast %mul3A_916 : i32 to index
    %swap3A_919 = vector.load %arg6[%swap3A_917, %swap3A_918] : memref<512x2048xf32, #tpu.memory_space<vmem>>, vector<512x512xf32>
    tpu.vector_store %arg6[%swap3A_917, %swap3A_918], %select_n3A_914 {strides = array<i32>} : memref<512x2048xf32, #tpu.memory_space<vmem>>, vector<512x512xf32>,
    %reduce_max3A_920 = arith.constant dense<0xFF800000> : vector<512xf32>
    %reduce_max3A_921 = vector.multi_reduction <maximumf>, %select_n3A_914, %reduce_max3A_920 [1] : vector<512x512xf32> to vector<512xf32>
    %broadcast_in_dim3A_922 = vector.shape_cast %reduce_max3A_921 : vector<512xf32> to vector<512x1xf32>
    %max3A_923 = arith.maximumf %while3A_902, %broadcast_in_dim3A_922 : vector<512x1xf32>
    %add3A_924 = arith.constant 1 : i32
    %add3A_925 = arith.addi %arg1, %add3A_924 : i32
    %broadcast_in_dim3A_926 = arith.constant 0.000000e+00 : f32
    %broadcast_in_dim3A_927 = vector.broadcast %broadcast_in_dim3A_926 : f32 to vector<512x64xf32>
    %broadcast_in_dim3A_928 = arith.constant 0.000000e+00 : f32
    %broadcast_in_dim3A_929 = vector.broadcast %broadcast_in_dim3A_928 : f32 to vector<512x1xf32>
    %while3A_930 = arith.constant 0 : i32
    %while3A_931 = arith.subi %add3A_925, %while3A_930 : i32
    %while3A_932 = arith.addi %while3A_930, %while3A_931 : i32
    %while3A_933 = arith.constant 1 : i32
    %while3A_934 = arith.divsi %while3A_931, %while3A_933 : i32
    %while3A_935 = arith.muli %while3A_934, %while3A_933 : i32
    %while3A_936 = arith.addi %while3A_930, %while3A_935 : i32
    %while3A_937 = arith.constant 1 : i32
    %while3A_938:2 = scf.for %while3A_1013 = %while3A_930 to %while3A_936 step %while3A_937 iter_args(%while3A_1014 = %broadcast_in_dim3A_927, %while3A_1015 = %broadcast_in_dim3A_929) -> (vector<512x64xf32>, vector<512x1xf32>)  : i32 {
      %mul3A_1016 = arith.constant 512 : i32
      %mul3A_1017 = arith.muli %while3A_1013, %mul3A_1016 : i32
      %get3A_1018 = arith.constant 0 : index
      %get3A_1019 = arith.index_cast %mul3A_1017 : i32 to index
      %get3A_1020 = vector.load %arg6[%get3A_1018, %get3A_1019] : memref<512x2048xf32, #tpu.memory_space<vmem>>, vector<512x512xf32>
      %sub3A = vector.broadcast %max3A_923 : vector<512x1xf32> to vector<512x512xf32>
      %sub3A_1021 = arith.subf %get3A_1020, %sub3A : vector<512x512xf32>
      %exp3A = math.exp %sub3A_1021 : vector<512x512xf32>
      %reduce_sum3A = arith.constant dense<0.000000e+00> : vector<512xf32>
      %reduce_sum3A_1022 = vector.multi_reduction <add>, %exp3A, %reduce_sum3A [1] : vector<512x512xf32> to vector<512xf32>
      %broadcast_in_dim3A_1023 = vector.shape_cast %reduce_sum3A_1022 : vector<512xf32> to vector<512x1xf32>
      %add3A_1024 = arith.addf %while3A_1015, %broadcast_in_dim3A_1023 : vector<512x1xf32>
      %convert_element_type3A = arith.truncf %exp3A : vector<512x512xf32> to vector<512x512xbf16>
      %mul3A_1025 = arith.constant 512 : i32
      %mul3A_1026 = arith.muli %while3A_1013, %mul3A_1025 : i32
      %get3A_1027 = arith.constant 0 : index
      %get3A_1028 = arith.index_cast %mul3A_1026 : i32 to index
      %get3A_1029 = arith.constant 896 : index
      %get3A_1030 = vector.load %arg4[%get3A_1027, %get3A_1028, %get3A_1029] : memref<1x2048x1024xbf16, #tpu.memory_space<vmem>>, vector<1x512x64xbf16>
      %get3A_1031 = vector.shape_cast %get3A_1030 : vector<1x512x64xbf16> to vector<512x64xbf16>
      %dot_general3A_1032 = arith.constant dense<0.000000e+00> : vector<512x64xf32>
      %dot_general3A_1033 = tpu.matmul %convert_element_type3A, %get3A_1031, %dot_general3A_1032 {dimension_numbers = #tpu.dot_dimension_numbers<[1], [0], [0], [1], [0, 0, 1, 1], [], []>, transpose_lhs_hint = false} : vector<512x512xbf16>, vector<512x64xbf16>, vector<512x64xf32> -> vector<512x64xf32>
      %add3A_1034 = arith.addf %while3A_1014, %dot_general3A_1033 : vector<512x64xf32>
      scf.yield %add3A_1034, %add3A_1024 : vector<512x64xf32>, vector<512x1xf32>
    }
    %while3A_939 = arith.constant 1 : i32
    %while3A_940:2 = scf.for %while3A_1013 = %while3A_936 to %while3A_932 step %while3A_939 iter_args(%while3A_1014 = %while3A_938#0, %while3A_1015 = %while3A_938#1) -> (vector<512x64xf32>, vector<512x1xf32>)  : i32 {
      %mul3A_1016 = arith.constant 512 : i32
      %mul3A_1017 = arith.muli %while3A_1013, %mul3A_1016 : i32
      %get3A_1018 = arith.constant 0 : index
      %get3A_1019 = arith.index_cast %mul3A_1017 : i32 to index
      %get3A_1020 = vector.load %arg6[%get3A_1018, %get3A_1019] : memref<512x2048xf32, #tpu.memory_space<vmem>>, vector<512x512xf32>
      %sub3A = vector.broadcast %max3A_923 : vector<512x1xf32> to vector<512x512xf32>
      %sub3A_1021 = arith.subf %get3A_1020, %sub3A : vector<512x512xf32>
      %exp3A = math.exp %sub3A_1021 : vector<512x512xf32>
      %reduce_sum3A = arith.constant dense<0.000000e+00> : vector<512xf32>
      %reduce_sum3A_1022 = vector.multi_reduction <add>, %exp3A, %reduce_sum3A [1] : vector<512x512xf32> to vector<512xf32>
      %broadcast_in_dim3A_1023 = vector.shape_cast %reduce_sum3A_1022 : vector<512xf32> to vector<512x1xf32>
      %add3A_1024 = arith.addf %while3A_1015, %broadcast_in_dim3A_1023 : vector<512x1xf32>
      %convert_element_type3A = arith.truncf %exp3A : vector<512x512xf32> to vector<512x512xbf16>
      %mul3A_1025 = arith.constant 512 : i32
      %mul3A_1026 = arith.muli %while3A_1013, %mul3A_1025 : i32
      %get3A_1027 = arith.constant 0 : index
      %get3A_1028 = arith.index_cast %mul3A_1026 : i32 to index
      %get3A_1029 = arith.constant 896 : index
      %get3A_1030 = vector.load %arg4[%get3A_1027, %get3A_1028, %get3A_1029] : memref<1x2048x1024xbf16, #tpu.memory_space<vmem>>, vector<1x512x64xbf16>
      %get3A_1031 = vector.shape_cast %get3A_1030 : vector<1x512x64xbf16> to vector<512x64xbf16>
      %dot_general3A_1032 = arith.constant dense<0.000000e+00> : vector<512x64xf32>
      %dot_general3A_1033 = tpu.matmul %convert_element_type3A, %get3A_1031, %dot_general3A_1032 {dimension_numbers = #tpu.dot_dimension_numbers<[1], [0], [0], [1], [0, 0, 1, 1], [], []>, transpose_lhs_hint = false} : vector<512x512xbf16>, vector<512x64xbf16>, vector<512x64xf32> -> vector<512x64xf32>
      %add3A_1034 = arith.addf %while3A_1014, %dot_general3A_1033 : vector<512x64xf32>
      scf.yield %add3A_1034, %add3A_1024 : vector<512x64xf32>, vector<512x1xf32>
    }
    %div3A_941 = vector.broadcast %while3A_940#1 : vector<512x1xf32> to vector<512x64xf32>
    %div3A_942 = arith.divf %while3A_940#0, %div3A_941 : vector<512x64xf32>
    %swap3A_943 = arith.constant 0 : index
    %swap3A_944 = arith.constant 0 : index
    %swap3A_945 = arith.constant 896 : index
    %swap3A_946 = vector.load %arg5[%swap3A_943, %swap3A_944, %swap3A_945] : memref<1x512x1024xf32, #tpu.memory_space<vmem>>, vector<1x512x64xf32>
    %swap3A_947 = vector.shape_cast %swap3A_946 : vector<1x512x64xf32> to vector<512x64xf32>
    %swap3A_948 = vector.shape_cast %div3A_942 : vector<512x64xf32> to vector<1x512x64xf32>
    tpu.vector_store %arg5[%swap3A_943, %swap3A_944, %swap3A_945], %swap3A_948 {strides = array<i32>} : memref<1x512x1024xf32, #tpu.memory_space<vmem>>, vector<1x512x64xf32>,
    %get3A_949 = arith.constant 0 : index
    %get3A_950 = arith.constant 0 : index
    %get3A_951 = arith.constant 960 : index
    %get3A_952 = vector.load %arg2[%get3A_949, %get3A_950, %get3A_951] : memref<1x512x1024xbf16, #tpu.memory_space<vmem>>, vector<1x512x64xbf16>
    %get3A_953 = vector.shape_cast %get3A_952 : vector<1x512x64xbf16> to vector<512x64xbf16>
    %broadcast_in_dim3A_954 = arith.constant 0xFF800000 : f32
    %broadcast_in_dim3A_955 = vector.broadcast %broadcast_in_dim3A_954 : f32 to vector<512x1xf32>
    %while3A_956 = arith.constant 0 : i32
    %while3A_957 = arith.subi %arg1, %while3A_956 : i32
    %while3A_958 = arith.addi %while3A_956, %while3A_957 : i32
    %while3A_959 = arith.constant 1 : i32
    %while3A_960 = arith.divsi %while3A_957, %while3A_959 : i32
    %while3A_961 = arith.muli %while3A_960, %while3A_959 : i32
    %while3A_962 = arith.addi %while3A_956, %while3A_961 : i32
    %while3A_963 = arith.constant 1 : i32
    %while3A_964 = scf.for %while3A_1013 = %while3A_956 to %while3A_962 step %while3A_963 iter_args(%while3A_1014 = %broadcast_in_dim3A_955) -> (vector<512x1xf32>)  : i32 {
      %mul3A_1015 = arith.constant 512 : i32
      %mul3A_1016 = arith.muli %while3A_1013, %mul3A_1015 : i32
      %get3A_1017 = arith.constant 0 : index
      %get3A_1018 = arith.index_cast %mul3A_1016 : i32 to index
      %get3A_1019 = arith.constant 960 : index
      %get3A_1020 = vector.load %arg3[%get3A_1017, %get3A_1018, %get3A_1019] : memref<1x2048x1024xbf16, #tpu.memory_space<vmem>>, vector<1x512x64xbf16>
      %get3A_1021 = vector.shape_cast %get3A_1020 : vector<1x512x64xbf16> to vector<512x64xbf16>
      %dot_general3A_1022 = arith.constant dense<0.000000e+00> : vector<512x512xf32>
      %dot_general3A_1023 = tpu.matmul %get3A_953, %get3A_1021, %dot_general3A_1022 {dimension_numbers = #tpu.dot_dimension_numbers<[1], [1], [0], [0], [0, 0, 1, 0], [], []>, transpose_lhs_hint = false} : vector<512x64xbf16>, vector<512x64xbf16>, vector<512x512xf32> -> vector<512x512xf32>
      %mul3A_1024 = arith.constant 512 : i32
      %mul3A_1025 = arith.muli %while3A_1013, %mul3A_1024 : i32
      %swap3A_1026 = arith.constant 0 : index
      %swap3A_1027 = arith.index_cast %mul3A_1025 : i32 to index
      %swap3A_1028 = vector.load %arg6[%swap3A_1026, %swap3A_1027] : memref<512x2048xf32, #tpu.memory_space<vmem>>, vector<512x512xf32>
      tpu.vector_store %arg6[%swap3A_1026, %swap3A_1027], %dot_general3A_1023 {strides = array<i32>} : memref<512x2048xf32, #tpu.memory_space<vmem>>, vector<512x512xf32>,
      %reduce_max3A_1029 = arith.constant dense<0xFF800000> : vector<512xf32>
      %reduce_max3A_1030 = vector.multi_reduction <maximumf>, %dot_general3A_1023, %reduce_max3A_1029 [1] : vector<512x512xf32> to vector<512xf32>
      %broadcast_in_dim3A_1031 = vector.shape_cast %reduce_max3A_1030 : vector<512xf32> to vector<512x1xf32>
      %max3A_1032 = arith.maximumf %while3A_1014, %broadcast_in_dim3A_1031 : vector<512x1xf32>
      scf.yield %max3A_1032 : vector<512x1xf32>
    }
    %while3A_965 = arith.constant 1 : i32
    %while3A_966 = scf.for %while3A_1013 = %while3A_962 to %while3A_958 step %while3A_965 iter_args(%while3A_1014 = %while3A_964) -> (vector<512x1xf32>)  : i32 {
      %mul3A_1015 = arith.constant 512 : i32
      %mul3A_1016 = arith.muli %while3A_1013, %mul3A_1015 : i32
      %get3A_1017 = arith.constant 0 : index
      %get3A_1018 = arith.index_cast %mul3A_1016 : i32 to index
      %get3A_1019 = arith.constant 960 : index
      %get3A_1020 = vector.load %arg3[%get3A_1017, %get3A_1018, %get3A_1019] : memref<1x2048x1024xbf16, #tpu.memory_space<vmem>>, vector<1x512x64xbf16>
      %get3A_1021 = vector.shape_cast %get3A_1020 : vector<1x512x64xbf16> to vector<512x64xbf16>
      %dot_general3A_1022 = arith.constant dense<0.000000e+00> : vector<512x512xf32>
      %dot_general3A_1023 = tpu.matmul %get3A_953, %get3A_1021, %dot_general3A_1022 {dimension_numbers = #tpu.dot_dimension_numbers<[1], [1], [0], [0], [0, 0, 1, 0], [], []>, transpose_lhs_hint = false} : vector<512x64xbf16>, vector<512x64xbf16>, vector<512x512xf32> -> vector<512x512xf32>
      %mul3A_1024 = arith.constant 512 : i32
      %mul3A_1025 = arith.muli %while3A_1013, %mul3A_1024 : i32
      %swap3A_1026 = arith.constant 0 : index
      %swap3A_1027 = arith.index_cast %mul3A_1025 : i32 to index
      %swap3A_1028 = vector.load %arg6[%swap3A_1026, %swap3A_1027] : memref<512x2048xf32, #tpu.memory_space<vmem>>, vector<512x512xf32>
      tpu.vector_store %arg6[%swap3A_1026, %swap3A_1027], %dot_general3A_1023 {strides = array<i32>} : memref<512x2048xf32, #tpu.memory_space<vmem>>, vector<512x512xf32>,
      %reduce_max3A_1029 = arith.constant dense<0xFF800000> : vector<512xf32>
      %reduce_max3A_1030 = vector.multi_reduction <maximumf>, %dot_general3A_1023, %reduce_max3A_1029 [1] : vector<512x512xf32> to vector<512xf32>
      %broadcast_in_dim3A_1031 = vector.shape_cast %reduce_max3A_1030 : vector<512xf32> to vector<512x1xf32>
      %max3A_1032 = arith.maximumf %while3A_1014, %broadcast_in_dim3A_1031 : vector<512x1xf32>
      scf.yield %max3A_1032 : vector<512x1xf32>
    }
    %mul3A_967 = arith.constant 512 : i32
    %mul3A_968 = arith.muli %arg1, %mul3A_967 : i32
    %get3A_969 = arith.constant 0 : index
    %get3A_970 = arith.index_cast %mul3A_968 : i32 to index
    %get3A_971 = arith.constant 960 : index
    %get3A_972 = vector.load %arg3[%get3A_969, %get3A_970, %get3A_971] : memref<1x2048x1024xbf16, #tpu.memory_space<vmem>>, vector<1x512x64xbf16>
    %get3A_973 = vector.shape_cast %get3A_972 : vector<1x512x64xbf16> to vector<512x64xbf16>
    %dot_general3A_974 = arith.constant dense<0.000000e+00> : vector<512x512xf32>
    %dot_general3A_975 = tpu.matmul %get3A_953, %get3A_973, %dot_general3A_974 {dimension_numbers = #tpu.dot_dimension_numbers<[1], [1], [0], [0], [0, 0, 1, 0], [], []>, transpose_lhs_hint = false} : vector<512x64xbf16>, vector<512x64xbf16>, vector<512x512xf32> -> vector<512x512xf32>
    %jit3A_976 = arith.constant -1.000000e+30 : f32
    %broadcast_in_dim3A_977 = vector.broadcast %jit3A_976 : f32 to vector<512x512xf32>
    %select_n3A_978 = arith.select %le3A, %dot_general3A_975, %broadcast_in_dim3A_977 : vector<512x512xi1>, vector<512x512xf32>
    %mul3A_979 = arith.constant 512 : i32
    %mul3A_980 = arith.muli %arg1, %mul3A_979 : i32
    %swap3A_981 = arith.constant 0 : index
    %swap3A_982 = arith.index_cast %mul3A_980 : i32 to index
    %swap3A_983 = vector.load %arg6[%swap3A_981, %swap3A_982] : memref<512x2048xf32, #tpu.memory_space<vmem>>, vector<512x512xf32>
    tpu.vector_store %arg6[%swap3A_981, %swap3A_982], %select_n3A_978 {strides = array<i32>} : memref<512x2048xf32, #tpu.memory_space<vmem>>, vector<512x512xf32>,
    %reduce_max3A_984 = arith.constant dense<0xFF800000> : vector<512xf32>
    %reduce_max3A_985 = vector.multi_reduction <maximumf>, %select_n3A_978, %reduce_max3A_984 [1] : vector<512x512xf32> to vector<512xf32>
    %broadcast_in_dim3A_986 = vector.shape_cast %reduce_max3A_985 : vector<512xf32> to vector<512x1xf32>
    %max3A_987 = arith.maximumf %while3A_966, %broadcast_in_dim3A_986 : vector<512x1xf32>
    %add3A_988 = arith.constant 1 : i32
    %add3A_989 = arith.addi %arg1, %add3A_988 : i32
    %broadcast_in_dim3A_990 = arith.constant 0.000000e+00 : f32
    %broadcast_in_dim3A_991 = vector.broadcast %broadcast_in_dim3A_990 : f32 to vector<512x64xf32>
    %broadcast_in_dim3A_992 = arith.constant 0.000000e+00 : f32
    %broadcast_in_dim3A_993 = vector.broadcast %broadcast_in_dim3A_992 : f32 to vector<512x1xf32>
    %while3A_994 = arith.constant 0 : i32
    %while3A_995 = arith.subi %add3A_989, %while3A_994 : i32
    %while3A_996 = arith.addi %while3A_994, %while3A_995 : i32
    %while3A_997 = arith.constant 1 : i32
    %while3A_998 = arith.divsi %while3A_995, %while3A_997 : i32
    %while3A_999 = arith.muli %while3A_998, %while3A_997 : i32
    %while3A_1000 = arith.addi %while3A_994, %while3A_999 : i32
    %while3A_1001 = arith.constant 1 : i32
    %while3A_1002:2 = scf.for %while3A_1013 = %while3A_994 to %while3A_1000 step %while3A_1001 iter_args(%while3A_1014 = %broadcast_in_dim3A_991, %while3A_1015 = %broadcast_in_dim3A_993) -> (vector<512x64xf32>, vector<512x1xf32>)  : i32 {
      %mul3A_1016 = arith.constant 512 : i32
      %mul3A_1017 = arith.muli %while3A_1013, %mul3A_1016 : i32
      %get3A_1018 = arith.constant 0 : index
      %get3A_1019 = arith.index_cast %mul3A_1017 : i32 to index
      %get3A_1020 = vector.load %arg6[%get3A_1018, %get3A_1019] : memref<512x2048xf32, #tpu.memory_space<vmem>>, vector<512x512xf32>
      %sub3A = vector.broadcast %max3A_987 : vector<512x1xf32> to vector<512x512xf32>
      %sub3A_1021 = arith.subf %get3A_1020, %sub3A : vector<512x512xf32>
      %exp3A = math.exp %sub3A_1021 : vector<512x512xf32>
      %reduce_sum3A = arith.constant dense<0.000000e+00> : vector<512xf32>
      %reduce_sum3A_1022 = vector.multi_reduction <add>, %exp3A, %reduce_sum3A [1] : vector<512x512xf32> to vector<512xf32>
      %broadcast_in_dim3A_1023 = vector.shape_cast %reduce_sum3A_1022 : vector<512xf32> to vector<512x1xf32>
      %add3A_1024 = arith.addf %while3A_1015, %broadcast_in_dim3A_1023 : vector<512x1xf32>
      %convert_element_type3A = arith.truncf %exp3A : vector<512x512xf32> to vector<512x512xbf16>
      %mul3A_1025 = arith.constant 512 : i32
      %mul3A_1026 = arith.muli %while3A_1013, %mul3A_1025 : i32
      %get3A_1027 = arith.constant 0 : index
      %get3A_1028 = arith.index_cast %mul3A_1026 : i32 to index
      %get3A_1029 = arith.constant 960 : index
      %get3A_1030 = vector.load %arg4[%get3A_1027, %get3A_1028, %get3A_1029] : memref<1x2048x1024xbf16, #tpu.memory_space<vmem>>, vector<1x512x64xbf16>
      %get3A_1031 = vector.shape_cast %get3A_1030 : vector<1x512x64xbf16> to vector<512x64xbf16>
      %dot_general3A_1032 = arith.constant dense<0.000000e+00> : vector<512x64xf32>
      %dot_general3A_1033 = tpu.matmul %convert_element_type3A, %get3A_1031, %dot_general3A_1032 {dimension_numbers = #tpu.dot_dimension_numbers<[1], [0], [0], [1], [0, 0, 1, 1], [], []>, transpose_lhs_hint = false} : vector<512x512xbf16>, vector<512x64xbf16>, vector<512x64xf32> -> vector<512x64xf32>
      %add3A_1034 = arith.addf %while3A_1014, %dot_general3A_1033 : vector<512x64xf32>
      scf.yield %add3A_1034, %add3A_1024 : vector<512x64xf32>, vector<512x1xf32>
    }
    %while3A_1003 = arith.constant 1 : i32
    %while3A_1004:2 = scf.for %while3A_1013 = %while3A_1000 to %while3A_996 step %while3A_1003 iter_args(%while3A_1014 = %while3A_1002#0, %while3A_1015 = %while3A_1002#1) -> (vector<512x64xf32>, vector<512x1xf32>)  : i32 {
      %mul3A_1016 = arith.constant 512 : i32
      %mul3A_1017 = arith.muli %while3A_1013, %mul3A_1016 : i32
      %get3A_1018 = arith.constant 0 : index
      %get3A_1019 = arith.index_cast %mul3A_1017 : i32 to index
      %get3A_1020 = vector.load %arg6[%get3A_1018, %get3A_1019] : memref<512x2048xf32, #tpu.memory_space<vmem>>, vector<512x512xf32>
      %sub3A = vector.broadcast %max3A_987 : vector<512x1xf32> to vector<512x512xf32>
      %sub3A_1021 = arith.subf %get3A_1020, %sub3A : vector<512x512xf32>
      %exp3A = math.exp %sub3A_1021 : vector<512x512xf32>
      %reduce_sum3A = arith.constant dense<0.000000e+00> : vector<512xf32>
      %reduce_sum3A_1022 = vector.multi_reduction <add>, %exp3A, %reduce_sum3A [1] : vector<512x512xf32> to vector<512xf32>
      %broadcast_in_dim3A_1023 = vector.shape_cast %reduce_sum3A_1022 : vector<512xf32> to vector<512x1xf32>
      %add3A_1024 = arith.addf %while3A_1015, %broadcast_in_dim3A_1023 : vector<512x1xf32>
      %convert_element_type3A = arith.truncf %exp3A : vector<512x512xf32> to vector<512x512xbf16>
      %mul3A_1025 = arith.constant 512 : i32
      %mul3A_1026 = arith.muli %while3A_1013, %mul3A_1025 : i32
      %get3A_1027 = arith.constant 0 : index
      %get3A_1028 = arith.index_cast %mul3A_1026 : i32 to index
      %get3A_1029 = arith.constant 960 : index
      %get3A_1030 = vector.load %arg4[%get3A_1027, %get3A_1028, %get3A_1029] : memref<1x2048x1024xbf16, #tpu.memory_space<vmem>>, vector<1x512x64xbf16>
      %get3A_1031 = vector.shape_cast %get3A_1030 : vector<1x512x64xbf16> to vector<512x64xbf16>
      %dot_general3A_1032 = arith.constant dense<0.000000e+00> : vector<512x64xf32>
      %dot_general3A_1033 = tpu.matmul %convert_element_type3A, %get3A_1031, %dot_general3A_1032 {dimension_numbers = #tpu.dot_dimension_numbers<[1], [0], [0], [1], [0, 0, 1, 1], [], []>, transpose_lhs_hint = false} : vector<512x512xbf16>, vector<512x64xbf16>, vector<512x64xf32> -> vector<512x64xf32>
      %add3A_1034 = arith.addf %while3A_1014, %dot_general3A_1033 : vector<512x64xf32>
      scf.yield %add3A_1034, %add3A_1024 : vector<512x64xf32>, vector<512x1xf32>
    }
    %div3A_1005 = vector.broadcast %while3A_1004#1 : vector<512x1xf32> to vector<512x64xf32>
    %div3A_1006 = arith.divf %while3A_1004#0, %div3A_1005 : vector<512x64xf32>
    %swap3A_1007 = arith.constant 0 : index
    %swap3A_1008 = arith.constant 0 : index
    %swap3A_1009 = arith.constant 960 : index
    %swap3A_1010 = vector.load %arg5[%swap3A_1007, %swap3A_1008, %swap3A_1009] : memref<1x512x1024xf32, #tpu.memory_space<vmem>>, vector<1x512x64xf32>
    %swap3A_1011 = vector.shape_cast %swap3A_1010 : vector<1x512x64xf32> to vector<512x64xf32>
    %swap3A_1012 = vector.shape_cast %div3A_1006 : vector<512x64xf32> to vector<1x512x64xf32>
    tpu.vector_store %arg5[%swap3A_1007, %swap3A_1008, %swap3A_1009], %swap3A_1012 {strides = array<i32>} : memref<1x512x1024xf32, #tpu.memory_space<vmem>>, vector<1x512x64xf32>,
    return
  }
  func.func @transform_0(%arg0: i32, %arg1: i32) -> (i32, i32, i32) {
    %c0_i32 = arith.constant 0 : i32
    %c0_i32_0 = arith.constant 0 : i32
    return %arg0, %arg1, %c0_i32 : i32, i32, i32
  }
  func.func @transform_1(%arg0: i32, %arg1: i32) -> (i32, i32, i32) {
    %c0_i32 = arith.constant 0 : i32
    %c0_i32_0 = arith.constant 0 : i32
    %c0_i32_1 = arith.constant 0 : i32
    return %arg0, %c0_i32, %c0_i32_0 : i32, i32, i32
  }
  func.func @transform_2(%arg0: i32, %arg1: i32) -> (i32, i32, i32) {
    %c0_i32 = arith.constant 0 : i32
    %c0_i32_0 = arith.constant 0 : i32
    %c0_i32_1 = arith.constant 0 : i32
    return %arg0, %c0_i32, %c0_i32_0 : i32, i32, i32
  }
  func.func @transform_3(%arg0: i32, %arg1: i32) -> (i32, i32, i32) {
    %c0_i32 = arith.constant 0 : i32
    %c0_i32_0 = arith.constant 0 : i32
    return %arg0, %arg1, %c0_i32 : i32, i32, i32
  }
}

</mosaic_0001>

<sc_bundles>
// kernel: kernel.6.cloned.1.call-start
scs
__scs_entry_jumppad:
0x0: {  	(pc) =	sbr.rel $0x88, $3  }
0x1: {  	(tag) =	ssettag $0x0;
	lr =	simm.s32 $0x1  }
0x2: {  	[smem:$0x3F91] =	sst lr;
	_ =	strace $0xD0000000  }
0x3: {  	_ = 	snop  }
0x4: {  	_ = 	snop  }
0x5: {  	_ = 	snop  }
0x6: {  	_ = 	snop  }
0x7: {  	_ = 	snop  }
__scs_overlays_trampoline_lowered:
0x8: {  	[smem:$0x3FA0] =	sst s0  }
0x9: {  	[smem:$0x3FA1] =	sst s1  }
0xa: {  	[smem:$0x3FA2] =	sst s2  }
0xb: {  	[smem:$0x3FA3] =	sst s3  }
0xc: {  	[smem:$0x3FA4] =	sst s4  }
0xd: {  	[smem:$0x3FA5] =	sst s5  }
0xe: {  	[smem:$0x3FA6] =	sst s6  }
0xf: {  	[smem:$0x3FA7] =	sst s7  }
0x10: {  	[smem:$0x3FA8] =	sst s8  }
0x11: {  	[smem:$0x3FA9] =	sst s9;
	s0 =	simm.s32 @!p0 $0x0  }
0x12: {  	s1 =	sld [smem:$0x3F8F];
	s0 =	simm.s32 @p0 $0x1  }
0x13: {  	[smem:$0x3FAA] =	sst s0;
	s0 =	simm.s32 @!p1 $0x0  }
0x14: {  	s2 =	sld [smem:$0x3F8E];
	s0 =	simm.s32 @p1 $0x1  }
0x15: {  	[smem:$0x3FAB] =	sst s0;
	s0 =	simm.s32 @!p2 $0x0  }
0x16: {  	s3 =	sld [smem:$0x3FDB];
	s0 =	simm.s32 @p2 $0x1  }
0x17: {  	s4 =	simm.s32 $0x1BF5;
	[smem:$0x3FAD] =	sst s0  }
0x18: {  	s0 =	sld [smem:$0x3F90];
	_ =	swait.ge [sflag:s4], $0x0  }
0x19: {  	s7 =	sld [smem:$0x3F91]  }
0x1a: {  	s8 =	sadd.s32 $0xFFFFE003, lr  }
0x1b: {  	s9 =	sadd.s32 $0xFFFFFEF7, lr;
	s5 =	simm.s32 $0xFFFFFFFF;
	p2 =	slt.u32 s8, $0xFFFFF086  }
0x1c: {  	p1 =	slt.u32 s9, $0xF7A;
	s5 =	simm.s32 @!p2 $0x0  }
0x1d: {  	s5 =	simm.s32 @p1 $0x1;
	p0 =	seq.s32 s7, s2  }
0x1e: {  	s7 =	smul.u32 @!p0 $0xF7A, s2;
	p2 =	seq.s32 @!p0 s5, $0x0  }
0x1f: {  	s9 =	smul.u32 $0xF7A, s1;
	s8 =	simm.s32 @!p0 $0x1BF5;
	p2 =	por !p2, p0  }
0x20: {  	[sflag:s8] =	ssyncset.s32 @!p0 $0xFFFFF086;
	s6 =	sadd.s32 @!p0 s3, s7;
	s7 =	simm.s32 @!p0 $0x108  }
0x21: {  	s3 =	sadd.s32 s3, s9;
	s6 =	sadd.s32 @!p0 $0x88, s6;
	s7 =	simm.s32 @p2 $0x1082  }
0x22: {  	[simem:s7], [sflag:s8] =	dma.local @!p0 [hbm:s6], $0xF7A  }
0x23: {  	s9 =	sor.u32 $0xD0000000, s2;
	s6 =	simm.s32 $0x108;
	_ =	swait.ge @!p0 [sflag:s8], $0x0  }
0x24: {  	s3 =	sadd.s32 $0x88, s3;
	s6 =	simm.s32 @!p1 $0x1082;
	[sflag:s4] =	ssyncset.s32 $0xFFFFF086  }
0x25: {  	[simem:s6], [sflag:s4] =	dma.local [hbm:s3], $0xF7A  }
0x26: {  	[smem:$0x3F91] =	sst s1;
	(tag) =	ssettag s2;
	_ =	strace s9  }
0x27: {  	s1 =	sld [smem:$0x3FA1]  }
0x28: {  	s2 =	sld [smem:$0x3FA2]  }
0x29: {  	s4 =	sld [smem:$0x3FA4]  }
0x2a: {  	p0 =	seq.s32 s5, $0x0;
	s5 =	sld [smem:$0x3FA5]  }
0x2b: {  	s6 =	sld [smem:$0x3FA6]  }
0x2c: {  	s7 =	sld [smem:$0x3FA7]  }
0x2d: {  	s3 =	simm.s32 $0x108;
	s8 =	sld [smem:$0x3FA8]  }
0x2e: {  	s3 =	simm.s32 @!p0 $0x1082;
	s9 =	sld [smem:$0x3FA9]  }
0x2f: {  	lr =	sadd.s32 s0, s3;
	s0 =	sld [smem:$0x3FA0]  }
0x30: {  	s3 =	sld [smem:$0x3FA3]  }
0x31: {  	[smem:$0x3FAC] =	sst s10  }
0x32: {  	s10 =	sld [smem:$0x3FAA];
	_ =	sdelay $0x3  }
0x33: {  	p0 =	seq.s32 s10, $0x1;
	s10 =	sld [smem:$0x3FAC];
	_ =	sdelay $0x3  }
0x34: {  	[smem:$0x3FAC] =	sst s10  }
0x35: {  	s10 =	sld [smem:$0x3FAB];
	_ =	sdelay $0x3  }
0x36: {  	p1 =	seq.s32 s10, $0x1;
	s10 =	sld [smem:$0x3FAC];
	_ =	sdelay $0x3  }
0x37: {  	[smem:$0x3FAC] =	sst s10  }
0x38: {  	s10 =	sld [smem:$0x3FAD]  }
0x39: {  	_ = 	snop;
	(pc) =	sbr.ind lr, $3  }
0x3a: {  	_ = 	snop  }
0x3b: {  	_ = 	snop  }
0x3c: {  	p2 =	seq.s32 s10, $0x1;
	s10 =	sld [smem:$0x3FAC]  }
0x3d: {  	_ =	shalt  }
0x3e: {  	_ =	shalt  }
0x3f: {  	_ =	shalt  }
0x40: {  	_ =	shalt  }
0x41: {  	_ =	shalt  }
0x42: {  	_ =	shalt  }
0x43: {  	_ =	shalt  }
0x44: {  	_ =	shalt  }
0x45: {  	_ =	shalt  }
0x46: {  	_ =	shalt  }
0x47: {  	_ =	shalt  }
0x48: {  	_ =	shalt  }
0x49: {  	_ =	shalt  }
0x4a: {  	_ =	shalt  }
0x4b: {  	_ =	shalt  }
0x4c: {  	_ =	shalt  }
0x4d: {  	_ =	shalt  }
0x4e: {  	_ =	shalt  }
0x4f: {  	_ =	shalt  }
0x50: {  	_ =	shalt  }
0x51: {  	_ =	shalt  }
0x52: {  	_ =	shalt  }
0x53: {  	_ =	shalt  }
0x54: {  	_ =	shalt  }
0x55: {  	_ =	shalt  }
0x56: {  	_ =	shalt  }
0x57: {  	_ =	shalt  }
0x58: {  	_ =	shalt  }
0x59: {  	_ =	shalt  }
0x5a: {  	_ =	shalt  }
0x5b: {  	_ =	shalt  }
0x5c: {  	_ =	shalt  }
0x5d: {  	_ =	shalt  }
0x5e: {  	_ =	shalt  }
0x5f: {  	_ =	shalt  }
0x60: {  	_ =	shalt  }
0x61: {  	_ =	shalt  }
0x62: {  	_ =	shalt  }
0x63: {  	_ =	shalt  }
0x64: {  	_ =	shalt  }
0x65: {  	_ =	shalt  }
0x66: {  	_ =	shalt  }
0x67: {  	_ =	shalt  }
0x68: {  	_ =	shalt  }
0x69: {  	_ =	shalt  }
0x6a: {  	_ =	shalt  }
0x6b: {  	_ =	shalt  }
0x6c: {  	_ =	shalt  }
0x6d: {  	_ =	shalt  }
0x6e: {  	_ =	shalt  }
0x6f: {  	_ =	shalt  }
0x70: {  	_ =	shalt  }
0x71: {  	_ =	shalt  }
0x72: {  	_ =	shalt  }
0x73: {  	_ =	shalt  }
0x74: {  	_ =	shalt  }
0x75: {  	_ =	shalt  }
0x76: {  	_ =	shalt  }
0x77: {  	_ =	shalt  }
0x78: {  	_ =	shalt  }
0x79: {  	_ =	shalt  }
0x7a: {  	_ =	shalt  }
0x7b: {  	_ =	shalt  }
0x7c: {  	_ =	shalt  }
0x7d: {  	_ =	shalt  }
0x7e: {  	_ =	shalt  }
0x7f: {  	_ =	shalt  }
0x80: {  	_ =	shalt  }
0x81: {  	_ =	shalt  }
0x82: {  	_ =	shalt  }
0x83: {  	_ =	shalt  }
0x84: {  	_ =	shalt  }
0x85: {  	_ =	shalt  }
0x86: {  	_ =	shalt  }
0x87: {  	_ =	shalt  }
.Lfunc_end0:
.L_simem_size_0:
called_computation_lowered:
.L_overlay_start_0:
0x88: {  	s2 =	sld [smem:$0x3FD9]  }
0x89: {  	s3 =	sld [smem:$0x3FFE];
	_ =	sdelay $0x1  }
0x8a: {  	s1 =	srdreg.scid  }
0x8b: {  	s0 =	sand.u32 $0x1, s1  }
0x8c: {  	s17 =	sshll.u32 s0, $0xA;
	s2 =	sadd.s32 s3, s2  }
0x8d: {  	s2 =	sadd.s32 s2, s17  }
0x8e: {  	[smem:$0x3FB8] =	sst s2  }
0x8f: {  	_ = 	snop  }
0x90: {  	s2 =	sld [smem:$0x3FC8]  }
0x91: {  	s18 =	sld [smem:$0x3FC7]  }
0x92: {  	s4 =	sld [smem:$0x3FC6]  }
0x93: {  	s5 =	sld [smem:$0x3FC5]  }
0x94: {  	s6 =	sld [smem:$0x3FC4]  }
0x95: {  	s7 =	sld [smem:$0x3FBE]  }
0x96: {  	s8 =	sld [smem:$0x3FBD]  }
0x97: {  	s9 =	sld [smem:$0x3FBC]  }
0x98: {  	s10 =	sld [smem:$0x3FBB]  }
0x99: {  	s11 =	sld [smem:$0x3FD0];
	(tm) =	ssettm $0x1  }
0x9a: {  	s12 =	sld [smem:$0x3FFB];
	_ =	sdelay $0x3  }
0x9b: {  	_ =	strace s12  }
0x9c: {  	s12 =	sld [smem:$0x3FFC];
	_ =	sdelay $0x3  }
0x9d: {  	_ =	strace s12  }
0x9e: {  	s12 =	sld [smem:$0x3FFD];
	_ =	sdelay $0x3  }
0x9f: {  	_ =	strace s12  }
0xa0: {  	_ =	strace $0x8FFFFFFF  }
0xa1: {  	s19 =	sld [smem:$0x3FDB];
	_ =	sdelay $0x1  }
0xa2: {  	s13 =	simm.s32 $_scs_section_size  }
0xa3: {  	s14 =	simm.s32 $_size__tile_overlayer_lowered;
	s15 =	simm.s32 $_tile_overlayer_lowered  }
0xa4: {  	s22 =	simm.s32 $0x1BFF;
	s21 =	sshll.u32 s15, $0x1;
	s12 =	sadd.s32 s13, s19  }
0xa5: {  	s16 =	simm.s32 $0x0;
	s20 =	sshll.u32 s14, $0x1;
	s14 =	sadd.s32 s21, s12  }
0xa6: {  	[timem:s16], [sflag:s22] =	dma.local [hbm:s14], s20  }
0xa7: {  	_ =	swait.ge [sflag:s22], s20  }
0xa8: {  	s13 =	ssub.s32 $0x0, s20;
	[sflag:s22] =	ssyncset.done $0x0  }
0xa9: {  	[sflag:s22] =	ssyncadd.s32 s13;
	_ =	sdelay $0x1  }
0xaa: {  	s23 =	simm.s32 $0x1B8B  }
0xab: {  	_ =	swait.ge [sflag:s23], $0x1  }
0xac: {  	[sflag:s23] =	ssyncset.done $0x0  }
0xad: {  	s25 =	simm.s32 $0x1B8E;
	s24 =	sld [smem:$0x3FFE];
	[sflag:s23] =	ssyncadd.s32 $0xFFFFFFFF  }
0xae: {  	s26 =	simm.s32 $execute0_lowered;
	[smem:$0x3FD2] =	sst s25  }
0xaf: {  	s14 =	sshll.u32 s26, $0x1;
	_ =	strace $0x80000046;
	[dreg:$0x1] =	wrdreg $0xFFFFFFFF  }
0xb0: {  	s28 =	simm.s32 $_size_execute0_lowered;
	s12 =	sadd.s32 s12, s14;
	[dreg:$0x0] =	wrdreg $0x0  }
0xb1: {  	s14 =	sshll.u32 s28, $0x1;
	[dreg:$0x2] =	wrdreg s12  }
0xb2: {  	[dreg:$0x3] =	wrdreg s14  }
0xb3: {  	[dreg:$0x4] =	wrdreg $0xC0  }
0xb4: {  	_ =	task [dreg:s16], $0x5FFFF  }
0xb5: {  	[dreg:$0x1] =	wrdreg $0xFFFFFFFF  }
0xb6: {  	[dreg:$0x0] =	wrdreg $0x60  }
0xb7: {  	[dreg:$0x2] =	wrdreg s7  }
0xb8: {  	[dreg:$0x3] =	wrdreg s8  }
0xb9: {  	[dreg:$0x4] =	wrdreg s9  }
0xba: {  	[dreg:$0x5] =	wrdreg s10  }
0xbb: {  	[dreg:$0x6] =	wrdreg s2  }
0xbc: {  	[dreg:$0x7] =	wrdreg s18  }
0xbd: {  	[dreg:$0x8] =	wrdreg s4  }
0xbe: {  	[dreg:$0x9] =	wrdreg s5  }
0xbf: {  	[dreg:$0xa] =	wrdreg s6  }
0xc0: {  	[dreg:$0xb] =	wrdreg s11  }
0xc1: {  	[dreg:$0xc] =	wrdreg s24  }
0xc2: {  	[dreg:$0xd] =	wrdreg $0x9  }
0xc3: {  	_ =	task.clear_ibuf [dreg:s16], $0xEFFFF;
	_ =	strace $0x90000046  }
0xc4: {  	s29 =	simm.s32 $0x9;
	_ =	strace $0x80000048  }
0xc5: {  	_ =	swait.ge [sflag:s29], $0x1  }
0xc6: {  	[sflag:s29] =	ssyncadd.s32 $0xFFFFFFFF  }
0xc7: {  	_ =	strace $0x90000048  }
0xc8: {  	_ =	sfence  }
0xc9: {  	s30 =	sld [smem:$0x0];
	_ =	sdelay $0x2  }
0xca: {  	s31 =	sshll.u32 s1, $0xD;
	s1 =	sshrl.u32 s1, $0x2  }
0xcb: {  	s3 =	sand.u32 $0x4000, s31;
	s1 =	sadd.s32 s1, s30  }
0xcc: {  	s0 =	sor.u32 s3, s0;
	s1 =	sshll.u32 s1, $0x11  }
0xcd: {  	s0 =	sor.u32 s1, s0  }
0xce: {  	s0 =	sadd.s32 $0x8F2B, s0  }
0xcf: {  	[sflag:s0] =	ssyncadd.remote.s32 $0x1  }
0xd0: {  	_ =	sfence.sel $0xFFFF  }
0xd1: {  	[dreg:$0x0] =	wrdreg $0xFFFFFFFF;
	(pc) =	sbr.abs _section_cstart, $3  }
0xd2: {  	[dreg:$0x1] =	wrdreg $0xFFFFFFFF  }
0xd3: {  	_ =	task.clear_ibuf [dreg:s16], $0x2FFFF;
	_ =	strace $0x9FFFFFFF  }
0xd4: {  	(tm) =	ssettm $0x7FFFFFFF  }
0xd5: {  	_ =	shalt  }
tec
execute0_lowered:
.L_overlay_start_1:
0x0: {  	(tag) =	ssettag $0x1  }
0x1: {  	s0 =	rddreg [dreg:$0x0]  }
0x2: {  	s4 =	rddreg [dreg:$0x1]  }
0x3: {  	s2 =	rddreg [dreg:$0x2]  }
0x4: {  	s23 =	rddreg [dreg:$0x3]  }
0x5: {  	s5 =	rddreg [dreg:$0x4]  }
0x6: {  	s8 =	rddreg [dreg:$0x5]  }
0x7: {  	s13 =	rddreg [dreg:$0x6]  }
0x8: {  	s18 =	rddreg [dreg:$0x7]  }
0x9: {  	s20 =	rddreg [dreg:$0x8]  }
0xa: {  	s6 =	srdreg.scid;
	s7 =	rddreg [dreg:$0x9]  }
0xb: {  	s1 =	stileid.u32;
	s10 =	rddreg [dreg:$0xa]  }
0xc: {  	s28 =	simm.s32 $0x80;
	s29 =	simm.s32 $0x880;
	s30 =	simm.s32 $0x1080  }
0xd: {  	s31 =	simm.s32 $0x1880;
	s9 =	sand.u32 $0x1, s6;
	s11 =	sshll.u32 s1, $0x4  }
0xe: {  	s6 =	simm.s32 $0x0;
	s19 =	sadd.s32 $0x100, s0;
	s22 =	sadd.s32 $0x200, s0  }
0xf: {  	s26 =	sadd.s32 $0x300, s0;
	s3 =	smov.u32 s4;
	s14 =	sadd.s32 $0x100, s2  }
0x10: {  	s15 =	sadd.s32 $0x200, s2;
	s16 =	sadd.s32 $0x300, s2;
	[smem:$0x7FF] =	sst s6  }
0x11: {  	s1 =	smov.u32 s23;
	_ =	strace $0x80000047;
	[dreg:$0xd] =	wrdreg s19  }
0x12: {  	s12 =	sshll.u32 s9, $0x3;
	s9 =	ssub.s32 $0x2, s9;
	[dreg:$0xe] =	wrdreg s22  }
0x13: {  	s11 =	sor.u32 s12, s11;
	s25 =	sshrl.u32 s9, $0x1;
	[dreg:$0xf] =	wrdreg s26  }
0x14: {  	s22 =	sadd.s32 $0x200, s23;
	s26 =	simm.s32 $0x2;
	s21 =	sshrl.u32 s11, $0x3  }
0x15: {  	s11 =	sshll.u32 s11, $0x7;
	s25 =	ssub.s32 s9, s25;
	s9 =	sadd.s32 $0x100, s4  }
0x16: {  	s5 =	sadd.s32 s5, s21;
	s24 =	sadd.s32 s11, s10;
	s7 =	sadd.s32 s7, s11  }
0x17: {  	s8 =	sadd.s32 s8, s21;
	s10 =	sadd.s32 $0x200, s4;
	s11 =	sadd.s32 $0x300, s4  }
0x18: {  	s13 =	sadd.s32 s13, s21;
	s18 =	sadd.s32 s18, s21;
	s20 =	sadd.s32 s20, s21  }
0x19: {  	v0 =	vlaneseq.u32;
	s21 =	sadd.s32 $0x100, s23;
	s23 =	sadd.s32 $0x300, s23;
	s25 =	smax.u32 s25, $0x1  }
0x1a: {  	v1 =	vshrl.u32 v0, $0x3;
	[dreg:$0xc] =	wrdreg s5;
	s12 =	sadd.s32 $0x2400, s24;
	s17 =	sadd.s32 $0xA400, s24  }
0x1b: {  	vm0 =	vmmov $0xffff;
	v0 =	vand.u32 $0x7, v0;
	v1 =	vmul.u32 $0x8, v1;
	s19 =	sadd.s32 $0x12400, s24;
	s24 =	sadd.s32 $0x1A400, s24;
	s5 =	simm.s32 $0x1  }
.LBB2_1:
0x1c: {  	s4 =	rddreg [dreg:$0xc]  }
0x1d: {  	[tilespmem:s6], [sflag:$0x2] =	stream.linear.gather [hbm4b:s4+s6], $0x8, $0x38;
	[tilespmem:$0x2080] =	vst v63  }
0x1e: {  	_ =	swait.ge [sflag:s26], $0x8  }
0x1f: {  	[sflag:s26] =	ssyncset.done $0x0  }
0x20: {  	[sflag:s26] =	ssyncadd.s32 $0xFFFFFFF8  }
0x21: {  	v2 =	vld.msk [tilespmem:$0x0], $0xff;
	_ =	sdelay $0x4  }
0x22: {  	v3 =	vshll.u32 v2, $0x3  }
0x23: {  	v2 =	vand.u32 $0x7, v2;
	v3 =	vand.u32 $0xFFFFFFC0, v3  }
0x24: {  	v2 =	vor.u32 v2, v3  }
0x25: {  	v2 =	vperm.xlane v2, v0;
	_ =	sdelay $0x1  }
0x26: {  	v2 =	vadd.s32 v1, v2;
	_ =	sdelay $0x3  }
0x27: {  	s0 =	rddreg [dreg:$0x0]  }
0x28: {  	[tilespmem:s28], [sflag:$0x1] =	stream.indirect_vreg.gather [hbm4b:s0+s6], $0x80, v2, vm0, $0xb8;
	[tilespmem:$0x2080] =	vst v63  }
0x29: {  	s4 =	rddreg [dreg:$0xd]  }
0x2a: {  	[tilespmem:s29], [sflag:$0x1] =	stream.indirect_vreg.gather [hbm4b:s4+s6], $0x80, v2, vm0, $0xb8;
	[tilespmem:$0x2080] =	vst v63  }
0x2b: {  	s0 =	rddreg [dreg:$0xe]  }
0x2c: {  	[tilespmem:s30], [sflag:$0x1] =	stream.indirect_vreg.gather [hbm4b:s0+s6], $0x80, v2, vm0, $0xb8;
	[tilespmem:$0x2080] =	vst v63  }
0x2d: {  	s4 =	rddreg [dreg:$0xf]  }
0x2e: {  	[tilespmem:s31], [sflag:$0x1] =	stream.indirect_vreg.gather [hbm4b:s4+s6], $0x80, v2, vm0, $0xb8;
	[tilespmem:$0x2080] =	vst v63  }
0x2f: {  	_ =	swait.ge [sflag:s5], $0x2000  }
0x30: {  	[sflag:s5] =	ssyncset.done $0x0  }
0x31: {  	[sflag:s5] =	ssyncadd.s32 $0xFFFFE000  }
0x32: {  	[hbm4b:s7+s6] =	stream.linear.scatter [tilespmem:s28], [sflag:$0x2], $0x2000, $0x38;
	[tilespmem:$0x2080] =	vst v63  }
0x33: {  	_ =	swait.ge [sflag:s26], $0x2000  }
0x34: {  	[sflag:s26] =	ssyncset.done $0x0  }
0x35: {  	[sflag:s26] =	ssyncadd.s32 $0xFFFFE000  }
0x36: {  	[tilespmem:s6], [sflag:$0x2] =	stream.linear.gather [hbm4b:s8+s6], $0x8, $0x38;
	[tilespmem:$0x2080] =	vst v63  }
0x37: {  	_ =	swait.ge [sflag:s26], $0x8  }
0x38: {  	[sflag:s26] =	ssyncset.done $0x0  }
0x39: {  	[sflag:s26] =	ssyncadd.s32 $0xFFFFFFF8  }
0x3a: {  	v2 =	vld.msk [tilespmem:$0x0], $0xff;
	_ =	sdelay $0x4  }
0x3b: {  	v3 =	vshll.u32 v2, $0x3  }
0x3c: {  	v2 =	vand.u32 $0x7, v2;
	v3 =	vand.u32 $0xFFFFFFC0, v3  }
0x3d: {  	v2 =	vor.u32 v2, v3  }
0x3e: {  	v2 =	vperm.xlane v2, v0;
	_ =	sdelay $0x1  }
0x3f: {  	v2 =	vadd.s32 v1, v2;
	_ =	sdelay $0x4  }
0x40: {  	[tilespmem:s28], [sflag:$0x1] =	stream.indirect_vreg.gather [hbm4b:s3+s6], $0x80, v2, vm0, $0xb8;
	[tilespmem:$0x2080] =	vst v63  }
0x41: {  	_ = 	snop  }
0x42: {  	[tilespmem:s29], [sflag:$0x1] =	stream.indirect_vreg.gather [hbm4b:s9+s6], $0x80, v2, vm0, $0xb8;
	[tilespmem:$0x2080] =	vst v63  }
0x43: {  	_ = 	snop  }
0x44: {  	[tilespmem:s30], [sflag:$0x1] =	stream.indirect_vreg.gather [hbm4b:s10+s6], $0x80, v2, vm0, $0xb8;
	[tilespmem:$0x2080] =	vst v63  }
0x45: {  	_ = 	snop  }
0x46: {  	[tilespmem:s31], [sflag:$0x1] =	stream.indirect_vreg.gather [hbm4b:s11+s6], $0x80, v2, vm0, $0xb8;
	[tilespmem:$0x2080] =	vst v63  }
0x47: {  	_ =	swait.ge [sflag:s5], $0x2000  }
0x48: {  	[sflag:s5] =	ssyncset.done $0x0  }
0x49: {  	[sflag:s5] =	ssyncadd.s32 $0xFFFFE000  }
0x4a: {  	[hbm4b:s12+s6] =	stream.linear.scatter [tilespmem:s28], [sflag:$0x2], $0x2000, $0x38;
	[tilespmem:$0x2080] =	vst v63  }
0x4b: {  	_ =	swait.ge [sflag:s26], $0x2000  }
0x4c: {  	[sflag:s26] =	ssyncset.done $0x0  }
0x4d: {  	[sflag:s26] =	ssyncadd.s32 $0xFFFFE000  }
0x4e: {  	[tilespmem:s6], [sflag:$0x2] =	stream.linear.gather [hbm4b:s13+s6], $0x8, $0x38;
	[tilespmem:$0x2080] =	vst v63  }
0x4f: {  	_ =	swait.ge [sflag:s26], $0x8  }
0x50: {  	[sflag:s26] =	ssyncset.done $0x0  }
0x51: {  	[sflag:s26] =	ssyncadd.s32 $0xFFFFFFF8  }
0x52: {  	v2 =	vld.msk [tilespmem:$0x0], $0xff;
	_ =	sdelay $0x4  }
0x53: {  	v3 =	vshll.u32 v2, $0x3  }
0x54: {  	v2 =	vand.u32 $0x7, v2;
	v3 =	vand.u32 $0xFFFFFFC0, v3  }
0x55: {  	v2 =	vor.u32 v2, v3  }
0x56: {  	v2 =	vperm.xlane v2, v0;
	_ =	sdelay $0x1  }
0x57: {  	v2 =	vadd.s32 v1, v2;
	_ =	sdelay $0x4  }
0x58: {  	[tilespmem:s28], [sflag:$0x1] =	stream.indirect_vreg.gather [hbm4b:s2+s6], $0x80, v2, vm0, $0xb8;
	[tilespmem:$0x2080] =	vst v63  }
0x59: {  	_ = 	snop  }
0x5a: {  	[tilespmem:s29], [sflag:$0x1] =	stream.indirect_vreg.gather [hbm4b:s14+s6], $0x80, v2, vm0, $0xb8;
	[tilespmem:$0x2080] =	vst v63  }
0x5b: {  	_ = 	snop  }
0x5c: {  	[tilespmem:s30], [sflag:$0x1] =	stream.indirect_vreg.gather [hbm4b:s15+s6], $0x80, v2, vm0, $0xb8;
	[tilespmem:$0x2080] =	vst v63  }
0x5d: {  	_ = 	snop  }
0x5e: {  	[tilespmem:s31], [sflag:$0x1] =	stream.indirect_vreg.gather [hbm4b:s16+s6], $0x80, v2, vm0, $0xb8;
	[tilespmem:$0x2080] =	vst v63  }
0x5f: {  	_ =	swait.ge [sflag:s5], $0x2000  }
0x60: {  	[sflag:s5] =	ssyncset.done $0x0  }
0x61: {  	[sflag:s5] =	ssyncadd.s32 $0xFFFFE000  }
0x62: {  	[hbm4b:s17+s6] =	stream.linear.scatter [tilespmem:s28], [sflag:$0x2], $0x2000, $0x38;
	[tilespmem:$0x2080] =	vst v63  }
0x63: {  	_ =	swait.ge [sflag:s26], $0x2000  }
0x64: {  	[sflag:s26] =	ssyncset.done $0x0  }
0x65: {  	[sflag:s26] =	ssyncadd.s32 $0xFFFFE000  }
0x66: {  	[tilespmem:s6], [sflag:$0x2] =	stream.linear.gather [hbm4b:s18+s6], $0x8, $0x38;
	[tilespmem:$0x2080] =	vst v63  }
0x67: {  	_ =	swait.ge [sflag:s26], $0x8  }
0x68: {  	[sflag:s26] =	ssyncset.done $0x0  }
0x69: {  	[sflag:s26] =	ssyncadd.s32 $0xFFFFFFF8  }
0x6a: {  	v2 =	vld.msk [tilespmem:$0x0], $0xff;
	_ =	sdelay $0x4  }
0x6b: {  	v3 =	vshll.u32 v2, $0x3  }
0x6c: {  	v2 =	vand.u32 $0x7, v2;
	v3 =	vand.u32 $0xFFFFFFC0, v3  }
0x6d: {  	v2 =	vor.u32 v2, v3  }
0x6e: {  	v2 =	vperm.xlane v2, v0;
	_ =	sdelay $0x1  }
0x6f: {  	v2 =	vadd.s32 v1, v2;
	_ =	sdelay $0x4  }
0x70: {  	[tilespmem:s28], [sflag:$0x1] =	stream.indirect_vreg.gather [hbm4b:s2+s6], $0x80, v2, vm0, $0xb8;
	[tilespmem:$0x2080] =	vst v63  }
0x71: {  	_ = 	snop  }
0x72: {  	[tilespmem:s29], [sflag:$0x1] =	stream.indirect_vreg.gather [hbm4b:s14+s6], $0x80, v2, vm0, $0xb8;
	[tilespmem:$0x2080] =	vst v63  }
0x73: {  	_ = 	snop  }
0x74: {  	[tilespmem:s30], [sflag:$0x1] =	stream.indirect_vreg.gather [hbm4b:s15+s6], $0x80, v2, vm0, $0xb8;
	[tilespmem:$0x2080] =	vst v63  }
0x75: {  	_ = 	snop  }
0x76: {  	[tilespmem:s31], [sflag:$0x1] =	stream.indirect_vreg.gather [hbm4b:s16+s6], $0x80, v2, vm0, $0xb8;
	[tilespmem:$0x2080] =	vst v63  }
0x77: {  	_ =	swait.ge [sflag:s5], $0x2000  }
0x78: {  	[sflag:s5] =	ssyncset.done $0x0  }
0x79: {  	[sflag:s5] =	ssyncadd.s32 $0xFFFFE000  }
0x7a: {  	[hbm4b:s19+s6] =	stream.linear.scatter [tilespmem:s28], [sflag:$0x2], $0x2000, $0x38;
	[tilespmem:$0x2080] =	vst v63  }
0x7b: {  	_ =	swait.ge [sflag:s26], $0x2000  }
0x7c: {  	[sflag:s26] =	ssyncset.done $0x0  }
0x7d: {  	[sflag:s26] =	ssyncadd.s32 $0xFFFFE000  }
0x7e: {  	[tilespmem:s6], [sflag:$0x2] =	stream.linear.gather [hbm4b:s20+s6], $0x8, $0x38;
	[tilespmem:$0x2080] =	vst v63  }
0x7f: {  	_ =	swait.ge [sflag:s26], $0x8  }
0x80: {  	[sflag:s26] =	ssyncset.done $0x0  }
0x81: {  	[sflag:s26] =	ssyncadd.s32 $0xFFFFFFF8  }
0x82: {  	v2 =	vld.msk [tilespmem:$0x0], $0xff;
	_ =	sdelay $0x4  }
0x83: {  	v3 =	vshll.u32 v2, $0x3  }
0x84: {  	v2 =	vand.u32 $0x7, v2;
	v3 =	vand.u32 $0xFFFFFFC0, v3  }
0x85: {  	v2 =	vor.u32 v2, v3  }
0x86: {  	v2 =	vperm.xlane v2, v0;
	_ =	sdelay $0x1  }
0x87: {  	v2 =	vadd.s32 v1, v2;
	_ =	sdelay $0x4  }
0x88: {  	[tilespmem:s28], [sflag:$0x1] =	stream.indirect_vreg.gather [hbm4b:s1+s6], $0x80, v2, vm0, $0xb8;
	[tilespmem:$0x2080] =	vst v63  }
0x89: {  	_ = 	snop  }
0x8a: {  	[tilespmem:s29], [sflag:$0x1] =	stream.indirect_vreg.gather [hbm4b:s21+s6], $0x80, v2, vm0, $0xb8;
	[tilespmem:$0x2080] =	vst v63  }
0x8b: {  	_ = 	snop  }
0x8c: {  	[tilespmem:s30], [sflag:$0x1] =	stream.indirect_vreg.gather [hbm4b:s22+s6], $0x80, v2, vm0, $0xb8;
	[tilespmem:$0x2080] =	vst v63  }
0x8d: {  	_ = 	snop  }
0x8e: {  	[tilespmem:s31], [sflag:$0x1] =	stream.indirect_vreg.gather [hbm4b:s23+s6], $0x80, v2, vm0, $0xb8;
	[tilespmem:$0x2080] =	vst v63  }
0x8f: {  	_ =	swait.ge [sflag:s5], $0x2000  }
0x90: {  	p0 =	sne.s32 s25, $0x1;
	[sflag:s5] =	ssyncset.done $0x0  }
.Ltmp0:
0x91: {  	[sflag:s5] =	ssyncadd.s32 $0xFFFFE000;
	(pc) =	sbr.rel @p0 .LBB2_1-.Ltmp0, $4  }
0x92: {  	[hbm4b:s24+s6] =	stream.linear.scatter [tilespmem:s28], [sflag:$0x2], $0x2000, $0x38;
	[tilespmem:$0x2080] =	vst v63  }
0x93: {  	_ =	swait.ge [sflag:s26], $0x2000  }
0x94: {  	[sflag:s26] =	ssyncset.done $0x0  }
0x95: {  	s25 =	sadd.s32 $0xFFFFFFFF, s25;
	[sflag:s26] =	ssyncadd.s32 $0xFFFFE000  }
0x96: {  	_ =	sfence.sel $0x180000  }
0x97: {  	[bflag:$0x0] =	sbarrier.arrive $0xFFFF  }
0x98: {  	_ =	strace $0x90000047  }
0x99: {  	s0 =	stileid.u32;
	[bflag:$0x2] =	sbarrier.arrive $0xFFFF  }
0x9a: {  	p0 =	sne.s32 s0, $0x0;
	s0 =	rddreg [dreg:$0xb]  }
0x9b: {  	s0 =	sadd.s32 @!p0 $0x100000, s0  }
0x9c: {  	[sflag:s0] =	ssyncadd.tile.s32 @!p0 $0x1;
	_ =	shalt  }
.Lfunc_end2:
_tile_overlayer_lowered:
.L_overlay_start_2:
0x9d: {  	(tag) =	ssettag $0x2  }
0x9e: {  	s0 =	rddreg [dreg:$0x0];
	s2 =	stileid.u32  }
0x9f: {  	s1 =	rddreg [dreg:$0x1];
	p0 =	sne.s32 s2, $0x0  }
0xa0: {  	s3 =	rddreg [dreg:$0x2];
	[bflag:$0x3] =	sbarrier.arrive $0xFFFF;
	s2 =	simm.s32 @!p0 $0x1C02  }
0xa1: {  	[timem:s3], [sflag:s2] =	dma.local @!p0 [hbm:s0], s1  }
0xa2: {  	s0 =	simm.s32 @!p0 $0x2  }
0xa3: {  	_ =	swait.ge @!p0 [sflag:s0], s1  }
0xa4: {  	s1 =	ssub.s32 @!p0 $0x0, s1;
	[sflag:s0] =	ssyncset.done @!p0 $0x0  }
0xa5: {  	[sflag:s0] =	ssyncadd.s32 @!p0 s1  }
0xa6: {  	[bflag:$0x3] =	sbarrier.arrive $0xFFFF  }
0xa7: {  	_ =	shalt  }

</sc_bundles>
